<compile_context>
chip_gen: v7x
topology: tpu7x:2x2x1
jax: 0.10.2.dev20260603
libtpu: 0.0.44.dev20260713+nightly
codegen_flags: <defaults>
</compile_context>

<pallas_src>
import functools

import jax
import jax.numpy as jnp
from jax import lax
from jax.experimental import pallas as pl
from jax.experimental.pallas import tpu as pltpu
from jax.experimental.pallas import tpu_sc as plsc

N = 10000
E = 320000
C = 128
HW = 80
DEG = 48
BN_EPS = 1e-5
LANES = 16
NC, NS = 2, 16
CH = 160
NCHUNK = E // CH
MAXCH = NCHUNK // NS
NB = 3
QO = 1
SO = 2
RQ = N // NS
BM = 512


def _tc_tables_common(x, w1_ref, b1_ref, pp_ref, qq_ref):
    w1 = w1_ref[...]
    wa = w1[:, :C]
    wb = w1[:, C:]
    dn = (((1,), (1,)), ((), ()))
    q = lax.dot_general(x, wb, dn, precision=lax.Precision.HIGHEST,
                        preferred_element_type=jnp.float32)
    p = lax.dot_general(x, wa - wb, dn, precision=lax.Precision.HIGHEST,
                        preferred_element_type=jnp.float32)
    p = p + b1_ref[...]
    bm = x.shape[0]
    iot = lax.broadcasted_iota(jnp.int32, (bm, 2 * HW - C), 1)
    deg_col = jnp.where(iot == 0, 1.0, 0.0).astype(jnp.float32)
    zpad = jnp.zeros((bm, 2 * HW - C), jnp.float32)
    pp_ref[0] = p[:, :HW]
    pp_ref[1] = jnp.concatenate([p[:, HW:], deg_col], axis=1)
    qq_ref[0] = q[:, :HW]
    qq_ref[1] = jnp.concatenate([q[:, HW:], zpad], axis=1)


def _tc_tables_body(x_ref, w1_ref, b1_ref, pp_ref, qq_ref):
    _tc_tables_common(x_ref[...], w1_ref, b1_ref, pp_ref, qq_ref)


def _tc_tables(x, w1, b1):
    grid = (pl.cdiv(N, BM),)
    pp, qq = pl.pallas_call(
        _tc_tables_body,
        grid=grid,
        in_specs=[
            pl.BlockSpec((BM, C), lambda i: (i, 0)),
            pl.BlockSpec((C, 2 * C), lambda i: (0, 0)),
            pl.BlockSpec((1, C), lambda i: (0, 0)),
        ],
        out_specs=[
            pl.BlockSpec((NC, BM, HW), lambda i: (0, i, 0)),
            pl.BlockSpec((NC, BM, HW), lambda i: (0, i, 0)),
        ],
        out_shape=[
            jax.ShapeDtypeStruct((NC, N, HW), jnp.float32),
            jax.ShapeDtypeStruct((NC, N, HW), jnp.float32),
        ],
    )(x, w1, b1.reshape(1, C))
    return pp, qq


def _tc_finalize_body(sp_ref, g_ref, beta_ref, w2_ref, b2_ref, o_ref, *, relu_norm):
    sb = sp_ref[...]
    s_lo = sb[0]
    s_hi = sb[1]
    s128 = jnp.concatenate([s_lo, s_hi[:, :C - HW]], axis=1)
    deg = s_hi[:, DEG:DEG + 1]
    sv = s128 * (g_ref[...] * (1.0 / jnp.sqrt(1.0 + BN_EPS)))
    dn = (((1,), (1,)), ((), ()))
    h = lax.dot_general(sv, w2_ref[...], dn, precision=lax.Precision.HIGHEST,
                        preferred_element_type=jnp.float32)
    cvec = lax.dot_general(beta_ref[...], w2_ref[...], dn,
                           precision=lax.Precision.HIGHEST,
                           preferred_element_type=jnp.float32)
    h = h + deg * (cvec + b2_ref[...])
    if relu_norm:
        h = jnp.maximum(h, 0.0)
        nrm = jnp.sqrt(jnp.sum(h * h, axis=1, keepdims=True))
        h = h / jnp.maximum(nrm, 1e-12)
    o_ref[...] = h


def _tc_finalize(sp, g, beta, w2, b2, relu_norm):
    grid = (pl.cdiv(N, BM),)
    return pl.pallas_call(
        functools.partial(_tc_finalize_body, relu_norm=relu_norm),
        grid=grid,
        in_specs=[
            pl.BlockSpec((NC, BM, HW), lambda i: (0, i, 0)),
            pl.BlockSpec((1, C), lambda i: (0, 0)),
            pl.BlockSpec((1, C), lambda i: (0, 0)),
            pl.BlockSpec((C, C), lambda i: (0, 0)),
            pl.BlockSpec((1, C), lambda i: (0, 0)),
        ],
        out_specs=pl.BlockSpec((BM, C), lambda i: (i, 0)),
        out_shape=jax.ShapeDtypeStruct((N, C), jnp.float32),
    )(sp, g.reshape(1, C), beta.reshape(1, C), w2, b2.reshape(1, C))


def _tc_fin_tab_body(sp_ref, g_ref, beta_ref, w2_ref, b2_ref,
                     w1_ref, b1_ref, pp_ref, qq_ref):
    sb = sp_ref[...]
    s128 = jnp.concatenate([sb[0], sb[1][:, :C - HW]], axis=1)
    deg = sb[1][:, DEG:DEG + 1]
    sv = s128 * (g_ref[...] * (1.0 / jnp.sqrt(1.0 + BN_EPS)))
    dn = (((1,), (1,)), ((), ()))
    h = lax.dot_general(sv, w2_ref[...], dn, precision=lax.Precision.HIGHEST,
                        preferred_element_type=jnp.float32)
    cvec = lax.dot_general(beta_ref[...], w2_ref[...], dn,
                           precision=lax.Precision.HIGHEST,
                           preferred_element_type=jnp.float32)
    h = h + deg * (cvec + b2_ref[...])
    h = jnp.maximum(h, 0.0)
    nrm = jnp.sqrt(jnp.sum(h * h, axis=1, keepdims=True))
    h = h / jnp.maximum(nrm, 1e-12)
    _tc_tables_common(h, w1_ref, b1_ref, pp_ref, qq_ref)


def _tc_fin_tab(sp, g, beta, w2, b2, w1, b1):
    grid = (pl.cdiv(N, BM),)
    return pl.pallas_call(
        _tc_fin_tab_body,
        grid=grid,
        in_specs=[
            pl.BlockSpec((NC, BM, HW), lambda i: (0, i, 0)),
            pl.BlockSpec((1, C), lambda i: (0, 0)),
            pl.BlockSpec((1, C), lambda i: (0, 0)),
            pl.BlockSpec((C, C), lambda i: (0, 0)),
            pl.BlockSpec((1, C), lambda i: (0, 0)),
            pl.BlockSpec((C, 2 * C), lambda i: (0, 0)),
            pl.BlockSpec((1, C), lambda i: (0, 0)),
        ],
        out_specs=[
            pl.BlockSpec((NC, BM, HW), lambda i: (0, i, 0)),
            pl.BlockSpec((NC, BM, HW), lambda i: (0, i, 0)),
        ],
        out_shape=[
            jax.ShapeDtypeStruct((NC, N, HW), jnp.float32),
            jax.ShapeDtypeStruct((NC, N, HW), jnp.float32),
        ],
    )(sp, g.reshape(1, C), beta.reshape(1, C), w2, b2.reshape(1, C),
      w1, b1.reshape(1, C))


def _sc_edge_body(src_hbm, dst_hbm, pp_hbm, qq_hbm, out_hbm,
                  src_v, dst_v, bufs, ssum, sems):
    c = lax.axis_index("c")
    s = lax.axis_index("s")
    pp_c = pp_hbm.at[c]
    qq_c = qq_hbm.at[c]

    def zrow(r, _):
        for k in range(HW // LANES):
            bufs[0, r, pl.ds(k * LANES, LANES)] = jnp.zeros((LANES,), jnp.float32)
        return 0
    lax.fori_loop(0, CH, zrow, 0)
    row0 = s * RQ
    for t in range(RQ // CH):
        pltpu.sync_copy(bufs.at[0], ssum.at[pl.ds(row0 + t * CH, CH)])
    pltpu.sync_copy(bufs.at[0, pl.ds(0, RQ % CH)],
                    ssum.at[pl.ds(row0 + (RQ // CH) * CH, RQ % CH)])
    plsc.subcore_barrier()

    lo = s * MAXCH
    pltpu.sync_copy(src_hbm.at[pl.ds(lo, MAXCH)], src_v)
    pltpu.sync_copy(dst_hbm.at[pl.ds(lo, MAXCH)], dst_v)

    def wait_sem(b):
        pltpu.make_async_copy(pp_c.at[dst_v.at[0, 0]], bufs.at[b],
                              sems.at[b]).wait()

    def step(t, _):
        b_p = lax.rem(t, NB)
        b_q = lax.rem(t + NB - QO, NB)
        b_s = lax.rem(t + NB - SO, NB)

        @pl.when(jnp.logical_and(t >= NB, t < MAXCH))
        def _():
            wait_sem(b_p)

        @pl.when(t < MAXCH)
        def _():
            pltpu.async_copy(pp_c.at[dst_v.at[t, 0]], bufs.at[b_p],
                             sems.at[b_p])

        @pl.when(jnp.logical_and(t >= QO, t < MAXCH + QO))
        def _():
            wait_sem(b_q)
            pltpu.async_copy(qq_c.at[src_v.at[t - QO, 0]], bufs.at[b_q],
                             sems.at[b_q], add=True)

        @pl.when(t >= SO)
        def _():
            wait_sem(b_s)

            def _relu_rows(r, _):
                vals = []
                for j in range(4):
                    rr = r * 4 + j
                    for k in range(HW // LANES):
                        sl = pl.ds(k * LANES, LANES)
                        vals.append((rr, sl, jnp.maximum(bufs[b_s, rr, sl], 0.0)))
                for rr, sl, v in vals:
                    bufs[b_s, rr, sl] = v
                return 0
            lax.fori_loop(0, CH // 4, _relu_rows, 0)
            pltpu.async_copy(bufs.at[b_s], ssum.at[dst_v.at[t - SO, 0]],
                             sems.at[b_s], add=True)
        return 0
    lax.fori_loop(0, MAXCH + SO, step, 0)
    for b in range(NB):
        wait_sem(b)
    plsc.subcore_barrier()

    for t in range(RQ // CH):
        r0 = row0 + t * CH
        pltpu.sync_copy(ssum.at[pl.ds(r0, CH)], out_hbm.at[c, pl.ds(r0, CH)])
    r0 = row0 + (RQ // CH) * CH
    pltpu.sync_copy(ssum.at[pl.ds(r0, RQ % CH)],
                    out_hbm.at[c, pl.ds(r0, RQ % CH)])


_sc_edge_pass = pl.kernel(
    _sc_edge_body,
    out_type=jax.ShapeDtypeStruct((NC, N, HW), jnp.float32),
    mesh=plsc.VectorSubcoreMesh(core_axis_name="c", subcore_axis_name="s"),
    scratch_types=[
        pltpu.VMEM((MAXCH, 1, CH), jnp.int32),
        pltpu.VMEM((MAXCH, 1, CH), jnp.int32),
        pltpu.VMEM((NB, CH, HW), jnp.float32),
        pltpu.VMEM_SHARED((N, HW), jnp.float32),
        pltpu.SemaphoreType.DMA((NB,)),
    ],
    compiler_params=pltpu.CompilerParams(use_tc_tiling_on_sc=False),
)


def kernel(x, edge_index, edge_feature, W1_0, b1_0, g_0, beta_0, W2_0, b2_0,
           W1_1, b1_1, g_1, beta_1, W2_1, b2_1):
    src = edge_index[0].reshape(NCHUNK, 1, CH)
    dst = edge_index[1].reshape(NCHUNK, 1, CH)

    pp0, qq0 = _tc_tables(x, W1_0, b1_0)
    sp0 = _sc_edge_pass(src, dst, pp0, qq0)
    pp1, qq1 = _tc_fin_tab(sp0, g_0, beta_0, W2_0, b2_0, W1_1, b1_1)
    sp1 = _sc_edge_pass(src, dst, pp1, qq1)
    return _tc_finalize(sp1, g_1, beta_1, W2_1, b2_1, False)

# --- scband reference (transcript-rebuilt; emitter-appended) ---
"""Pipeline reference for scband-edge-conv-encoder-85873576117019 (READ-ONLY COPY).

The authoritative reference and input builder live on the scoring server;
editing this copy changes nothing except your own understanding.
"""

import jax, jax.numpy as jnp
import numpy as np

N = 10000
E = 320000
C = 128
BN_EPS = 1e-5


def setup_inputs(seed: int = 0) -> dict:
    key = jax.random.key(seed)
    ks = jax.random.split(key, 20)
    inp = {}
    inp["x"] = jax.random.normal(ks[0], (N, C), dtype=jnp.float32)
    # int32 used so module runs without jax x64 mode; values in [0, N)
    inp["edge_index"] = jax.random.randint(ks[1], (2, E), 0, N, dtype=jnp.int32)
    inp["edge_feature"] = jax.random.normal(ks[2], (E, 4), dtype=jnp.float32)
    # Layer 0 MLP: Linear(2C->C), ReLU, BatchNorm1d(C), Linear(C->C)
    inp["W1_0"] = jax.random.normal(ks[3], (C, 2 * C), dtype=jnp.float32) * 0.05
    inp["b1_0"] = jnp.zeros((C,), dtype=jnp.float32)
    inp["g_0"] = jnp.ones((C,), dtype=jnp.float32)
    inp["beta_0"] = jnp.zeros((C,), dtype=jnp.float32)
    inp["W2_0"] = jax.random.normal(ks[4], (C, C), dtype=jnp.float32) * 0.05
    inp["b2_0"] = jnp.zeros((C,), dtype=jnp.float32)
    # Layer 1 MLP
    inp["W1_1"] = jax.random.normal(ks[5], (C, 2 * C), dtype=jnp.float32) * 0.05
    inp["b1_1"] = jnp.zeros((C,), dtype=jnp.float32)
    inp["g_1"] = jnp.ones((C,), dtype=jnp.float32)
    inp["beta_1"] = jnp.zeros((C,), dtype=jnp.float32)
    inp["W2_1"] = jax.random.normal(ks[6], (C, C), dtype=jnp.float32) * 0.05
    inp["b2_1"] = jnp.zeros((C,), dtype=jnp.float32)
    return inp


def _edge_conv(x, src, dst, W1, b1, g, beta, W2, b2):
    # PyG EdgeConv, aggr='add': out_i = sum_{j in N(i)} mlp([x_i, x_j - x_i])
    x_i = x[dst]
    x_j = x[src]
    m = jnp.concatenate([x_i, x_j - x_i], axis=-1)
    h = m @ W1.T + b1
    h = jax.nn.relu(h)
    # BatchNorm1d in eval mode at init: running_mean=0, running_var=1
    h = (h / jnp.sqrt(1.0 + BN_EPS)) * g + beta
    h = h @ W2.T + b2
    return jnp.zeros((x.shape[0], W2.shape[0]), dtype=h.dtype).at[dst].add(h)


def reference(x, edge_index, edge_feature, W1_0, b1_0, g_0, beta_0, W2_0, b2_0, W1_1, b1_1, g_1, beta_1, W2_1, b2_1):
    src = edge_index[0]
    dst = edge_index[1]
    # layer 0: EdgeConv -> relu -> F.normalize(dim=-1) -> dropout (identity in eval)
    h = _edge_conv(x, src, dst, W1_0, b1_0, g_0, beta_0, W2_0, b2_0)
    h = jax.nn.relu(h)
    norm = jnp.maximum(jnp.linalg.norm(h, axis=-1, keepdims=True), 1e-12)
    h = h / norm
    # layer 1 (last): EdgeConv only
    out = _edge_conv(h, src, dst, W1_1, b1_1, g_1, beta_1, W2_1, b2_1)
    return out

if __name__ == "__main__":
    import jax
    _d = setup_inputs()
    print(jax.jit(kernel)(*tuple(_d.values())))

</pallas_src>

<mosaic_0001>
#map = affine_map<(d0, d1) -> (0, 0, 0)>
module attributes {stable_mosaic.version = 14 : i64} {
  func.func @_sc_edge_body(%arg0: i32, %arg1: i32, %arg2: memref<2000x1x160xi32, #tpu.memory_space<hbm>>, %arg3: memref<2000x1x160xi32, #tpu.memory_space<hbm>>, %arg4: memref<2x10000x80xf32, #tpu.memory_space<hbm>>, %arg5: memref<2x10000x80xf32, #tpu.memory_space<hbm>>, %arg6: memref<2x10000x80xf32, #tpu.memory_space<hbm>>, %arg7: memref<125x1x160xi32, #tpu.memory_space<vmem>>, %arg8: memref<125x1x160xi32, #tpu.memory_space<vmem>>, %arg9: memref<3x160x80xf32, #tpu.memory_space<vmem>>, %arg10: memref<10000x80xf32, #tpu.memory_space<vmem_shared>>, %arg11: memref<3x!tpu.dma_semaphore, #tpu.memory_space<semaphore_mem>>) attributes {dimension_semantics = [#tpu.dimension_semantics<core_parallel>, #tpu.dimension_semantics<subcore_parallel>], iteration_bounds = array<i64: 2, 16>, scalar_prefetch = 0 : i64, scratch_operands = 5 : i64, tpu.core_type = #tpu.core_type<sc_vector_subcore>, window_params = [{transform_indices = #map}, {transform_indices = #map}, {transform_indices = #map}, {transform_indices = #map}, {transform_indices = #map}]} {
    %scan3A = arith.constant 0 : i32
    %scan3A_0 = arith.constant 0 : i32
    %scan3A_1 = arith.constant 160 : i32
    %scan3A_2 = arith.addi %scan3A_0, %scan3A_1 : i32
    %scan3A_3 = arith.constant 1 : i32
    %scan3A_4 = scf.for %scan3A_94 = %scan3A_0 to %scan3A_2 step %scan3A_3 iter_args(%scan3A_95 = %scan3A) -> (i32)  : i32 {
      %broadcast_in_dim3A = arith.constant 0.000000e+00 : f32
      %broadcast_in_dim3A_96 = vector.broadcast %broadcast_in_dim3A : f32 to vector<16xf32>
      %swap3A = arith.constant 0 : i32
      %swap3A_97 = arith.index_cast %swap3A : i32 to index
      %swap3A_98 = arith.index_cast %scan3A_94 : i32 to index
      %swap3A_99 = arith.constant 0 : index
      %swap3A_100 = tpu.vector_load %arg9[%swap3A_97, %swap3A_98, %swap3A_99] {strides = array<i32>} : memref<3x160x80xf32, #tpu.memory_space<vmem>>, vector<1x1x16xf32>,
      %swap3A_101 = vector.shape_cast %swap3A_100 : vector<1x1x16xf32> to vector<16xf32>
      %swap3A_102 = vector.shape_cast %broadcast_in_dim3A_96 : vector<16xf32> to vector<1x1x16xf32>
      tpu.vector_store %arg9[%swap3A_97, %swap3A_98, %swap3A_99], %swap3A_102 {strides = array<i32>} : memref<3x160x80xf32, #tpu.memory_space<vmem>>, vector<1x1x16xf32>,
      %broadcast_in_dim3A_103 = arith.constant 0.000000e+00 : f32
      %broadcast_in_dim3A_104 = vector.broadcast %broadcast_in_dim3A_103 : f32 to vector<16xf32>
      %swap3A_105 = arith.constant 0 : i32
      %swap3A_106 = arith.index_cast %swap3A_105 : i32 to index
      %swap3A_107 = arith.index_cast %scan3A_94 : i32 to index
      %swap3A_108 = arith.constant 16 : index
      %swap3A_109 = tpu.vector_load %arg9[%swap3A_106, %swap3A_107, %swap3A_108] {strides = array<i32>} : memref<3x160x80xf32, #tpu.memory_space<vmem>>, vector<1x1x16xf32>,
      %swap3A_110 = vector.shape_cast %swap3A_109 : vector<1x1x16xf32> to vector<16xf32>
      %swap3A_111 = vector.shape_cast %broadcast_in_dim3A_104 : vector<16xf32> to vector<1x1x16xf32>
      tpu.vector_store %arg9[%swap3A_106, %swap3A_107, %swap3A_108], %swap3A_111 {strides = array<i32>} : memref<3x160x80xf32, #tpu.memory_space<vmem>>, vector<1x1x16xf32>,
      %broadcast_in_dim3A_112 = arith.constant 0.000000e+00 : f32
      %broadcast_in_dim3A_113 = vector.broadcast %broadcast_in_dim3A_112 : f32 to vector<16xf32>
      %swap3A_114 = arith.constant 0 : i32
      %swap3A_115 = arith.index_cast %swap3A_114 : i32 to index
      %swap3A_116 = arith.index_cast %scan3A_94 : i32 to index
      %swap3A_117 = arith.constant 32 : index
      %swap3A_118 = tpu.vector_load %arg9[%swap3A_115, %swap3A_116, %swap3A_117] {strides = array<i32>} : memref<3x160x80xf32, #tpu.memory_space<vmem>>, vector<1x1x16xf32>,
      %swap3A_119 = vector.shape_cast %swap3A_118 : vector<1x1x16xf32> to vector<16xf32>
      %swap3A_120 = vector.shape_cast %broadcast_in_dim3A_113 : vector<16xf32> to vector<1x1x16xf32>
      tpu.vector_store %arg9[%swap3A_115, %swap3A_116, %swap3A_117], %swap3A_120 {strides = array<i32>} : memref<3x160x80xf32, #tpu.memory_space<vmem>>, vector<1x1x16xf32>,
      %broadcast_in_dim3A_121 = arith.constant 0.000000e+00 : f32
      %broadcast_in_dim3A_122 = vector.broadcast %broadcast_in_dim3A_121 : f32 to vector<16xf32>
      %swap3A_123 = arith.constant 0 : i32
      %swap3A_124 = arith.index_cast %swap3A_123 : i32 to index
      %swap3A_125 = arith.index_cast %scan3A_94 : i32 to index
      %swap3A_126 = arith.constant 48 : index
      %swap3A_127 = tpu.vector_load %arg9[%swap3A_124, %swap3A_125, %swap3A_126] {strides = array<i32>} : memref<3x160x80xf32, #tpu.memory_space<vmem>>, vector<1x1x16xf32>,
      %swap3A_128 = vector.shape_cast %swap3A_127 : vector<1x1x16xf32> to vector<16xf32>
      %swap3A_129 = vector.shape_cast %broadcast_in_dim3A_122 : vector<16xf32> to vector<1x1x16xf32>
      tpu.vector_store %arg9[%swap3A_124, %swap3A_125, %swap3A_126], %swap3A_129 {strides = array<i32>} : memref<3x160x80xf32, #tpu.memory_space<vmem>>, vector<1x1x16xf32>,
      %broadcast_in_dim3A_130 = arith.constant 0.000000e+00 : f32
      %broadcast_in_dim3A_131 = vector.broadcast %broadcast_in_dim3A_130 : f32 to vector<16xf32>
      %swap3A_132 = arith.constant 0 : i32
      %swap3A_133 = arith.index_cast %swap3A_132 : i32 to index
      %swap3A_134 = arith.index_cast %scan3A_94 : i32 to index
      %swap3A_135 = arith.constant 64 : index
      %swap3A_136 = tpu.vector_load %arg9[%swap3A_133, %swap3A_134, %swap3A_135] {strides = array<i32>} : memref<3x160x80xf32, #tpu.memory_space<vmem>>, vector<1x1x16xf32>,
      %swap3A_137 = vector.shape_cast %swap3A_136 : vector<1x1x16xf32> to vector<16xf32>
      %swap3A_138 = vector.shape_cast %broadcast_in_dim3A_131 : vector<16xf32> to vector<1x1x16xf32>
      tpu.vector_store %arg9[%swap3A_133, %swap3A_134, %swap3A_135], %swap3A_138 {strides = array<i32>} : memref<3x160x80xf32, #tpu.memory_space<vmem>>, vector<1x1x16xf32>,
      %scan3A_139 = arith.constant 0 : i32
      scf.yield %scan3A_139 : i32
    }
    %scan3A_5 = arith.constant 160 : i32
    %mul3A = arith.constant 625 : i32
    %mul3A_6 = arith.muli %arg1, %mul3A : i32
    %add3A = arith.constant 0 : i32
    %add3A_7 = arith.addi %mul3A_6, %add3A : i32
    %run_scoped3A = arith.constant 0 : i32
    "tpu.region"() ({
      %run_scoped3A_94 = tpu.sem_alloc : memref<!tpu.dma_semaphore, #tpu.memory_space<semaphore_mem>>
      %dma_start3A = arith.constant 0 : i32
      %dma_start3A_95 = arith.constant 0 : i32
      %dma_start3A_96 = tpu.memref_slice %arg9[%run_scoped3A, %dma_start3A, %dma_start3A_95] : memref<3x160x80xf32, #tpu.memory_space<vmem>> -> memref<1x160x80xf32, #tpu.memory_space<vmem>>
      %dma_start3A_97 = tpu.memref_squeeze %dma_start3A_96 : memref<1x160x80xf32, #tpu.memory_space<vmem>> -> memref<160x80xf32, #tpu.memory_space<vmem>>
      %dma_start3A_98 = arith.constant 0 : i32
      %dma_start3A_99 = tpu.memref_slice %arg10[%add3A_7, %dma_start3A_98] : memref<10000x80xf32, #tpu.memory_space<vmem_shared>> -> memref<160x80xf32, #tpu.memory_space<vmem_shared>>
      %dma_start3A_100 = arith.constant 0 : i32
      %dma_start3A_101 = tpu.memref_slice %arg10[%add3A_7, %dma_start3A_100] : memref<10000x80xf32, #tpu.memory_space<vmem_shared>> -> memref<160x80xf32, #tpu.memory_space<vmem_shared>>
      %dma_start3A_102 = arith.constant 0 : i32
      %dma_start3A_103 = arith.constant 0 : i32
      %dma_start3A_104 = tpu.memref_slice %arg9[%run_scoped3A, %dma_start3A_102, %dma_start3A_103] : memref<3x160x80xf32, #tpu.memory_space<vmem>> -> memref<1x160x80xf32, #tpu.memory_space<vmem>>
      %dma_start3A_105 = tpu.memref_squeeze %dma_start3A_104 : memref<1x160x80xf32, #tpu.memory_space<vmem>> -> memref<160x80xf32, #tpu.memory_space<vmem>>
      tpu.enqueue_dma source(%dma_start3A_105 : memref<160x80xf32, #tpu.memory_space<vmem>>) target(%dma_start3A_101 : memref<160x80xf32, #tpu.memory_space<vmem_shared>>) target_semaphore(%run_scoped3A_94 : memref<!tpu.dma_semaphore, #tpu.memory_space<semaphore_mem>>)
      %dma_wait3A_106 = arith.constant 0 : i32
      %dma_wait3A_107 = arith.constant 0 : i32
      %dma_wait3A_108 = tpu.memref_slice %arg9[%run_scoped3A, %dma_wait3A_106, %dma_wait3A_107] : memref<3x160x80xf32, #tpu.memory_space<vmem>> -> memref<1x160x80xf32, #tpu.memory_space<vmem>>
      %dma_wait3A_109 = tpu.memref_squeeze %dma_wait3A_108 : memref<1x160x80xf32, #tpu.memory_space<vmem>> -> memref<160x80xf32, #tpu.memory_space<vmem>>
      %dma_wait3A_110 = arith.constant 0 : i32
      %dma_wait3A_111 = tpu.memref_slice %arg10[%add3A_7, %dma_wait3A_110] : memref<10000x80xf32, #tpu.memory_space<vmem_shared>> -> memref<160x80xf32, #tpu.memory_space<vmem_shared>>
      %dma_wait3A_112 = arith.constant 0 : i32
      %dma_wait3A_113 = tpu.memref_slice %arg10[%add3A_7, %dma_wait3A_112] : memref<10000x80xf32, #tpu.memory_space<vmem_shared>> -> memref<160x80xf32, #tpu.memory_space<vmem_shared>>
      %dma_wait3A_114 = arith.constant 0 : i32
      %dma_wait3A_115 = arith.constant 0 : i32
      %dma_wait3A_116 = tpu.memref_slice %arg9[%run_scoped3A, %dma_wait3A_114, %dma_wait3A_115] : memref<3x160x80xf32, #tpu.memory_space<vmem>> -> memref<1x160x80xf32, #tpu.memory_space<vmem>>
      %dma_wait3A_117 = tpu.memref_squeeze %dma_wait3A_116 : memref<1x160x80xf32, #tpu.memory_space<vmem>> -> memref<160x80xf32, #tpu.memory_space<vmem>>
      tpu.wait_dma2 semaphore(%run_scoped3A_94 : memref<!tpu.dma_semaphore, #tpu.memory_space<semaphore_mem>>) src(%dma_wait3A_117 : memref<160x80xf32, #tpu.memory_space<vmem>>) dst(%dma_wait3A_113 : memref<160x80xf32, #tpu.memory_space<vmem_shared>>)
      tpu.yield
    }) : () -> ()
    %add3A_8 = arith.constant 160 : i32
    %add3A_9 = arith.addi %mul3A_6, %add3A_8 : i32
    %run_scoped3A_10 = arith.constant 0 : i32
    "tpu.region"() ({
      %run_scoped3A_94 = tpu.sem_alloc : memref<!tpu.dma_semaphore, #tpu.memory_space<semaphore_mem>>
      %dma_start3A = arith.constant 0 : i32
      %dma_start3A_95 = arith.constant 0 : i32
      %dma_start3A_96 = tpu.memref_slice %arg9[%run_scoped3A_10, %dma_start3A, %dma_start3A_95] : memref<3x160x80xf32, #tpu.memory_space<vmem>> -> memref<1x160x80xf32, #tpu.memory_space<vmem>>
      %dma_start3A_97 = tpu.memref_squeeze %dma_start3A_96 : memref<1x160x80xf32, #tpu.memory_space<vmem>> -> memref<160x80xf32, #tpu.memory_space<vmem>>
      %dma_start3A_98 = arith.constant 0 : i32
      %dma_start3A_99 = tpu.memref_slice %arg10[%add3A_9, %dma_start3A_98] : memref<10000x80xf32, #tpu.memory_space<vmem_shared>> -> memref<160x80xf32, #tpu.memory_space<vmem_shared>>
      %dma_start3A_100 = arith.constant 0 : i32
      %dma_start3A_101 = tpu.memref_slice %arg10[%add3A_9, %dma_start3A_100] : memref<10000x80xf32, #tpu.memory_space<vmem_shared>> -> memref<160x80xf32, #tpu.memory_space<vmem_shared>>
      %dma_start3A_102 = arith.constant 0 : i32
      %dma_start3A_103 = arith.constant 0 : i32
      %dma_start3A_104 = tpu.memref_slice %arg9[%run_scoped3A_10, %dma_start3A_102, %dma_start3A_103] : memref<3x160x80xf32, #tpu.memory_space<vmem>> -> memref<1x160x80xf32, #tpu.memory_space<vmem>>
      %dma_start3A_105 = tpu.memref_squeeze %dma_start3A_104 : memref<1x160x80xf32, #tpu.memory_space<vmem>> -> memref<160x80xf32, #tpu.memory_space<vmem>>
      tpu.enqueue_dma source(%dma_start3A_105 : memref<160x80xf32, #tpu.memory_space<vmem>>) target(%dma_start3A_101 : memref<160x80xf32, #tpu.memory_space<vmem_shared>>) target_semaphore(%run_scoped3A_94 : memref<!tpu.dma_semaphore, #tpu.memory_space<semaphore_mem>>)
      %dma_wait3A_106 = arith.constant 0 : i32
      %dma_wait3A_107 = arith.constant 0 : i32
      %dma_wait3A_108 = tpu.memref_slice %arg9[%run_scoped3A_10, %dma_wait3A_106, %dma_wait3A_107] : memref<3x160x80xf32, #tpu.memory_space<vmem>> -> memref<1x160x80xf32, #tpu.memory_space<vmem>>
      %dma_wait3A_109 = tpu.memref_squeeze %dma_wait3A_108 : memref<1x160x80xf32, #tpu.memory_space<vmem>> -> memref<160x80xf32, #tpu.memory_space<vmem>>
      %dma_wait3A_110 = arith.constant 0 : i32
      %dma_wait3A_111 = tpu.memref_slice %arg10[%add3A_9, %dma_wait3A_110] : memref<10000x80xf32, #tpu.memory_space<vmem_shared>> -> memref<160x80xf32, #tpu.memory_space<vmem_shared>>
      %dma_wait3A_112 = arith.constant 0 : i32
      %dma_wait3A_113 = tpu.memref_slice %arg10[%add3A_9, %dma_wait3A_112] : memref<10000x80xf32, #tpu.memory_space<vmem_shared>> -> memref<160x80xf32, #tpu.memory_space<vmem_shared>>
      %dma_wait3A_114 = arith.constant 0 : i32
      %dma_wait3A_115 = arith.constant 0 : i32
      %dma_wait3A_116 = tpu.memref_slice %arg9[%run_scoped3A_10, %dma_wait3A_114, %dma_wait3A_115] : memref<3x160x80xf32, #tpu.memory_space<vmem>> -> memref<1x160x80xf32, #tpu.memory_space<vmem>>
      %dma_wait3A_117 = tpu.memref_squeeze %dma_wait3A_116 : memref<1x160x80xf32, #tpu.memory_space<vmem>> -> memref<160x80xf32, #tpu.memory_space<vmem>>
      tpu.wait_dma2 semaphore(%run_scoped3A_94 : memref<!tpu.dma_semaphore, #tpu.memory_space<semaphore_mem>>) src(%dma_wait3A_117 : memref<160x80xf32, #tpu.memory_space<vmem>>) dst(%dma_wait3A_113 : memref<160x80xf32, #tpu.memory_space<vmem_shared>>)
      tpu.yield
    }) : () -> ()
    %add3A_11 = arith.constant 320 : i32
    %add3A_12 = arith.addi %mul3A_6, %add3A_11 : i32
    %run_scoped3A_13 = arith.constant 0 : i32
    "tpu.region"() ({
      %run_scoped3A_94 = tpu.sem_alloc : memref<!tpu.dma_semaphore, #tpu.memory_space<semaphore_mem>>
      %dma_start3A = arith.constant 0 : i32
      %dma_start3A_95 = arith.constant 0 : i32
      %dma_start3A_96 = tpu.memref_slice %arg9[%run_scoped3A_13, %dma_start3A, %dma_start3A_95] : memref<3x160x80xf32, #tpu.memory_space<vmem>> -> memref<1x160x80xf32, #tpu.memory_space<vmem>>
      %dma_start3A_97 = tpu.memref_squeeze %dma_start3A_96 : memref<1x160x80xf32, #tpu.memory_space<vmem>> -> memref<160x80xf32, #tpu.memory_space<vmem>>
      %dma_start3A_98 = arith.constant 0 : i32
      %dma_start3A_99 = tpu.memref_slice %arg10[%add3A_12, %dma_start3A_98] : memref<10000x80xf32, #tpu.memory_space<vmem_shared>> -> memref<160x80xf32, #tpu.memory_space<vmem_shared>>
      %dma_start3A_100 = arith.constant 0 : i32
      %dma_start3A_101 = tpu.memref_slice %arg10[%add3A_12, %dma_start3A_100] : memref<10000x80xf32, #tpu.memory_space<vmem_shared>> -> memref<160x80xf32, #tpu.memory_space<vmem_shared>>
      %dma_start3A_102 = arith.constant 0 : i32
      %dma_start3A_103 = arith.constant 0 : i32
      %dma_start3A_104 = tpu.memref_slice %arg9[%run_scoped3A_13, %dma_start3A_102, %dma_start3A_103] : memref<3x160x80xf32, #tpu.memory_space<vmem>> -> memref<1x160x80xf32, #tpu.memory_space<vmem>>
      %dma_start3A_105 = tpu.memref_squeeze %dma_start3A_104 : memref<1x160x80xf32, #tpu.memory_space<vmem>> -> memref<160x80xf32, #tpu.memory_space<vmem>>
      tpu.enqueue_dma source(%dma_start3A_105 : memref<160x80xf32, #tpu.memory_space<vmem>>) target(%dma_start3A_101 : memref<160x80xf32, #tpu.memory_space<vmem_shared>>) target_semaphore(%run_scoped3A_94 : memref<!tpu.dma_semaphore, #tpu.memory_space<semaphore_mem>>)
      %dma_wait3A_106 = arith.constant 0 : i32
      %dma_wait3A_107 = arith.constant 0 : i32
      %dma_wait3A_108 = tpu.memref_slice %arg9[%run_scoped3A_13, %dma_wait3A_106, %dma_wait3A_107] : memref<3x160x80xf32, #tpu.memory_space<vmem>> -> memref<1x160x80xf32, #tpu.memory_space<vmem>>
      %dma_wait3A_109 = tpu.memref_squeeze %dma_wait3A_108 : memref<1x160x80xf32, #tpu.memory_space<vmem>> -> memref<160x80xf32, #tpu.memory_space<vmem>>
      %dma_wait3A_110 = arith.constant 0 : i32
      %dma_wait3A_111 = tpu.memref_slice %arg10[%add3A_12, %dma_wait3A_110] : memref<10000x80xf32, #tpu.memory_space<vmem_shared>> -> memref<160x80xf32, #tpu.memory_space<vmem_shared>>
      %dma_wait3A_112 = arith.constant 0 : i32
      %dma_wait3A_113 = tpu.memref_slice %arg10[%add3A_12, %dma_wait3A_112] : memref<10000x80xf32, #tpu.memory_space<vmem_shared>> -> memref<160x80xf32, #tpu.memory_space<vmem_shared>>
      %dma_wait3A_114 = arith.constant 0 : i32
      %dma_wait3A_115 = arith.constant 0 : i32
      %dma_wait3A_116 = tpu.memref_slice %arg9[%run_scoped3A_13, %dma_wait3A_114, %dma_wait3A_115] : memref<3x160x80xf32, #tpu.memory_space<vmem>> -> memref<1x160x80xf32, #tpu.memory_space<vmem>>
      %dma_wait3A_117 = tpu.memref_squeeze %dma_wait3A_116 : memref<1x160x80xf32, #tpu.memory_space<vmem>> -> memref<160x80xf32, #tpu.memory_space<vmem>>
      tpu.wait_dma2 semaphore(%run_scoped3A_94 : memref<!tpu.dma_semaphore, #tpu.memory_space<semaphore_mem>>) src(%dma_wait3A_117 : memref<160x80xf32, #tpu.memory_space<vmem>>) dst(%dma_wait3A_113 : memref<160x80xf32, #tpu.memory_space<vmem_shared>>)
      tpu.yield
    }) : () -> ()
    %add3A_14 = arith.constant 480 : i32
    %add3A_15 = arith.addi %mul3A_6, %add3A_14 : i32
    %run_scoped3A_16 = arith.constant 0 : i32
    "tpu.region"() ({
      %run_scoped3A_94 = tpu.sem_alloc : memref<!tpu.dma_semaphore, #tpu.memory_space<semaphore_mem>>
      %dma_start3A = arith.constant 0 : i32
      %dma_start3A_95 = arith.constant 0 : i32
      %dma_start3A_96 = tpu.memref_slice %arg9[%run_scoped3A_16, %dma_start3A, %dma_start3A_95] : memref<3x160x80xf32, #tpu.memory_space<vmem>> -> memref<1x145x80xf32, #tpu.memory_space<vmem>>
      %dma_start3A_97 = tpu.memref_squeeze %dma_start3A_96 : memref<1x145x80xf32, #tpu.memory_space<vmem>> -> memref<145x80xf32, #tpu.memory_space<vmem>>
      %dma_start3A_98 = arith.constant 0 : i32
      %dma_start3A_99 = tpu.memref_slice %arg10[%add3A_15, %dma_start3A_98] : memref<10000x80xf32, #tpu.memory_space<vmem_shared>> -> memref<145x80xf32, #tpu.memory_space<vmem_shared>>
      %dma_start3A_100 = arith.constant 0 : i32
      %dma_start3A_101 = tpu.memref_slice %arg10[%add3A_15, %dma_start3A_100] : memref<10000x80xf32, #tpu.memory_space<vmem_shared>> -> memref<145x80xf32, #tpu.memory_space<vmem_shared>>
      %dma_start3A_102 = arith.constant 0 : i32
      %dma_start3A_103 = arith.constant 0 : i32
      %dma_start3A_104 = tpu.memref_slice %arg9[%run_scoped3A_16, %dma_start3A_102, %dma_start3A_103] : memref<3x160x80xf32, #tpu.memory_space<vmem>> -> memref<1x145x80xf32, #tpu.memory_space<vmem>>
      %dma_start3A_105 = tpu.memref_squeeze %dma_start3A_104 : memref<1x145x80xf32, #tpu.memory_space<vmem>> -> memref<145x80xf32, #tpu.memory_space<vmem>>
      tpu.enqueue_dma source(%dma_start3A_105 : memref<145x80xf32, #tpu.memory_space<vmem>>) target(%dma_start3A_101 : memref<145x80xf32, #tpu.memory_space<vmem_shared>>) target_semaphore(%run_scoped3A_94 : memref<!tpu.dma_semaphore, #tpu.memory_space<semaphore_mem>>)
      %dma_wait3A_106 = arith.constant 0 : i32
      %dma_wait3A_107 = arith.constant 0 : i32
      %dma_wait3A_108 = tpu.memref_slice %arg9[%run_scoped3A_16, %dma_wait3A_106, %dma_wait3A_107] : memref<3x160x80xf32, #tpu.memory_space<vmem>> -> memref<1x145x80xf32, #tpu.memory_space<vmem>>
      %dma_wait3A_109 = tpu.memref_squeeze %dma_wait3A_108 : memref<1x145x80xf32, #tpu.memory_space<vmem>> -> memref<145x80xf32, #tpu.memory_space<vmem>>
      %dma_wait3A_110 = arith.constant 0 : i32
      %dma_wait3A_111 = tpu.memref_slice %arg10[%add3A_15, %dma_wait3A_110] : memref<10000x80xf32, #tpu.memory_space<vmem_shared>> -> memref<145x80xf32, #tpu.memory_space<vmem_shared>>
      %dma_wait3A_112 = arith.constant 0 : i32
      %dma_wait3A_113 = tpu.memref_slice %arg10[%add3A_15, %dma_wait3A_112] : memref<10000x80xf32, #tpu.memory_space<vmem_shared>> -> memref<145x80xf32, #tpu.memory_space<vmem_shared>>
      %dma_wait3A_114 = arith.constant 0 : i32
      %dma_wait3A_115 = arith.constant 0 : i32
      %dma_wait3A_116 = tpu.memref_slice %arg9[%run_scoped3A_16, %dma_wait3A_114, %dma_wait3A_115] : memref<3x160x80xf32, #tpu.memory_space<vmem>> -> memref<1x145x80xf32, #tpu.memory_space<vmem>>
      %dma_wait3A_117 = tpu.memref_squeeze %dma_wait3A_116 : memref<1x145x80xf32, #tpu.memory_space<vmem>> -> memref<145x80xf32, #tpu.memory_space<vmem>>
      tpu.wait_dma2 semaphore(%run_scoped3A_94 : memref<!tpu.dma_semaphore, #tpu.memory_space<semaphore_mem>>) src(%dma_wait3A_117 : memref<145x80xf32, #tpu.memory_space<vmem>>) dst(%dma_wait3A_113 : memref<145x80xf32, #tpu.memory_space<vmem_shared>>)
      tpu.yield
    }) : () -> ()
    %barrier3A = arith.constant 0 : index
    tpu.barrier barrier_id(%barrier3A)
    %mul3A_17 = arith.constant 125 : i32
    %mul3A_18 = arith.muli %arg1, %mul3A_17 : i32
    "tpu.region"() ({
      %run_scoped3A_94 = tpu.sem_alloc : memref<!tpu.dma_semaphore, #tpu.memory_space<semaphore_mem>>
      %dma_start3A = arith.constant 0 : i32
      %dma_start3A_95 = arith.constant 0 : i32
      %dma_start3A_96 = tpu.memref_slice %arg2[%mul3A_18, %dma_start3A, %dma_start3A_95] : memref<2000x1x160xi32, #tpu.memory_space<hbm>> -> memref<125x1x160xi32, #tpu.memory_space<hbm>>
      %dma_start3A_97 = arith.constant 0 : i32
      %dma_start3A_98 = arith.constant 0 : i32
      %dma_start3A_99 = tpu.memref_slice %arg2[%mul3A_18, %dma_start3A_97, %dma_start3A_98] : memref<2000x1x160xi32, #tpu.memory_space<hbm>> -> memref<125x1x160xi32, #tpu.memory_space<hbm>>
      tpu.enqueue_dma source(%dma_start3A_99 : memref<125x1x160xi32, #tpu.memory_space<hbm>>) target(%arg7 : memref<125x1x160xi32, #tpu.memory_space<vmem>>) target_semaphore(%run_scoped3A_94 : memref<!tpu.dma_semaphore, #tpu.memory_space<semaphore_mem>>)
      %dma_wait3A_100 = arith.constant 0 : i32
      %dma_wait3A_101 = arith.constant 0 : i32
      %dma_wait3A_102 = tpu.memref_slice %arg2[%mul3A_18, %dma_wait3A_100, %dma_wait3A_101] : memref<2000x1x160xi32, #tpu.memory_space<hbm>> -> memref<125x1x160xi32, #tpu.memory_space<hbm>>
      %dma_wait3A_103 = arith.constant 0 : i32
      %dma_wait3A_104 = arith.constant 0 : i32
      %dma_wait3A_105 = tpu.memref_slice %arg2[%mul3A_18, %dma_wait3A_103, %dma_wait3A_104] : memref<2000x1x160xi32, #tpu.memory_space<hbm>> -> memref<125x1x160xi32, #tpu.memory_space<hbm>>
      tpu.wait_dma2 semaphore(%run_scoped3A_94 : memref<!tpu.dma_semaphore, #tpu.memory_space<semaphore_mem>>) src(%dma_wait3A_105 : memref<125x1x160xi32, #tpu.memory_space<hbm>>) dst(%arg7 : memref<125x1x160xi32, #tpu.memory_space<vmem>>)
      tpu.yield
    }) : () -> ()
    "tpu.region"() ({
      %run_scoped3A_94 = tpu.sem_alloc : memref<!tpu.dma_semaphore, #tpu.memory_space<semaphore_mem>>
      %dma_start3A = arith.constant 0 : i32
      %dma_start3A_95 = arith.constant 0 : i32
      %dma_start3A_96 = tpu.memref_slice %arg3[%mul3A_18, %dma_start3A, %dma_start3A_95] : memref<2000x1x160xi32, #tpu.memory_space<hbm>> -> memref<125x1x160xi32, #tpu.memory_space<hbm>>
      %dma_start3A_97 = arith.constant 0 : i32
      %dma_start3A_98 = arith.constant 0 : i32
      %dma_start3A_99 = tpu.memref_slice %arg3[%mul3A_18, %dma_start3A_97, %dma_start3A_98] : memref<2000x1x160xi32, #tpu.memory_space<hbm>> -> memref<125x1x160xi32, #tpu.memory_space<hbm>>
      tpu.enqueue_dma source(%dma_start3A_99 : memref<125x1x160xi32, #tpu.memory_space<hbm>>) target(%arg8 : memref<125x1x160xi32, #tpu.memory_space<vmem>>) target_semaphore(%run_scoped3A_94 : memref<!tpu.dma_semaphore, #tpu.memory_space<semaphore_mem>>)
      %dma_wait3A_100 = arith.constant 0 : i32
      %dma_wait3A_101 = arith.constant 0 : i32
      %dma_wait3A_102 = tpu.memref_slice %arg3[%mul3A_18, %dma_wait3A_100, %dma_wait3A_101] : memref<2000x1x160xi32, #tpu.memory_space<hbm>> -> memref<125x1x160xi32, #tpu.memory_space<hbm>>
      %dma_wait3A_103 = arith.constant 0 : i32
      %dma_wait3A_104 = arith.constant 0 : i32
      %dma_wait3A_105 = tpu.memref_slice %arg3[%mul3A_18, %dma_wait3A_103, %dma_wait3A_104] : memref<2000x1x160xi32, #tpu.memory_space<hbm>> -> memref<125x1x160xi32, #tpu.memory_space<hbm>>
      tpu.wait_dma2 semaphore(%run_scoped3A_94 : memref<!tpu.dma_semaphore, #tpu.memory_space<semaphore_mem>>) src(%dma_wait3A_105 : memref<125x1x160xi32, #tpu.memory_space<hbm>>) dst(%arg8 : memref<125x1x160xi32, #tpu.memory_space<vmem>>)
      tpu.yield
    }) : () -> ()
    %scan3A_19 = arith.constant 0 : i32
    %scan3A_20 = arith.constant 0 : i32
    %scan3A_21 = arith.constant 127 : i32
    %scan3A_22 = arith.addi %scan3A_20, %scan3A_21 : i32
    %scan3A_23 = arith.constant 1 : i32
    %scan3A_24 = scf.for %scan3A_94 = %scan3A_20 to %scan3A_22 step %scan3A_23 iter_args(%scan3A_95 = %scan3A_19) -> (i32)  : i32 {
      %rem3A = arith.constant 3 : i32
      %rem3A_96 = arith.remsi %scan3A_94, %rem3A : i32
      %add3A_97 = arith.constant 3 : i32
      %add3A_98 = arith.addi %scan3A_94, %add3A_97 : i32
      %sub3A = arith.constant 1 : i32
      %sub3A_99 = arith.subi %add3A_98, %sub3A : i32
      %rem3A_100 = arith.constant 3 : i32
      %rem3A_101 = arith.remsi %sub3A_99, %rem3A_100 : i32
      %add3A_102 = arith.constant 3 : i32
      %add3A_103 = arith.addi %scan3A_94, %add3A_102 : i32
      %sub3A_104 = arith.constant 2 : i32
      %sub3A_105 = arith.subi %add3A_103, %sub3A_104 : i32
      %rem3A_106 = arith.constant 3 : i32
      %rem3A_107 = arith.remsi %sub3A_105, %rem3A_106 : i32
      %ge3A = arith.constant 3 : i32
      %ge3A_108 = arith.cmpi sge, %scan3A_94, %ge3A : i32
      %lt3A = arith.constant 125 : i32
      %lt3A_109 = arith.cmpi slt, %scan3A_94, %lt3A : i32
      %and3A = arith.andi %ge3A_108, %lt3A_109 : i1
      %convert_element_type3A = arith.extui %and3A : i1 to i32
      %cond3A = arith.constant 0 : i32
      %cond3A_110 = arith.cmpi ne, %convert_element_type3A, %cond3A : i32
      scf.if %cond3A_110 {
        %dma_wait3A_130 = arith.constant 0 : i32
        %dma_wait3A_131 = arith.constant 0 : i32
        %dma_wait3A_132 = arith.constant 0 : i32
        %dma_wait3A_133 = arith.constant 0 : i32
        %dma_wait3A_134 = tpu.memref_slice %arg9[%rem3A_96, %dma_wait3A_132, %dma_wait3A_133] : memref<3x160x80xf32, #tpu.memory_space<vmem>> -> memref<1x160x80xf32, #tpu.memory_space<vmem>>
        %dma_wait3A_135 = tpu.memref_squeeze %dma_wait3A_134 : memref<1x160x80xf32, #tpu.memory_space<vmem>> -> memref<160x80xf32, #tpu.memory_space<vmem>>
        %dma_wait3A_136 = arith.constant 0 : i32
        %dma_wait3A_137 = tpu.memref_slice %arg8[%dma_wait3A_130, %dma_wait3A_131, %dma_wait3A_136] : memref<125x1x160xi32, #tpu.memory_space<vmem>> -> memref<1x1x160xi32, #tpu.memory_space<vmem>>
        %dma_wait3A_138 = tpu.memref_squeeze %dma_wait3A_137 : memref<1x1x160xi32, #tpu.memory_space<vmem>> -> memref<160xi32, #tpu.memory_space<vmem>>
        %dma_wait3A_139 = arith.constant 0 : i32
        %dma_wait3A_140 = arith.constant 0 : i32
        %dma_wait3A_141 = tpu.memref_slice %arg4[%arg0, %dma_wait3A_139, %dma_wait3A_140] : memref<2x10000x80xf32, #tpu.memory_space<hbm>> -> memref<1x10000x80xf32, #tpu.memory_space<hbm>>
        %dma_wait3A_142 = tpu.memref_squeeze %dma_wait3A_141 : memref<1x10000x80xf32, #tpu.memory_space<hbm>> -> memref<10000x80xf32, #tpu.memory_space<hbm>>
        %dma_wait3A_143 = arith.constant 0 : i32
        %dma_wait3A_144 = arith.constant 0 : i32
        %dma_wait3A_145 = tpu.memref_slice %dma_wait3A_142[%dma_wait3A_143, %dma_wait3A_144] : memref<10000x80xf32, #tpu.memory_space<hbm>> -> memref<10000x80xf32, #tpu.memory_space<hbm>>
        %dma_wait3A_146 = tpu.memref_slice %arg11[%rem3A_96] : memref<3x!tpu.dma_semaphore, #tpu.memory_space<semaphore_mem>> -> memref<1x!tpu.dma_semaphore, #tpu.memory_space<semaphore_mem>>
        %dma_wait3A_147 = tpu.memref_squeeze %dma_wait3A_146 : memref<1x!tpu.dma_semaphore, #tpu.memory_space<semaphore_mem>> -> memref<!tpu.dma_semaphore, #tpu.memory_space<semaphore_mem>>
        tpu.wait_indirect_dma semaphore(%dma_wait3A_147 : memref<!tpu.dma_semaphore, #tpu.memory_space<semaphore_mem>>) src(%dma_wait3A_145 : memref<10000x80xf32, #tpu.memory_space<hbm>>) dst(%dma_wait3A_135 : memref<160x80xf32, #tpu.memory_space<vmem>>)
      } else {
      }
      %lt3A_111 = arith.constant 125 : i32
      %lt3A_112 = arith.cmpi slt, %scan3A_94, %lt3A_111 : i32
      %convert_element_type3A_113 = arith.extui %lt3A_112 : i1 to i32
      %cond3A_114 = arith.constant 0 : i32
      %cond3A_115 = arith.cmpi ne, %convert_element_type3A_113, %cond3A_114 : i32
      scf.if %cond3A_115 {
        %dma_start3A = arith.constant 0 : i32
        %dma_start3A_130 = arith.constant 0 : i32
        %dma_start3A_131 = arith.constant 0 : i32
        %dma_start3A_132 = tpu.memref_slice %arg9[%rem3A_96, %dma_start3A_130, %dma_start3A_131] : memref<3x160x80xf32, #tpu.memory_space<vmem>> -> memref<1x160x80xf32, #tpu.memory_space<vmem>>
        %dma_start3A_133 = tpu.memref_squeeze %dma_start3A_132 : memref<1x160x80xf32, #tpu.memory_space<vmem>> -> memref<160x80xf32, #tpu.memory_space<vmem>>
        %dma_start3A_134 = arith.constant 0 : i32
        %dma_start3A_135 = tpu.memref_slice %arg8[%scan3A_94, %dma_start3A, %dma_start3A_134] : memref<125x1x160xi32, #tpu.memory_space<vmem>> -> memref<1x1x160xi32, #tpu.memory_space<vmem>>
        %dma_start3A_136 = tpu.memref_squeeze %dma_start3A_135 : memref<1x1x160xi32, #tpu.memory_space<vmem>> -> memref<160xi32, #tpu.memory_space<vmem>>
        %dma_start3A_137 = arith.constant 0 : i32
        %dma_start3A_138 = arith.constant 0 : i32
        %dma_start3A_139 = tpu.memref_slice %arg4[%arg0, %dma_start3A_137, %dma_start3A_138] : memref<2x10000x80xf32, #tpu.memory_space<hbm>> -> memref<1x10000x80xf32, #tpu.memory_space<hbm>>
        %dma_start3A_140 = tpu.memref_squeeze %dma_start3A_139 : memref<1x10000x80xf32, #tpu.memory_space<hbm>> -> memref<10000x80xf32, #tpu.memory_space<hbm>>
        %dma_start3A_141 = arith.constant 0 : i32
        %dma_start3A_142 = arith.constant 0 : i32
        %dma_start3A_143 = tpu.memref_slice %dma_start3A_140[%dma_start3A_141, %dma_start3A_142] : memref<10000x80xf32, #tpu.memory_space<hbm>> -> memref<10000x80xf32, #tpu.memory_space<hbm>>
        %dma_start3A_144 = tpu.memref_slice %arg11[%rem3A_96] : memref<3x!tpu.dma_semaphore, #tpu.memory_space<semaphore_mem>> -> memref<1x!tpu.dma_semaphore, #tpu.memory_space<semaphore_mem>>
        %dma_start3A_145 = tpu.memref_squeeze %dma_start3A_144 : memref<1x!tpu.dma_semaphore, #tpu.memory_space<semaphore_mem>> -> memref<!tpu.dma_semaphore, #tpu.memory_space<semaphore_mem>>
        tpu.enqueue_indirect_dma source(%dma_start3A_143 : memref<10000x80xf32, #tpu.memory_space<hbm>>) target(%dma_start3A_133 : memref<160x80xf32, #tpu.memory_space<vmem>>) offsets(%dma_start3A_136 : memref<160xi32, #tpu.memory_space<vmem>>) semaphore(%dma_start3A_145 : memref<!tpu.dma_semaphore, #tpu.memory_space<semaphore_mem>>)
      } else {
      }
      %ge3A_116 = arith.constant 1 : i32
      %ge3A_117 = arith.cmpi sge, %scan3A_94, %ge3A_116 : i32
      %lt3A_118 = arith.constant 126 : i32
      %lt3A_119 = arith.cmpi slt, %scan3A_94, %lt3A_118 : i32
      %and3A_120 = arith.andi %ge3A_117, %lt3A_119 : i1
      %convert_element_type3A_121 = arith.extui %and3A_120 : i1 to i32
      %cond3A_122 = arith.constant 0 : i32
      %cond3A_123 = arith.cmpi ne, %convert_element_type3A_121, %cond3A_122 : i32
      scf.if %cond3A_123 {
        %dma_wait3A_130 = arith.constant 0 : i32
        %dma_wait3A_131 = arith.constant 0 : i32
        %dma_wait3A_132 = arith.constant 0 : i32
        %dma_wait3A_133 = arith.constant 0 : i32
        %dma_wait3A_134 = tpu.memref_slice %arg9[%rem3A_101, %dma_wait3A_132, %dma_wait3A_133] : memref<3x160x80xf32, #tpu.memory_space<vmem>> -> memref<1x160x80xf32, #tpu.memory_space<vmem>>
        %dma_wait3A_135 = tpu.memref_squeeze %dma_wait3A_134 : memref<1x160x80xf32, #tpu.memory_space<vmem>> -> memref<160x80xf32, #tpu.memory_space<vmem>>
        %dma_wait3A_136 = arith.constant 0 : i32
        %dma_wait3A_137 = tpu.memref_slice %arg8[%dma_wait3A_130, %dma_wait3A_131, %dma_wait3A_136] : memref<125x1x160xi32, #tpu.memory_space<vmem>> -> memref<1x1x160xi32, #tpu.memory_space<vmem>>
        %dma_wait3A_138 = tpu.memref_squeeze %dma_wait3A_137 : memref<1x1x160xi32, #tpu.memory_space<vmem>> -> memref<160xi32, #tpu.memory_space<vmem>>
        %dma_wait3A_139 = arith.constant 0 : i32
        %dma_wait3A_140 = arith.constant 0 : i32
        %dma_wait3A_141 = tpu.memref_slice %arg4[%arg0, %dma_wait3A_139, %dma_wait3A_140] : memref<2x10000x80xf32, #tpu.memory_space<hbm>> -> memref<1x10000x80xf32, #tpu.memory_space<hbm>>
        %dma_wait3A_142 = tpu.memref_squeeze %dma_wait3A_141 : memref<1x10000x80xf32, #tpu.memory_space<hbm>> -> memref<10000x80xf32, #tpu.memory_space<hbm>>
        %dma_wait3A_143 = arith.constant 0 : i32
        %dma_wait3A_144 = arith.constant 0 : i32
        %dma_wait3A_145 = tpu.memref_slice %dma_wait3A_142[%dma_wait3A_143, %dma_wait3A_144] : memref<10000x80xf32, #tpu.memory_space<hbm>> -> memref<10000x80xf32, #tpu.memory_space<hbm>>
        %dma_wait3A_146 = tpu.memref_slice %arg11[%rem3A_101] : memref<3x!tpu.dma_semaphore, #tpu.memory_space<semaphore_mem>> -> memref<1x!tpu.dma_semaphore, #tpu.memory_space<semaphore_mem>>
        %dma_wait3A_147 = tpu.memref_squeeze %dma_wait3A_146 : memref<1x!tpu.dma_semaphore, #tpu.memory_space<semaphore_mem>> -> memref<!tpu.dma_semaphore, #tpu.memory_space<semaphore_mem>>
        tpu.wait_indirect_dma semaphore(%dma_wait3A_147 : memref<!tpu.dma_semaphore, #tpu.memory_space<semaphore_mem>>) src(%dma_wait3A_145 : memref<10000x80xf32, #tpu.memory_space<hbm>>) dst(%dma_wait3A_135 : memref<160x80xf32, #tpu.memory_space<vmem>>)
        %sub3A_148 = arith.constant 1 : i32
        %sub3A_149 = arith.subi %scan3A_94, %sub3A_148 : i32
        %dma_start3A = arith.constant 0 : i32
        %dma_start3A_150 = arith.constant 0 : i32
        %dma_start3A_151 = arith.constant 0 : i32
        %dma_start3A_152 = tpu.memref_slice %arg9[%rem3A_101, %dma_start3A_150, %dma_start3A_151] : memref<3x160x80xf32, #tpu.memory_space<vmem>> -> memref<1x160x80xf32, #tpu.memory_space<vmem>>
        %dma_start3A_153 = tpu.memref_squeeze %dma_start3A_152 : memref<1x160x80xf32, #tpu.memory_space<vmem>> -> memref<160x80xf32, #tpu.memory_space<vmem>>
        %dma_start3A_154 = arith.constant 0 : i32
        %dma_start3A_155 = tpu.memref_slice %arg7[%sub3A_149, %dma_start3A, %dma_start3A_154] : memref<125x1x160xi32, #tpu.memory_space<vmem>> -> memref<1x1x160xi32, #tpu.memory_space<vmem>>
        %dma_start3A_156 = tpu.memref_squeeze %dma_start3A_155 : memref<1x1x160xi32, #tpu.memory_space<vmem>> -> memref<160xi32, #tpu.memory_space<vmem>>
        %dma_start3A_157 = arith.constant 0 : i32
        %dma_start3A_158 = arith.constant 0 : i32
        %dma_start3A_159 = tpu.memref_slice %arg5[%arg0, %dma_start3A_157, %dma_start3A_158] : memref<2x10000x80xf32, #tpu.memory_space<hbm>> -> memref<1x10000x80xf32, #tpu.memory_space<hbm>>
        %dma_start3A_160 = tpu.memref_squeeze %dma_start3A_159 : memref<1x10000x80xf32, #tpu.memory_space<hbm>> -> memref<10000x80xf32, #tpu.memory_space<hbm>>
        %dma_start3A_161 = arith.constant 0 : i32
        %dma_start3A_162 = arith.constant 0 : i32
        %dma_start3A_163 = tpu.memref_slice %dma_start3A_160[%dma_start3A_161, %dma_start3A_162] : memref<10000x80xf32, #tpu.memory_space<hbm>> -> memref<10000x80xf32, #tpu.memory_space<hbm>>
        %dma_start3A_164 = tpu.memref_slice %arg11[%rem3A_101] : memref<3x!tpu.dma_semaphore, #tpu.memory_space<semaphore_mem>> -> memref<1x!tpu.dma_semaphore, #tpu.memory_space<semaphore_mem>>
        %dma_start3A_165 = tpu.memref_squeeze %dma_start3A_164 : memref<1x!tpu.dma_semaphore, #tpu.memory_space<semaphore_mem>> -> memref<!tpu.dma_semaphore, #tpu.memory_space<semaphore_mem>>
        tpu.enqueue_indirect_dma source(%dma_start3A_163 : memref<10000x80xf32, #tpu.memory_space<hbm>>) target(%dma_start3A_153 : memref<160x80xf32, #tpu.memory_space<vmem>>) offsets(%dma_start3A_156 : memref<160xi32, #tpu.memory_space<vmem>>) semaphore(%dma_start3A_165 : memref<!tpu.dma_semaphore, #tpu.memory_space<semaphore_mem>>) {add = true}
      } else {
      }
      %ge3A_124 = arith.constant 2 : i32
      %ge3A_125 = arith.cmpi sge, %scan3A_94, %ge3A_124 : i32
      %convert_element_type3A_126 = arith.extui %ge3A_125 : i1 to i32
      %cond3A_127 = arith.constant 0 : i32
      %cond3A_128 = arith.cmpi ne, %convert_element_type3A_126, %cond3A_127 : i32
      scf.if %cond3A_128 {
        %dma_wait3A_130 = arith.constant 0 : i32
        %dma_wait3A_131 = arith.constant 0 : i32
        %dma_wait3A_132 = arith.constant 0 : i32
        %dma_wait3A_133 = arith.constant 0 : i32
        %dma_wait3A_134 = tpu.memref_slice %arg9[%rem3A_107, %dma_wait3A_132, %dma_wait3A_133] : memref<3x160x80xf32, #tpu.memory_space<vmem>> -> memref<1x160x80xf32, #tpu.memory_space<vmem>>
        %dma_wait3A_135 = tpu.memref_squeeze %dma_wait3A_134 : memref<1x160x80xf32, #tpu.memory_space<vmem>> -> memref<160x80xf32, #tpu.memory_space<vmem>>
        %dma_wait3A_136 = arith.constant 0 : i32
        %dma_wait3A_137 = tpu.memref_slice %arg8[%dma_wait3A_130, %dma_wait3A_131, %dma_wait3A_136] : memref<125x1x160xi32, #tpu.memory_space<vmem>> -> memref<1x1x160xi32, #tpu.memory_space<vmem>>
        %dma_wait3A_138 = tpu.memref_squeeze %dma_wait3A_137 : memref<1x1x160xi32, #tpu.memory_space<vmem>> -> memref<160xi32, #tpu.memory_space<vmem>>
        %dma_wait3A_139 = arith.constant 0 : i32
        %dma_wait3A_140 = arith.constant 0 : i32
        %dma_wait3A_141 = tpu.memref_slice %arg4[%arg0, %dma_wait3A_139, %dma_wait3A_140] : memref<2x10000x80xf32, #tpu.memory_space<hbm>> -> memref<1x10000x80xf32, #tpu.memory_space<hbm>>
        %dma_wait3A_142 = tpu.memref_squeeze %dma_wait3A_141 : memref<1x10000x80xf32, #tpu.memory_space<hbm>> -> memref<10000x80xf32, #tpu.memory_space<hbm>>
        %dma_wait3A_143 = arith.constant 0 : i32
        %dma_wait3A_144 = arith.constant 0 : i32
        %dma_wait3A_145 = tpu.memref_slice %dma_wait3A_142[%dma_wait3A_143, %dma_wait3A_144] : memref<10000x80xf32, #tpu.memory_space<hbm>> -> memref<10000x80xf32, #tpu.memory_space<hbm>>
        %dma_wait3A_146 = tpu.memref_slice %arg11[%rem3A_107] : memref<3x!tpu.dma_semaphore, #tpu.memory_space<semaphore_mem>> -> memref<1x!tpu.dma_semaphore, #tpu.memory_space<semaphore_mem>>
        %dma_wait3A_147 = tpu.memref_squeeze %dma_wait3A_146 : memref<1x!tpu.dma_semaphore, #tpu.memory_space<semaphore_mem>> -> memref<!tpu.dma_semaphore, #tpu.memory_space<semaphore_mem>>
        tpu.wait_indirect_dma semaphore(%dma_wait3A_147 : memref<!tpu.dma_semaphore, #tpu.memory_space<semaphore_mem>>) src(%dma_wait3A_145 : memref<10000x80xf32, #tpu.memory_space<hbm>>) dst(%dma_wait3A_135 : memref<160x80xf32, #tpu.memory_space<vmem>>)
        %scan3A_148 = arith.constant 0 : i32
        %scan3A_149 = arith.constant 0 : i32
        %scan3A_150 = arith.constant 40 : i32
        %scan3A_151 = arith.addi %scan3A_149, %scan3A_150 : i32
        %scan3A_152 = arith.constant 1 : i32
        %scan3A_153 = scf.for %scan3A_169 = %scan3A_149 to %scan3A_151 step %scan3A_152 iter_args(%scan3A_170 = %scan3A_148) -> (i32)  : i32 {
          %mul3A_171 = arith.constant 4 : i32
          %mul3A_172 = arith.muli %scan3A_169, %mul3A_171 : i32
          %add3A_173 = arith.constant 0 : i32
          %add3A_174 = arith.addi %mul3A_172, %add3A_173 : i32
          %get3A = arith.index_cast %rem3A_107 : i32 to index
          %get3A_175 = arith.index_cast %add3A_174 : i32 to index
          %get3A_176 = arith.constant 0 : index
          %get3A_177 = tpu.vector_load %arg9[%get3A, %get3A_175, %get3A_176] {strides = array<i32>} : memref<3x160x80xf32, #tpu.memory_space<vmem>>, vector<1x1x16xf32>,
          %get3A_178 = vector.shape_cast %get3A_177 : vector<1x1x16xf32> to vector<16xf32>
          %max3A = arith.constant 0.000000e+00 : f32
          %max3A_179 = vector.broadcast %max3A : f32 to vector<16xf32>
          %max3A_180 = arith.maximumf %get3A_178, %max3A_179 : vector<16xf32>
          %get3A_181 = arith.index_cast %rem3A_107 : i32 to index
          %get3A_182 = arith.index_cast %add3A_174 : i32 to index
          %get3A_183 = arith.constant 16 : index
          %get3A_184 = tpu.vector_load %arg9[%get3A_181, %get3A_182, %get3A_183] {strides = array<i32>} : memref<3x160x80xf32, #tpu.memory_space<vmem>>, vector<1x1x16xf32>,
          %get3A_185 = vector.shape_cast %get3A_184 : vector<1x1x16xf32> to vector<16xf32>
          %max3A_186 = arith.constant 0.000000e+00 : f32
          %max3A_187 = vector.broadcast %max3A_186 : f32 to vector<16xf32>
          %max3A_188 = arith.maximumf %get3A_185, %max3A_187 : vector<16xf32>
          %get3A_189 = arith.index_cast %rem3A_107 : i32 to index
          %get3A_190 = arith.index_cast %add3A_174 : i32 to index
          %get3A_191 = arith.constant 32 : index
          %get3A_192 = tpu.vector_load %arg9[%get3A_189, %get3A_190, %get3A_191] {strides = array<i32>} : memref<3x160x80xf32, #tpu.memory_space<vmem>>, vector<1x1x16xf32>,
          %get3A_193 = vector.shape_cast %get3A_192 : vector<1x1x16xf32> to vector<16xf32>
          %max3A_194 = arith.constant 0.000000e+00 : f32
          %max3A_195 = vector.broadcast %max3A_194 : f32 to vector<16xf32>
          %max3A_196 = arith.maximumf %get3A_193, %max3A_195 : vector<16xf32>
          %get3A_197 = arith.index_cast %rem3A_107 : i32 to index
          %get3A_198 = arith.index_cast %add3A_174 : i32 to index
          %get3A_199 = arith.constant 48 : index
          %get3A_200 = tpu.vector_load %arg9[%get3A_197, %get3A_198, %get3A_199] {strides = array<i32>} : memref<3x160x80xf32, #tpu.memory_space<vmem>>, vector<1x1x16xf32>,
          %get3A_201 = vector.shape_cast %get3A_200 : vector<1x1x16xf32> to vector<16xf32>
          %max3A_202 = arith.constant 0.000000e+00 : f32
          %max3A_203 = vector.broadcast %max3A_202 : f32 to vector<16xf32>
          %max3A_204 = arith.maximumf %get3A_201, %max3A_203 : vector<16xf32>
          %get3A_205 = arith.index_cast %rem3A_107 : i32 to index
          %get3A_206 = arith.index_cast %add3A_174 : i32 to index
          %get3A_207 = arith.constant 64 : index
          %get3A_208 = tpu.vector_load %arg9[%get3A_205, %get3A_206, %get3A_207] {strides = array<i32>} : memref<3x160x80xf32, #tpu.memory_space<vmem>>, vector<1x1x16xf32>,
          %get3A_209 = vector.shape_cast %get3A_208 : vector<1x1x16xf32> to vector<16xf32>
          %max3A_210 = arith.constant 0.000000e+00 : f32
          %max3A_211 = vector.broadcast %max3A_210 : f32 to vector<16xf32>
          %max3A_212 = arith.maximumf %get3A_209, %max3A_211 : vector<16xf32>
          %mul3A_213 = arith.constant 4 : i32
          %mul3A_214 = arith.muli %scan3A_169, %mul3A_213 : i32
          %add3A_215 = arith.constant 1 : i32
          %add3A_216 = arith.addi %mul3A_214, %add3A_215 : i32
          %get3A_217 = arith.index_cast %rem3A_107 : i32 to index
          %get3A_218 = arith.index_cast %add3A_216 : i32 to index
          %get3A_219 = arith.constant 0 : index
          %get3A_220 = tpu.vector_load %arg9[%get3A_217, %get3A_218, %get3A_219] {strides = array<i32>} : memref<3x160x80xf32, #tpu.memory_space<vmem>>, vector<1x1x16xf32>,
          %get3A_221 = vector.shape_cast %get3A_220 : vector<1x1x16xf32> to vector<16xf32>
          %max3A_222 = arith.constant 0.000000e+00 : f32
          %max3A_223 = vector.broadcast %max3A_222 : f32 to vector<16xf32>
          %max3A_224 = arith.maximumf %get3A_221, %max3A_223 : vector<16xf32>
          %get3A_225 = arith.index_cast %rem3A_107 : i32 to index
          %get3A_226 = arith.index_cast %add3A_216 : i32 to index
          %get3A_227 = arith.constant 16 : index
          %get3A_228 = tpu.vector_load %arg9[%get3A_225, %get3A_226, %get3A_227] {strides = array<i32>} : memref<3x160x80xf32, #tpu.memory_space<vmem>>, vector<1x1x16xf32>,
          %get3A_229 = vector.shape_cast %get3A_228 : vector<1x1x16xf32> to vector<16xf32>
          %max3A_230 = arith.constant 0.000000e+00 : f32
          %max3A_231 = vector.broadcast %max3A_230 : f32 to vector<16xf32>
          %max3A_232 = arith.maximumf %get3A_229, %max3A_231 : vector<16xf32>
          %get3A_233 = arith.index_cast %rem3A_107 : i32 to index
          %get3A_234 = arith.index_cast %add3A_216 : i32 to index
          %get3A_235 = arith.constant 32 : index
          %get3A_236 = tpu.vector_load %arg9[%get3A_233, %get3A_234, %get3A_235] {strides = array<i32>} : memref<3x160x80xf32, #tpu.memory_space<vmem>>, vector<1x1x16xf32>,
          %get3A_237 = vector.shape_cast %get3A_236 : vector<1x1x16xf32> to vector<16xf32>
          %max3A_238 = arith.constant 0.000000e+00 : f32
          %max3A_239 = vector.broadcast %max3A_238 : f32 to vector<16xf32>
          %max3A_240 = arith.maximumf %get3A_237, %max3A_239 : vector<16xf32>
          %get3A_241 = arith.index_cast %rem3A_107 : i32 to index
          %get3A_242 = arith.index_cast %add3A_216 : i32 to index
          %get3A_243 = arith.constant 48 : index
          %get3A_244 = tpu.vector_load %arg9[%get3A_241, %get3A_242, %get3A_243] {strides = array<i32>} : memref<3x160x80xf32, #tpu.memory_space<vmem>>, vector<1x1x16xf32>,
          %get3A_245 = vector.shape_cast %get3A_244 : vector<1x1x16xf32> to vector<16xf32>
          %max3A_246 = arith.constant 0.000000e+00 : f32
          %max3A_247 = vector.broadcast %max3A_246 : f32 to vector<16xf32>
          %max3A_248 = arith.maximumf %get3A_245, %max3A_247 : vector<16xf32>
          %get3A_249 = arith.index_cast %rem3A_107 : i32 to index
          %get3A_250 = arith.index_cast %add3A_216 : i32 to index
          %get3A_251 = arith.constant 64 : index
          %get3A_252 = tpu.vector_load %arg9[%get3A_249, %get3A_250, %get3A_251] {strides = array<i32>} : memref<3x160x80xf32, #tpu.memory_space<vmem>>, vector<1x1x16xf32>,
          %get3A_253 = vector.shape_cast %get3A_252 : vector<1x1x16xf32> to vector<16xf32>
          %max3A_254 = arith.constant 0.000000e+00 : f32
          %max3A_255 = vector.broadcast %max3A_254 : f32 to vector<16xf32>
          %max3A_256 = arith.maximumf %get3A_253, %max3A_255 : vector<16xf32>
          %mul3A_257 = arith.constant 4 : i32
          %mul3A_258 = arith.muli %scan3A_169, %mul3A_257 : i32
          %add3A_259 = arith.constant 2 : i32
          %add3A_260 = arith.addi %mul3A_258, %add3A_259 : i32
          %get3A_261 = arith.index_cast %rem3A_107 : i32 to index
          %get3A_262 = arith.index_cast %add3A_260 : i32 to index
          %get3A_263 = arith.constant 0 : index
          %get3A_264 = tpu.vector_load %arg9[%get3A_261, %get3A_262, %get3A_263] {strides = array<i32>} : memref<3x160x80xf32, #tpu.memory_space<vmem>>, vector<1x1x16xf32>,
          %get3A_265 = vector.shape_cast %get3A_264 : vector<1x1x16xf32> to vector<16xf32>
          %max3A_266 = arith.constant 0.000000e+00 : f32
          %max3A_267 = vector.broadcast %max3A_266 : f32 to vector<16xf32>
          %max3A_268 = arith.maximumf %get3A_265, %max3A_267 : vector<16xf32>
          %get3A_269 = arith.index_cast %rem3A_107 : i32 to index
          %get3A_270 = arith.index_cast %add3A_260 : i32 to index
          %get3A_271 = arith.constant 16 : index
          %get3A_272 = tpu.vector_load %arg9[%get3A_269, %get3A_270, %get3A_271] {strides = array<i32>} : memref<3x160x80xf32, #tpu.memory_space<vmem>>, vector<1x1x16xf32>,
          %get3A_273 = vector.shape_cast %get3A_272 : vector<1x1x16xf32> to vector<16xf32>
          %max3A_274 = arith.constant 0.000000e+00 : f32
          %max3A_275 = vector.broadcast %max3A_274 : f32 to vector<16xf32>
          %max3A_276 = arith.maximumf %get3A_273, %max3A_275 : vector<16xf32>
          %get3A_277 = arith.index_cast %rem3A_107 : i32 to index
          %get3A_278 = arith.index_cast %add3A_260 : i32 to index
          %get3A_279 = arith.constant 32 : index
          %get3A_280 = tpu.vector_load %arg9[%get3A_277, %get3A_278, %get3A_279] {strides = array<i32>} : memref<3x160x80xf32, #tpu.memory_space<vmem>>, vector<1x1x16xf32>,
          %get3A_281 = vector.shape_cast %get3A_280 : vector<1x1x16xf32> to vector<16xf32>
          %max3A_282 = arith.constant 0.000000e+00 : f32
          %max3A_283 = vector.broadcast %max3A_282 : f32 to vector<16xf32>
          %max3A_284 = arith.maximumf %get3A_281, %max3A_283 : vector<16xf32>
          %get3A_285 = arith.index_cast %rem3A_107 : i32 to index
          %get3A_286 = arith.index_cast %add3A_260 : i32 to index
          %get3A_287 = arith.constant 48 : index
          %get3A_288 = tpu.vector_load %arg9[%get3A_285, %get3A_286, %get3A_287] {strides = array<i32>} : memref<3x160x80xf32, #tpu.memory_space<vmem>>, vector<1x1x16xf32>,
          %get3A_289 = vector.shape_cast %get3A_288 : vector<1x1x16xf32> to vector<16xf32>
          %max3A_290 = arith.constant 0.000000e+00 : f32
          %max3A_291 = vector.broadcast %max3A_290 : f32 to vector<16xf32>
          %max3A_292 = arith.maximumf %get3A_289, %max3A_291 : vector<16xf32>
          %get3A_293 = arith.index_cast %rem3A_107 : i32 to index
          %get3A_294 = arith.index_cast %add3A_260 : i32 to index
          %get3A_295 = arith.constant 64 : index
          %get3A_296 = tpu.vector_load %arg9[%get3A_293, %get3A_294, %get3A_295] {strides = array<i32>} : memref<3x160x80xf32, #tpu.memory_space<vmem>>, vector<1x1x16xf32>,
          %get3A_297 = vector.shape_cast %get3A_296 : vector<1x1x16xf32> to vector<16xf32>
          %max3A_298 = arith.constant 0.000000e+00 : f32
          %max3A_299 = vector.broadcast %max3A_298 : f32 to vector<16xf32>
          %max3A_300 = arith.maximumf %get3A_297, %max3A_299 : vector<16xf32>
          %mul3A_301 = arith.constant 4 : i32
          %mul3A_302 = arith.muli %scan3A_169, %mul3A_301 : i32
          %add3A_303 = arith.constant 3 : i32
          %add3A_304 = arith.addi %mul3A_302, %add3A_303 : i32
          %get3A_305 = arith.index_cast %rem3A_107 : i32 to index
          %get3A_306 = arith.index_cast %add3A_304 : i32 to index
          %get3A_307 = arith.constant 0 : index
          %get3A_308 = tpu.vector_load %arg9[%get3A_305, %get3A_306, %get3A_307] {strides = array<i32>} : memref<3x160x80xf32, #tpu.memory_space<vmem>>, vector<1x1x16xf32>,
          %get3A_309 = vector.shape_cast %get3A_308 : vector<1x1x16xf32> to vector<16xf32>
          %max3A_310 = arith.constant 0.000000e+00 : f32
          %max3A_311 = vector.broadcast %max3A_310 : f32 to vector<16xf32>
          %max3A_312 = arith.maximumf %get3A_309, %max3A_311 : vector<16xf32>
          %get3A_313 = arith.index_cast %rem3A_107 : i32 to index
          %get3A_314 = arith.index_cast %add3A_304 : i32 to index
          %get3A_315 = arith.constant 16 : index
          %get3A_316 = tpu.vector_load %arg9[%get3A_313, %get3A_314, %get3A_315] {strides = array<i32>} : memref<3x160x80xf32, #tpu.memory_space<vmem>>, vector<1x1x16xf32>,
          %get3A_317 = vector.shape_cast %get3A_316 : vector<1x1x16xf32> to vector<16xf32>
          %max3A_318 = arith.constant 0.000000e+00 : f32
          %max3A_319 = vector.broadcast %max3A_318 : f32 to vector<16xf32>
          %max3A_320 = arith.maximumf %get3A_317, %max3A_319 : vector<16xf32>
          %get3A_321 = arith.index_cast %rem3A_107 : i32 to index
          %get3A_322 = arith.index_cast %add3A_304 : i32 to index
          %get3A_323 = arith.constant 32 : index
          %get3A_324 = tpu.vector_load %arg9[%get3A_321, %get3A_322, %get3A_323] {strides = array<i32>} : memref<3x160x80xf32, #tpu.memory_space<vmem>>, vector<1x1x16xf32>,
          %get3A_325 = vector.shape_cast %get3A_324 : vector<1x1x16xf32> to vector<16xf32>
          %max3A_326 = arith.constant 0.000000e+00 : f32
          %max3A_327 = vector.broadcast %max3A_326 : f32 to vector<16xf32>
          %max3A_328 = arith.maximumf %get3A_325, %max3A_327 : vector<16xf32>
          %get3A_329 = arith.index_cast %rem3A_107 : i32 to index
          %get3A_330 = arith.index_cast %add3A_304 : i32 to index
          %get3A_331 = arith.constant 48 : index
          %get3A_332 = tpu.vector_load %arg9[%get3A_329, %get3A_330, %get3A_331] {strides = array<i32>} : memref<3x160x80xf32, #tpu.memory_space<vmem>>, vector<1x1x16xf32>,
          %get3A_333 = vector.shape_cast %get3A_332 : vector<1x1x16xf32> to vector<16xf32>
          %max3A_334 = arith.constant 0.000000e+00 : f32
          %max3A_335 = vector.broadcast %max3A_334 : f32 to vector<16xf32>
          %max3A_336 = arith.maximumf %get3A_333, %max3A_335 : vector<16xf32>
          %get3A_337 = arith.index_cast %rem3A_107 : i32 to index
          %get3A_338 = arith.index_cast %add3A_304 : i32 to index
          %get3A_339 = arith.constant 64 : index
          %get3A_340 = tpu.vector_load %arg9[%get3A_337, %get3A_338, %get3A_339] {strides = array<i32>} : memref<3x160x80xf32, #tpu.memory_space<vmem>>, vector<1x1x16xf32>,
          %get3A_341 = vector.shape_cast %get3A_340 : vector<1x1x16xf32> to vector<16xf32>
          %max3A_342 = arith.constant 0.000000e+00 : f32
          %max3A_343 = vector.broadcast %max3A_342 : f32 to vector<16xf32>
          %max3A_344 = arith.maximumf %get3A_341, %max3A_343 : vector<16xf32>
          %swap3A = arith.index_cast %rem3A_107 : i32 to index
          %swap3A_345 = arith.index_cast %add3A_174 : i32 to index
          %swap3A_346 = arith.constant 0 : index
          %swap3A_347 = tpu.vector_load %arg9[%swap3A, %swap3A_345, %swap3A_346] {strides = array<i32>} : memref<3x160x80xf32, #tpu.memory_space<vmem>>, vector<1x1x16xf32>,
          %swap3A_348 = vector.shape_cast %swap3A_347 : vector<1x1x16xf32> to vector<16xf32>
          %swap3A_349 = vector.shape_cast %max3A_180 : vector<16xf32> to vector<1x1x16xf32>
          tpu.vector_store %arg9[%swap3A, %swap3A_345, %swap3A_346], %swap3A_349 {strides = array<i32>} : memref<3x160x80xf32, #tpu.memory_space<vmem>>, vector<1x1x16xf32>,
          %swap3A_350 = arith.index_cast %rem3A_107 : i32 to index
          %swap3A_351 = arith.index_cast %add3A_174 : i32 to index
          %swap3A_352 = arith.constant 16 : index
          %swap3A_353 = tpu.vector_load %arg9[%swap3A_350, %swap3A_351, %swap3A_352] {strides = array<i32>} : memref<3x160x80xf32, #tpu.memory_space<vmem>>, vector<1x1x16xf32>,
          %swap3A_354 = vector.shape_cast %swap3A_353 : vector<1x1x16xf32> to vector<16xf32>
          %swap3A_355 = vector.shape_cast %max3A_188 : vector<16xf32> to vector<1x1x16xf32>
          tpu.vector_store %arg9[%swap3A_350, %swap3A_351, %swap3A_352], %swap3A_355 {strides = array<i32>} : memref<3x160x80xf32, #tpu.memory_space<vmem>>, vector<1x1x16xf32>,
          %swap3A_356 = arith.index_cast %rem3A_107 : i32 to index
          %swap3A_357 = arith.index_cast %add3A_174 : i32 to index
          %swap3A_358 = arith.constant 32 : index
          %swap3A_359 = tpu.vector_load %arg9[%swap3A_356, %swap3A_357, %swap3A_358] {strides = array<i32>} : memref<3x160x80xf32, #tpu.memory_space<vmem>>, vector<1x1x16xf32>,
          %swap3A_360 = vector.shape_cast %swap3A_359 : vector<1x1x16xf32> to vector<16xf32>
          %swap3A_361 = vector.shape_cast %max3A_196 : vector<16xf32> to vector<1x1x16xf32>
          tpu.vector_store %arg9[%swap3A_356, %swap3A_357, %swap3A_358], %swap3A_361 {strides = array<i32>} : memref<3x160x80xf32, #tpu.memory_space<vmem>>, vector<1x1x16xf32>,
          %swap3A_362 = arith.index_cast %rem3A_107 : i32 to index
          %swap3A_363 = arith.index_cast %add3A_174 : i32 to index
          %swap3A_364 = arith.constant 48 : index
          %swap3A_365 = tpu.vector_load %arg9[%swap3A_362, %swap3A_363, %swap3A_364] {strides = array<i32>} : memref<3x160x80xf32, #tpu.memory_space<vmem>>, vector<1x1x16xf32>,
          %swap3A_366 = vector.shape_cast %swap3A_365 : vector<1x1x16xf32> to vector<16xf32>
          %swap3A_367 = vector.shape_cast %max3A_204 : vector<16xf32> to vector<1x1x16xf32>
          tpu.vector_store %arg9[%swap3A_362, %swap3A_363, %swap3A_364], %swap3A_367 {strides = array<i32>} : memref<3x160x80xf32, #tpu.memory_space<vmem>>, vector<1x1x16xf32>,
          %swap3A_368 = arith.index_cast %rem3A_107 : i32 to index
          %swap3A_369 = arith.index_cast %add3A_174 : i32 to index
          %swap3A_370 = arith.constant 64 : index
          %swap3A_371 = tpu.vector_load %arg9[%swap3A_368, %swap3A_369, %swap3A_370] {strides = array<i32>} : memref<3x160x80xf32, #tpu.memory_space<vmem>>, vector<1x1x16xf32>,
          %swap3A_372 = vector.shape_cast %swap3A_371 : vector<1x1x16xf32> to vector<16xf32>
          %swap3A_373 = vector.shape_cast %max3A_212 : vector<16xf32> to vector<1x1x16xf32>
          tpu.vector_store %arg9[%swap3A_368, %swap3A_369, %swap3A_370], %swap3A_373 {strides = array<i32>} : memref<3x160x80xf32, #tpu.memory_space<vmem>>, vector<1x1x16xf32>,
          %swap3A_374 = arith.index_cast %rem3A_107 : i32 to index
          %swap3A_375 = arith.index_cast %add3A_216 : i32 to index
          %swap3A_376 = arith.constant 0 : index
          %swap3A_377 = tpu.vector_load %arg9[%swap3A_374, %swap3A_375, %swap3A_376] {strides = array<i32>} : memref<3x160x80xf32, #tpu.memory_space<vmem>>, vector<1x1x16xf32>,
          %swap3A_378 = vector.shape_cast %swap3A_377 : vector<1x1x16xf32> to vector<16xf32>
          %swap3A_379 = vector.shape_cast %max3A_224 : vector<16xf32> to vector<1x1x16xf32>
          tpu.vector_store %arg9[%swap3A_374, %swap3A_375, %swap3A_376], %swap3A_379 {strides = array<i32>} : memref<3x160x80xf32, #tpu.memory_space<vmem>>, vector<1x1x16xf32>,
          %swap3A_380 = arith.index_cast %rem3A_107 : i32 to index
          %swap3A_381 = arith.index_cast %add3A_216 : i32 to index
          %swap3A_382 = arith.constant 16 : index
          %swap3A_383 = tpu.vector_load %arg9[%swap3A_380, %swap3A_381, %swap3A_382] {strides = array<i32>} : memref<3x160x80xf32, #tpu.memory_space<vmem>>, vector<1x1x16xf32>,
          %swap3A_384 = vector.shape_cast %swap3A_383 : vector<1x1x16xf32> to vector<16xf32>
          %swap3A_385 = vector.shape_cast %max3A_232 : vector<16xf32> to vector<1x1x16xf32>
          tpu.vector_store %arg9[%swap3A_380, %swap3A_381, %swap3A_382], %swap3A_385 {strides = array<i32>} : memref<3x160x80xf32, #tpu.memory_space<vmem>>, vector<1x1x16xf32>,
          %swap3A_386 = arith.index_cast %rem3A_107 : i32 to index
          %swap3A_387 = arith.index_cast %add3A_216 : i32 to index
          %swap3A_388 = arith.constant 32 : index
          %swap3A_389 = tpu.vector_load %arg9[%swap3A_386, %swap3A_387, %swap3A_388] {strides = array<i32>} : memref<3x160x80xf32, #tpu.memory_space<vmem>>, vector<1x1x16xf32>,
          %swap3A_390 = vector.shape_cast %swap3A_389 : vector<1x1x16xf32> to vector<16xf32>
          %swap3A_391 = vector.shape_cast %max3A_240 : vector<16xf32> to vector<1x1x16xf32>
          tpu.vector_store %arg9[%swap3A_386, %swap3A_387, %swap3A_388], %swap3A_391 {strides = array<i32>} : memref<3x160x80xf32, #tpu.memory_space<vmem>>, vector<1x1x16xf32>,
          %swap3A_392 = arith.index_cast %rem3A_107 : i32 to index
          %swap3A_393 = arith.index_cast %add3A_216 : i32 to index
          %swap3A_394 = arith.constant 48 : index
          %swap3A_395 = tpu.vector_load %arg9[%swap3A_392, %swap3A_393, %swap3A_394] {strides = array<i32>} : memref<3x160x80xf32, #tpu.memory_space<vmem>>, vector<1x1x16xf32>,
          %swap3A_396 = vector.shape_cast %swap3A_395 : vector<1x1x16xf32> to vector<16xf32>
          %swap3A_397 = vector.shape_cast %max3A_248 : vector<16xf32> to vector<1x1x16xf32>
          tpu.vector_store %arg9[%swap3A_392, %swap3A_393, %swap3A_394], %swap3A_397 {strides = array<i32>} : memref<3x160x80xf32, #tpu.memory_space<vmem>>, vector<1x1x16xf32>,
          %swap3A_398 = arith.index_cast %rem3A_107 : i32 to index
          %swap3A_399 = arith.index_cast %add3A_216 : i32 to index
          %swap3A_400 = arith.constant 64 : index
          %swap3A_401 = tpu.vector_load %arg9[%swap3A_398, %swap3A_399, %swap3A_400] {strides = array<i32>} : memref<3x160x80xf32, #tpu.memory_space<vmem>>, vector<1x1x16xf32>,
          %swap3A_402 = vector.shape_cast %swap3A_401 : vector<1x1x16xf32> to vector<16xf32>
          %swap3A_403 = vector.shape_cast %max3A_256 : vector<16xf32> to vector<1x1x16xf32>
          tpu.vector_store %arg9[%swap3A_398, %swap3A_399, %swap3A_400], %swap3A_403 {strides = array<i32>} : memref<3x160x80xf32, #tpu.memory_space<vmem>>, vector<1x1x16xf32>,
          %swap3A_404 = arith.index_cast %rem3A_107 : i32 to index
          %swap3A_405 = arith.index_cast %add3A_260 : i32 to index
          %swap3A_406 = arith.constant 0 : index
          %swap3A_407 = tpu.vector_load %arg9[%swap3A_404, %swap3A_405, %swap3A_406] {strides = array<i32>} : memref<3x160x80xf32, #tpu.memory_space<vmem>>, vector<1x1x16xf32>,
          %swap3A_408 = vector.shape_cast %swap3A_407 : vector<1x1x16xf32> to vector<16xf32>
          %swap3A_409 = vector.shape_cast %max3A_268 : vector<16xf32> to vector<1x1x16xf32>
          tpu.vector_store %arg9[%swap3A_404, %swap3A_405, %swap3A_406], %swap3A_409 {strides = array<i32>} : memref<3x160x80xf32, #tpu.memory_space<vmem>>, vector<1x1x16xf32>,
          %swap3A_410 = arith.index_cast %rem3A_107 : i32 to index
          %swap3A_411 = arith.index_cast %add3A_260 : i32 to index
          %swap3A_412 = arith.constant 16 : index
          %swap3A_413 = tpu.vector_load %arg9[%swap3A_410, %swap3A_411, %swap3A_412] {strides = array<i32>} : memref<3x160x80xf32, #tpu.memory_space<vmem>>, vector<1x1x16xf32>,
          %swap3A_414 = vector.shape_cast %swap3A_413 : vector<1x1x16xf32> to vector<16xf32>
          %swap3A_415 = vector.shape_cast %max3A_276 : vector<16xf32> to vector<1x1x16xf32>
          tpu.vector_store %arg9[%swap3A_410, %swap3A_411, %swap3A_412], %swap3A_415 {strides = array<i32>} : memref<3x160x80xf32, #tpu.memory_space<vmem>>, vector<1x1x16xf32>,
          %swap3A_416 = arith.index_cast %rem3A_107 : i32 to index
          %swap3A_417 = arith.index_cast %add3A_260 : i32 to index
          %swap3A_418 = arith.constant 32 : index
          %swap3A_419 = tpu.vector_load %arg9[%swap3A_416, %swap3A_417, %swap3A_418] {strides = array<i32>} : memref<3x160x80xf32, #tpu.memory_space<vmem>>, vector<1x1x16xf32>,
          %swap3A_420 = vector.shape_cast %swap3A_419 : vector<1x1x16xf32> to vector<16xf32>
          %swap3A_421 = vector.shape_cast %max3A_284 : vector<16xf32> to vector<1x1x16xf32>
          tpu.vector_store %arg9[%swap3A_416, %swap3A_417, %swap3A_418], %swap3A_421 {strides = array<i32>} : memref<3x160x80xf32, #tpu.memory_space<vmem>>, vector<1x1x16xf32>,
          %swap3A_422 = arith.index_cast %rem3A_107 : i32 to index
          %swap3A_423 = arith.index_cast %add3A_260 : i32 to index
          %swap3A_424 = arith.constant 48 : index
          %swap3A_425 = tpu.vector_load %arg9[%swap3A_422, %swap3A_423, %swap3A_424] {strides = array<i32>} : memref<3x160x80xf32, #tpu.memory_space<vmem>>, vector<1x1x16xf32>,
          %swap3A_426 = vector.shape_cast %swap3A_425 : vector<1x1x16xf32> to vector<16xf32>
          %swap3A_427 = vector.shape_cast %max3A_292 : vector<16xf32> to vector<1x1x16xf32>
          tpu.vector_store %arg9[%swap3A_422, %swap3A_423, %swap3A_424], %swap3A_427 {strides = array<i32>} : memref<3x160x80xf32, #tpu.memory_space<vmem>>, vector<1x1x16xf32>,
          %swap3A_428 = arith.index_cast %rem3A_107 : i32 to index
          %swap3A_429 = arith.index_cast %add3A_260 : i32 to index
          %swap3A_430 = arith.constant 64 : index
          %swap3A_431 = tpu.vector_load %arg9[%swap3A_428, %swap3A_429, %swap3A_430] {strides = array<i32>} : memref<3x160x80xf32, #tpu.memory_space<vmem>>, vector<1x1x16xf32>,
          %swap3A_432 = vector.shape_cast %swap3A_431 : vector<1x1x16xf32> to vector<16xf32>
          %swap3A_433 = vector.shape_cast %max3A_300 : vector<16xf32> to vector<1x1x16xf32>
          tpu.vector_store %arg9[%swap3A_428, %swap3A_429, %swap3A_430], %swap3A_433 {strides = array<i32>} : memref<3x160x80xf32, #tpu.memory_space<vmem>>, vector<1x1x16xf32>,
          %swap3A_434 = arith.index_cast %rem3A_107 : i32 to index
          %swap3A_435 = arith.index_cast %add3A_304 : i32 to index
          %swap3A_436 = arith.constant 0 : index
          %swap3A_437 = tpu.vector_load %arg9[%swap3A_434, %swap3A_435, %swap3A_436] {strides = array<i32>} : memref<3x160x80xf32, #tpu.memory_space<vmem>>, vector<1x1x16xf32>,
          %swap3A_438 = vector.shape_cast %swap3A_437 : vector<1x1x16xf32> to vector<16xf32>
          %swap3A_439 = vector.shape_cast %max3A_312 : vector<16xf32> to vector<1x1x16xf32>
          tpu.vector_store %arg9[%swap3A_434, %swap3A_435, %swap3A_436], %swap3A_439 {strides = array<i32>} : memref<3x160x80xf32, #tpu.memory_space<vmem>>, vector<1x1x16xf32>,
          %swap3A_440 = arith.index_cast %rem3A_107 : i32 to index
          %swap3A_441 = arith.index_cast %add3A_304 : i32 to index
          %swap3A_442 = arith.constant 16 : index
          %swap3A_443 = tpu.vector_load %arg9[%swap3A_440, %swap3A_441, %swap3A_442] {strides = array<i32>} : memref<3x160x80xf32, #tpu.memory_space<vmem>>, vector<1x1x16xf32>,
          %swap3A_444 = vector.shape_cast %swap3A_443 : vector<1x1x16xf32> to vector<16xf32>
          %swap3A_445 = vector.shape_cast %max3A_320 : vector<16xf32> to vector<1x1x16xf32>
          tpu.vector_store %arg9[%swap3A_440, %swap3A_441, %swap3A_442], %swap3A_445 {strides = array<i32>} : memref<3x160x80xf32, #tpu.memory_space<vmem>>, vector<1x1x16xf32>,
          %swap3A_446 = arith.index_cast %rem3A_107 : i32 to index
          %swap3A_447 = arith.index_cast %add3A_304 : i32 to index
          %swap3A_448 = arith.constant 32 : index
          %swap3A_449 = tpu.vector_load %arg9[%swap3A_446, %swap3A_447, %swap3A_448] {strides = array<i32>} : memref<3x160x80xf32, #tpu.memory_space<vmem>>, vector<1x1x16xf32>,
          %swap3A_450 = vector.shape_cast %swap3A_449 : vector<1x1x16xf32> to vector<16xf32>
          %swap3A_451 = vector.shape_cast %max3A_328 : vector<16xf32> to vector<1x1x16xf32>
          tpu.vector_store %arg9[%swap3A_446, %swap3A_447, %swap3A_448], %swap3A_451 {strides = array<i32>} : memref<3x160x80xf32, #tpu.memory_space<vmem>>, vector<1x1x16xf32>,
          %swap3A_452 = arith.index_cast %rem3A_107 : i32 to index
          %swap3A_453 = arith.index_cast %add3A_304 : i32 to index
          %swap3A_454 = arith.constant 48 : index
          %swap3A_455 = tpu.vector_load %arg9[%swap3A_452, %swap3A_453, %swap3A_454] {strides = array<i32>} : memref<3x160x80xf32, #tpu.memory_space<vmem>>, vector<1x1x16xf32>,
          %swap3A_456 = vector.shape_cast %swap3A_455 : vector<1x1x16xf32> to vector<16xf32>
          %swap3A_457 = vector.shape_cast %max3A_336 : vector<16xf32> to vector<1x1x16xf32>
          tpu.vector_store %arg9[%swap3A_452, %swap3A_453, %swap3A_454], %swap3A_457 {strides = array<i32>} : memref<3x160x80xf32, #tpu.memory_space<vmem>>, vector<1x1x16xf32>,
          %swap3A_458 = arith.index_cast %rem3A_107 : i32 to index
          %swap3A_459 = arith.index_cast %add3A_304 : i32 to index
          %swap3A_460 = arith.constant 64 : index
          %swap3A_461 = tpu.vector_load %arg9[%swap3A_458, %swap3A_459, %swap3A_460] {strides = array<i32>} : memref<3x160x80xf32, #tpu.memory_space<vmem>>, vector<1x1x16xf32>,
          %swap3A_462 = vector.shape_cast %swap3A_461 : vector<1x1x16xf32> to vector<16xf32>
          %swap3A_463 = vector.shape_cast %max3A_344 : vector<16xf32> to vector<1x1x16xf32>
          tpu.vector_store %arg9[%swap3A_458, %swap3A_459, %swap3A_460], %swap3A_463 {strides = array<i32>} : memref<3x160x80xf32, #tpu.memory_space<vmem>>, vector<1x1x16xf32>,
          %scan3A_464 = arith.constant 0 : i32
          scf.yield %scan3A_464 : i32
        }
        %scan3A_154 = arith.constant 40 : i32
        %sub3A_155 = arith.constant 2 : i32
        %sub3A_156 = arith.subi %scan3A_94, %sub3A_155 : i32
        %dma_start3A = arith.constant 0 : i32
        %dma_start3A_157 = arith.constant 0 : i32
        %dma_start3A_158 = arith.constant 0 : i32
        %dma_start3A_159 = tpu.memref_slice %arg9[%rem3A_107, %dma_start3A_157, %dma_start3A_158] : memref<3x160x80xf32, #tpu.memory_space<vmem>> -> memref<1x160x80xf32, #tpu.memory_space<vmem>>
        %dma_start3A_160 = tpu.memref_squeeze %dma_start3A_159 : memref<1x160x80xf32, #tpu.memory_space<vmem>> -> memref<160x80xf32, #tpu.memory_space<vmem>>
        %dma_start3A_161 = arith.constant 0 : i32
        %dma_start3A_162 = tpu.memref_slice %arg8[%sub3A_156, %dma_start3A, %dma_start3A_161] : memref<125x1x160xi32, #tpu.memory_space<vmem>> -> memref<1x1x160xi32, #tpu.memory_space<vmem>>
        %dma_start3A_163 = tpu.memref_squeeze %dma_start3A_162 : memref<1x1x160xi32, #tpu.memory_space<vmem>> -> memref<160xi32, #tpu.memory_space<vmem>>
        %dma_start3A_164 = arith.constant 0 : i32
        %dma_start3A_165 = arith.constant 0 : i32
        %dma_start3A_166 = tpu.memref_slice %arg10[%dma_start3A_164, %dma_start3A_165] : memref<10000x80xf32, #tpu.memory_space<vmem_shared>> -> memref<10000x80xf32, #tpu.memory_space<vmem_shared>>
        %dma_start3A_167 = tpu.memref_slice %arg11[%rem3A_107] : memref<3x!tpu.dma_semaphore, #tpu.memory_space<semaphore_mem>> -> memref<1x!tpu.dma_semaphore, #tpu.memory_space<semaphore_mem>>
        %dma_start3A_168 = tpu.memref_squeeze %dma_start3A_167 : memref<1x!tpu.dma_semaphore, #tpu.memory_space<semaphore_mem>> -> memref<!tpu.dma_semaphore, #tpu.memory_space<semaphore_mem>>
        tpu.enqueue_indirect_dma source(%dma_start3A_160 : memref<160x80xf32, #tpu.memory_space<vmem>>) target(%dma_start3A_166 : memref<10000x80xf32, #tpu.memory_space<vmem_shared>>) offsets(%dma_start3A_163 : memref<160xi32, #tpu.memory_space<vmem>>) semaphore(%dma_start3A_168 : memref<!tpu.dma_semaphore, #tpu.memory_space<semaphore_mem>>) {add = true}
      } else {
      }
      %scan3A_129 = arith.constant 0 : i32
      scf.yield %scan3A_129 : i32
    }
    %scan3A_25 = arith.constant 127 : i32
    %dma_wait3A = arith.constant 0 : i32
    %dma_wait3A_26 = arith.constant 0 : i32
    %dma_wait3A_27 = arith.constant 0 : i32
    %dma_wait3A_28 = arith.constant 0 : i32
    %dma_wait3A_29 = arith.constant 0 : i32
    %dma_wait3A_30 = arith.constant 0 : i32
    %dma_wait3A_31 = tpu.memref_slice %arg9[%dma_wait3A_27, %dma_wait3A_29, %dma_wait3A_30] : memref<3x160x80xf32, #tpu.memory_space<vmem>> -> memref<1x160x80xf32, #tpu.memory_space<vmem>>
    %dma_wait3A_32 = tpu.memref_squeeze %dma_wait3A_31 : memref<1x160x80xf32, #tpu.memory_space<vmem>> -> memref<160x80xf32, #tpu.memory_space<vmem>>
    %dma_wait3A_33 = arith.constant 0 : i32
    %dma_wait3A_34 = tpu.memref_slice %arg8[%dma_wait3A, %dma_wait3A_26, %dma_wait3A_33] : memref<125x1x160xi32, #tpu.memory_space<vmem>> -> memref<1x1x160xi32, #tpu.memory_space<vmem>>
    %dma_wait3A_35 = tpu.memref_squeeze %dma_wait3A_34 : memref<1x1x160xi32, #tpu.memory_space<vmem>> -> memref<160xi32, #tpu.memory_space<vmem>>
    %dma_wait3A_36 = arith.constant 0 : i32
    %dma_wait3A_37 = arith.constant 0 : i32
    %dma_wait3A_38 = tpu.memref_slice %arg4[%arg0, %dma_wait3A_36, %dma_wait3A_37] : memref<2x10000x80xf32, #tpu.memory_space<hbm>> -> memref<1x10000x80xf32, #tpu.memory_space<hbm>>
    %dma_wait3A_39 = tpu.memref_squeeze %dma_wait3A_38 : memref<1x10000x80xf32, #tpu.memory_space<hbm>> -> memref<10000x80xf32, #tpu.memory_space<hbm>>
    %dma_wait3A_40 = arith.constant 0 : i32
    %dma_wait3A_41 = arith.constant 0 : i32
    %dma_wait3A_42 = tpu.memref_slice %dma_wait3A_39[%dma_wait3A_40, %dma_wait3A_41] : memref<10000x80xf32, #tpu.memory_space<hbm>> -> memref<10000x80xf32, #tpu.memory_space<hbm>>
    %dma_wait3A_43 = tpu.memref_slice %arg11[%dma_wait3A_28] : memref<3x!tpu.dma_semaphore, #tpu.memory_space<semaphore_mem>> -> memref<1x!tpu.dma_semaphore, #tpu.memory_space<semaphore_mem>>
    %dma_wait3A_44 = tpu.memref_squeeze %dma_wait3A_43 : memref<1x!tpu.dma_semaphore, #tpu.memory_space<semaphore_mem>> -> memref<!tpu.dma_semaphore, #tpu.memory_space<semaphore_mem>>
    tpu.wait_indirect_dma semaphore(%dma_wait3A_44 : memref<!tpu.dma_semaphore, #tpu.memory_space<semaphore_mem>>) src(%dma_wait3A_42 : memref<10000x80xf32, #tpu.memory_space<hbm>>) dst(%dma_wait3A_32 : memref<160x80xf32, #tpu.memory_space<vmem>>)
    %dma_wait3A_45 = arith.constant 0 : i32
    %dma_wait3A_46 = arith.constant 0 : i32
    %dma_wait3A_47 = arith.constant 1 : i32
    %dma_wait3A_48 = arith.constant 1 : i32
    %dma_wait3A_49 = arith.constant 0 : i32
    %dma_wait3A_50 = arith.constant 0 : i32
    %dma_wait3A_51 = tpu.memref_slice %arg9[%dma_wait3A_47, %dma_wait3A_49, %dma_wait3A_50] : memref<3x160x80xf32, #tpu.memory_space<vmem>> -> memref<1x160x80xf32, #tpu.memory_space<vmem>>
    %dma_wait3A_52 = tpu.memref_squeeze %dma_wait3A_51 : memref<1x160x80xf32, #tpu.memory_space<vmem>> -> memref<160x80xf32, #tpu.memory_space<vmem>>
    %dma_wait3A_53 = arith.constant 0 : i32
    %dma_wait3A_54 = tpu.memref_slice %arg8[%dma_wait3A_45, %dma_wait3A_46, %dma_wait3A_53] : memref<125x1x160xi32, #tpu.memory_space<vmem>> -> memref<1x1x160xi32, #tpu.memory_space<vmem>>
    %dma_wait3A_55 = tpu.memref_squeeze %dma_wait3A_54 : memref<1x1x160xi32, #tpu.memory_space<vmem>> -> memref<160xi32, #tpu.memory_space<vmem>>
    %dma_wait3A_56 = arith.constant 0 : i32
    %dma_wait3A_57 = arith.constant 0 : i32
    %dma_wait3A_58 = tpu.memref_slice %arg4[%arg0, %dma_wait3A_56, %dma_wait3A_57] : memref<2x10000x80xf32, #tpu.memory_space<hbm>> -> memref<1x10000x80xf32, #tpu.memory_space<hbm>>
    %dma_wait3A_59 = tpu.memref_squeeze %dma_wait3A_58 : memref<1x10000x80xf32, #tpu.memory_space<hbm>> -> memref<10000x80xf32, #tpu.memory_space<hbm>>
    %dma_wait3A_60 = arith.constant 0 : i32
    %dma_wait3A_61 = arith.constant 0 : i32
    %dma_wait3A_62 = tpu.memref_slice %dma_wait3A_59[%dma_wait3A_60, %dma_wait3A_61] : memref<10000x80xf32, #tpu.memory_space<hbm>> -> memref<10000x80xf32, #tpu.memory_space<hbm>>
    %dma_wait3A_63 = tpu.memref_slice %arg11[%dma_wait3A_48] : memref<3x!tpu.dma_semaphore, #tpu.memory_space<semaphore_mem>> -> memref<1x!tpu.dma_semaphore, #tpu.memory_space<semaphore_mem>>
    %dma_wait3A_64 = tpu.memref_squeeze %dma_wait3A_63 : memref<1x!tpu.dma_semaphore, #tpu.memory_space<semaphore_mem>> -> memref<!tpu.dma_semaphore, #tpu.memory_space<semaphore_mem>>
    tpu.wait_indirect_dma semaphore(%dma_wait3A_64 : memref<!tpu.dma_semaphore, #tpu.memory_space<semaphore_mem>>) src(%dma_wait3A_62 : memref<10000x80xf32, #tpu.memory_space<hbm>>) dst(%dma_wait3A_52 : memref<160x80xf32, #tpu.memory_space<vmem>>)
    %dma_wait3A_65 = arith.constant 0 : i32
    %dma_wait3A_66 = arith.constant 0 : i32
    %dma_wait3A_67 = arith.constant 2 : i32
    %dma_wait3A_68 = arith.constant 2 : i32
    %dma_wait3A_69 = arith.constant 0 : i32
    %dma_wait3A_70 = arith.constant 0 : i32
    %dma_wait3A_71 = tpu.memref_slice %arg9[%dma_wait3A_67, %dma_wait3A_69, %dma_wait3A_70] : memref<3x160x80xf32, #tpu.memory_space<vmem>> -> memref<1x160x80xf32, #tpu.memory_space<vmem>>
    %dma_wait3A_72 = tpu.memref_squeeze %dma_wait3A_71 : memref<1x160x80xf32, #tpu.memory_space<vmem>> -> memref<160x80xf32, #tpu.memory_space<vmem>>
    %dma_wait3A_73 = arith.constant 0 : i32
    %dma_wait3A_74 = tpu.memref_slice %arg8[%dma_wait3A_65, %dma_wait3A_66, %dma_wait3A_73] : memref<125x1x160xi32, #tpu.memory_space<vmem>> -> memref<1x1x160xi32, #tpu.memory_space<vmem>>
    %dma_wait3A_75 = tpu.memref_squeeze %dma_wait3A_74 : memref<1x1x160xi32, #tpu.memory_space<vmem>> -> memref<160xi32, #tpu.memory_space<vmem>>
    %dma_wait3A_76 = arith.constant 0 : i32
    %dma_wait3A_77 = arith.constant 0 : i32
    %dma_wait3A_78 = tpu.memref_slice %arg4[%arg0, %dma_wait3A_76, %dma_wait3A_77] : memref<2x10000x80xf32, #tpu.memory_space<hbm>> -> memref<1x10000x80xf32, #tpu.memory_space<hbm>>
    %dma_wait3A_79 = tpu.memref_squeeze %dma_wait3A_78 : memref<1x10000x80xf32, #tpu.memory_space<hbm>> -> memref<10000x80xf32, #tpu.memory_space<hbm>>
    %dma_wait3A_80 = arith.constant 0 : i32
    %dma_wait3A_81 = arith.constant 0 : i32
    %dma_wait3A_82 = tpu.memref_slice %dma_wait3A_79[%dma_wait3A_80, %dma_wait3A_81] : memref<10000x80xf32, #tpu.memory_space<hbm>> -> memref<10000x80xf32, #tpu.memory_space<hbm>>
    %dma_wait3A_83 = tpu.memref_slice %arg11[%dma_wait3A_68] : memref<3x!tpu.dma_semaphore, #tpu.memory_space<semaphore_mem>> -> memref<1x!tpu.dma_semaphore, #tpu.memory_space<semaphore_mem>>
    %dma_wait3A_84 = tpu.memref_squeeze %dma_wait3A_83 : memref<1x!tpu.dma_semaphore, #tpu.memory_space<semaphore_mem>> -> memref<!tpu.dma_semaphore, #tpu.memory_space<semaphore_mem>>
    tpu.wait_indirect_dma semaphore(%dma_wait3A_84 : memref<!tpu.dma_semaphore, #tpu.memory_space<semaphore_mem>>) src(%dma_wait3A_82 : memref<10000x80xf32, #tpu.memory_space<hbm>>) dst(%dma_wait3A_72 : memref<160x80xf32, #tpu.memory_space<vmem>>)
    %barrier3A_85 = arith.constant 0 : index
    tpu.barrier barrier_id(%barrier3A_85)
    %add3A_86 = arith.constant 0 : i32
    %add3A_87 = arith.addi %mul3A_6, %add3A_86 : i32
    "tpu.region"() ({
      %run_scoped3A_94 = tpu.sem_alloc : memref<!tpu.dma_semaphore, #tpu.memory_space<semaphore_mem>>
      %dma_start3A = arith.constant 0 : i32
      %dma_start3A_95 = tpu.memref_slice %arg6[%arg0, %add3A_87, %dma_start3A] : memref<2x10000x80xf32, #tpu.memory_space<hbm>> -> memref<1x160x80xf32, #tpu.memory_space<hbm>>
      %dma_start3A_96 = tpu.memref_squeeze %dma_start3A_95 : memref<1x160x80xf32, #tpu.memory_space<hbm>> -> memref<160x80xf32, #tpu.memory_space<hbm>>
      %dma_start3A_97 = arith.constant 0 : i32
      %dma_start3A_98 = tpu.memref_slice %arg10[%add3A_87, %dma_start3A_97] : memref<10000x80xf32, #tpu.memory_space<vmem_shared>> -> memref<160x80xf32, #tpu.memory_space<vmem_shared>>
      tpu.enqueue_dma source(%dma_start3A_98 : memref<160x80xf32, #tpu.memory_space<vmem_shared>>) target(%dma_start3A_96 : memref<160x80xf32, #tpu.memory_space<hbm>>) target_semaphore(%run_scoped3A_94 : memref<!tpu.dma_semaphore, #tpu.memory_space<semaphore_mem>>)
      %dma_wait3A_99 = arith.constant 0 : i32
      %dma_wait3A_100 = tpu.memref_slice %arg6[%arg0, %add3A_87, %dma_wait3A_99] : memref<2x10000x80xf32, #tpu.memory_space<hbm>> -> memref<1x160x80xf32, #tpu.memory_space<hbm>>
      %dma_wait3A_101 = tpu.memref_squeeze %dma_wait3A_100 : memref<1x160x80xf32, #tpu.memory_space<hbm>> -> memref<160x80xf32, #tpu.memory_space<hbm>>
      %dma_wait3A_102 = arith.constant 0 : i32
      %dma_wait3A_103 = tpu.memref_slice %arg10[%add3A_87, %dma_wait3A_102] : memref<10000x80xf32, #tpu.memory_space<vmem_shared>> -> memref<160x80xf32, #tpu.memory_space<vmem_shared>>
      tpu.wait_dma2 semaphore(%run_scoped3A_94 : memref<!tpu.dma_semaphore, #tpu.memory_space<semaphore_mem>>) src(%dma_wait3A_103 : memref<160x80xf32, #tpu.memory_space<vmem_shared>>) dst(%dma_wait3A_101 : memref<160x80xf32, #tpu.memory_space<hbm>>)
      tpu.yield
    }) : () -> ()
    %add3A_88 = arith.constant 160 : i32
    %add3A_89 = arith.addi %mul3A_6, %add3A_88 : i32
    "tpu.region"() ({
      %run_scoped3A_94 = tpu.sem_alloc : memref<!tpu.dma_semaphore, #tpu.memory_space<semaphore_mem>>
      %dma_start3A = arith.constant 0 : i32
      %dma_start3A_95 = tpu.memref_slice %arg6[%arg0, %add3A_89, %dma_start3A] : memref<2x10000x80xf32, #tpu.memory_space<hbm>> -> memref<1x160x80xf32, #tpu.memory_space<hbm>>
      %dma_start3A_96 = tpu.memref_squeeze %dma_start3A_95 : memref<1x160x80xf32, #tpu.memory_space<hbm>> -> memref<160x80xf32, #tpu.memory_space<hbm>>
      %dma_start3A_97 = arith.constant 0 : i32
      %dma_start3A_98 = tpu.memref_slice %arg10[%add3A_89, %dma_start3A_97] : memref<10000x80xf32, #tpu.memory_space<vmem_shared>> -> memref<160x80xf32, #tpu.memory_space<vmem_shared>>
      tpu.enqueue_dma source(%dma_start3A_98 : memref<160x80xf32, #tpu.memory_space<vmem_shared>>) target(%dma_start3A_96 : memref<160x80xf32, #tpu.memory_space<hbm>>) target_semaphore(%run_scoped3A_94 : memref<!tpu.dma_semaphore, #tpu.memory_space<semaphore_mem>>)
      %dma_wait3A_99 = arith.constant 0 : i32
      %dma_wait3A_100 = tpu.memref_slice %arg6[%arg0, %add3A_89, %dma_wait3A_99] : memref<2x10000x80xf32, #tpu.memory_space<hbm>> -> memref<1x160x80xf32, #tpu.memory_space<hbm>>
      %dma_wait3A_101 = tpu.memref_squeeze %dma_wait3A_100 : memref<1x160x80xf32, #tpu.memory_space<hbm>> -> memref<160x80xf32, #tpu.memory_space<hbm>>
      %dma_wait3A_102 = arith.constant 0 : i32
      %dma_wait3A_103 = tpu.memref_slice %arg10[%add3A_89, %dma_wait3A_102] : memref<10000x80xf32, #tpu.memory_space<vmem_shared>> -> memref<160x80xf32, #tpu.memory_space<vmem_shared>>
      tpu.wait_dma2 semaphore(%run_scoped3A_94 : memref<!tpu.dma_semaphore, #tpu.memory_space<semaphore_mem>>) src(%dma_wait3A_103 : memref<160x80xf32, #tpu.memory_space<vmem_shared>>) dst(%dma_wait3A_101 : memref<160x80xf32, #tpu.memory_space<hbm>>)
      tpu.yield
    }) : () -> ()
    %add3A_90 = arith.constant 320 : i32
    %add3A_91 = arith.addi %mul3A_6, %add3A_90 : i32
    "tpu.region"() ({
      %run_scoped3A_94 = tpu.sem_alloc : memref<!tpu.dma_semaphore, #tpu.memory_space<semaphore_mem>>
      %dma_start3A = arith.constant 0 : i32
      %dma_start3A_95 = tpu.memref_slice %arg6[%arg0, %add3A_91, %dma_start3A] : memref<2x10000x80xf32, #tpu.memory_space<hbm>> -> memref<1x160x80xf32, #tpu.memory_space<hbm>>
      %dma_start3A_96 = tpu.memref_squeeze %dma_start3A_95 : memref<1x160x80xf32, #tpu.memory_space<hbm>> -> memref<160x80xf32, #tpu.memory_space<hbm>>
      %dma_start3A_97 = arith.constant 0 : i32
      %dma_start3A_98 = tpu.memref_slice %arg10[%add3A_91, %dma_start3A_97] : memref<10000x80xf32, #tpu.memory_space<vmem_shared>> -> memref<160x80xf32, #tpu.memory_space<vmem_shared>>
      tpu.enqueue_dma source(%dma_start3A_98 : memref<160x80xf32, #tpu.memory_space<vmem_shared>>) target(%dma_start3A_96 : memref<160x80xf32, #tpu.memory_space<hbm>>) target_semaphore(%run_scoped3A_94 : memref<!tpu.dma_semaphore, #tpu.memory_space<semaphore_mem>>)
      %dma_wait3A_99 = arith.constant 0 : i32
      %dma_wait3A_100 = tpu.memref_slice %arg6[%arg0, %add3A_91, %dma_wait3A_99] : memref<2x10000x80xf32, #tpu.memory_space<hbm>> -> memref<1x160x80xf32, #tpu.memory_space<hbm>>
      %dma_wait3A_101 = tpu.memref_squeeze %dma_wait3A_100 : memref<1x160x80xf32, #tpu.memory_space<hbm>> -> memref<160x80xf32, #tpu.memory_space<hbm>>
      %dma_wait3A_102 = arith.constant 0 : i32
      %dma_wait3A_103 = tpu.memref_slice %arg10[%add3A_91, %dma_wait3A_102] : memref<10000x80xf32, #tpu.memory_space<vmem_shared>> -> memref<160x80xf32, #tpu.memory_space<vmem_shared>>
      tpu.wait_dma2 semaphore(%run_scoped3A_94 : memref<!tpu.dma_semaphore, #tpu.memory_space<semaphore_mem>>) src(%dma_wait3A_103 : memref<160x80xf32, #tpu.memory_space<vmem_shared>>) dst(%dma_wait3A_101 : memref<160x80xf32, #tpu.memory_space<hbm>>)
      tpu.yield
    }) : () -> ()
    %add3A_92 = arith.constant 480 : i32
    %add3A_93 = arith.addi %mul3A_6, %add3A_92 : i32
    "tpu.region"() ({
      %run_scoped3A_94 = tpu.sem_alloc : memref<!tpu.dma_semaphore, #tpu.memory_space<semaphore_mem>>
      %dma_start3A = arith.constant 0 : i32
      %dma_start3A_95 = tpu.memref_slice %arg6[%arg0, %add3A_93, %dma_start3A] : memref<2x10000x80xf32, #tpu.memory_space<hbm>> -> memref<1x145x80xf32, #tpu.memory_space<hbm>>
      %dma_start3A_96 = tpu.memref_squeeze %dma_start3A_95 : memref<1x145x80xf32, #tpu.memory_space<hbm>> -> memref<145x80xf32, #tpu.memory_space<hbm>>
      %dma_start3A_97 = arith.constant 0 : i32
      %dma_start3A_98 = tpu.memref_slice %arg10[%add3A_93, %dma_start3A_97] : memref<10000x80xf32, #tpu.memory_space<vmem_shared>> -> memref<145x80xf32, #tpu.memory_space<vmem_shared>>
      tpu.enqueue_dma source(%dma_start3A_98 : memref<145x80xf32, #tpu.memory_space<vmem_shared>>) target(%dma_start3A_96 : memref<145x80xf32, #tpu.memory_space<hbm>>) target_semaphore(%run_scoped3A_94 : memref<!tpu.dma_semaphore, #tpu.memory_space<semaphore_mem>>)
      %dma_wait3A_99 = arith.constant 0 : i32
      %dma_wait3A_100 = tpu.memref_slice %arg6[%arg0, %add3A_93, %dma_wait3A_99] : memref<2x10000x80xf32, #tpu.memory_space<hbm>> -> memref<1x145x80xf32, #tpu.memory_space<hbm>>
      %dma_wait3A_101 = tpu.memref_squeeze %dma_wait3A_100 : memref<1x145x80xf32, #tpu.memory_space<hbm>> -> memref<145x80xf32, #tpu.memory_space<hbm>>
      %dma_wait3A_102 = arith.constant 0 : i32
      %dma_wait3A_103 = tpu.memref_slice %arg10[%add3A_93, %dma_wait3A_102] : memref<10000x80xf32, #tpu.memory_space<vmem_shared>> -> memref<145x80xf32, #tpu.memory_space<vmem_shared>>
      tpu.wait_dma2 semaphore(%run_scoped3A_94 : memref<!tpu.dma_semaphore, #tpu.memory_space<semaphore_mem>>) src(%dma_wait3A_103 : memref<145x80xf32, #tpu.memory_space<vmem_shared>>) dst(%dma_wait3A_101 : memref<145x80xf32, #tpu.memory_space<hbm>>)
      tpu.yield
    }) : () -> ()
    return
  }
}

#map = affine_map<(d0, d1) -> (0, 0, 0)>
module attributes {stable_mosaic.version = 14 : i64} {
  func.func @_sc_edge_body(%arg0: i32, %arg1: i32, %arg2: memref<2000x1x160xi32, #tpu.memory_space<hbm>>, %arg3: memref<2000x1x160xi32, #tpu.memory_space<hbm>>, %arg4: memref<2x10000x80xf32, #tpu.memory_space<hbm>>, %arg5: memref<2x10000x80xf32, #tpu.memory_space<hbm>>, %arg6: memref<2x10000x80xf32, #tpu.memory_space<hbm>>, %arg7: memref<125x1x160xi32, #tpu.memory_space<vmem>>, %arg8: memref<125x1x160xi32, #tpu.memory_space<vmem>>, %arg9: memref<3x160x80xf32, #tpu.memory_space<vmem>>, %arg10: memref<10000x80xf32, #tpu.memory_space<vmem_shared>>, %arg11: memref<3x!tpu.dma_semaphore, #tpu.memory_space<semaphore_mem>>) attributes {dimension_semantics = [#tpu.dimension_semantics<core_parallel>, #tpu.dimension_semantics<subcore_parallel>], iteration_bounds = array<i64: 2, 16>, scalar_prefetch = 0 : i64, scratch_operands = 5 : i64, tpu.core_type = #tpu.core_type<sc_vector_subcore>, window_params = [{transform_indices = #map}, {transform_indices = #map}, {transform_indices = #map}, {transform_indices = #map}, {transform_indices = #map}]} {
    %scan3A = arith.constant 0 : i32
    %scan3A_0 = arith.constant 0 : i32
    %scan3A_1 = arith.constant 160 : i32
    %scan3A_2 = arith.addi %scan3A_0, %scan3A_1 : i32
    %scan3A_3 = arith.constant 1 : i32
    %scan3A_4 = scf.for %scan3A_94 = %scan3A_0 to %scan3A_2 step %scan3A_3 iter_args(%scan3A_95 = %scan3A) -> (i32)  : i32 {
      %broadcast_in_dim3A = arith.constant 0.000000e+00 : f32
      %broadcast_in_dim3A_96 = vector.broadcast %broadcast_in_dim3A : f32 to vector<16xf32>
      %swap3A = arith.constant 0 : i32
      %swap3A_97 = arith.index_cast %swap3A : i32 to index
      %swap3A_98 = arith.index_cast %scan3A_94 : i32 to index
      %swap3A_99 = arith.constant 0 : index
      %swap3A_100 = tpu.vector_load %arg9[%swap3A_97, %swap3A_98, %swap3A_99] {strides = array<i32>} : memref<3x160x80xf32, #tpu.memory_space<vmem>>, vector<1x1x16xf32>,
      %swap3A_101 = vector.shape_cast %swap3A_100 : vector<1x1x16xf32> to vector<16xf32>
      %swap3A_102 = vector.shape_cast %broadcast_in_dim3A_96 : vector<16xf32> to vector<1x1x16xf32>
      tpu.vector_store %arg9[%swap3A_97, %swap3A_98, %swap3A_99], %swap3A_102 {strides = array<i32>} : memref<3x160x80xf32, #tpu.memory_space<vmem>>, vector<1x1x16xf32>,
      %broadcast_in_dim3A_103 = arith.constant 0.000000e+00 : f32
      %broadcast_in_dim3A_104 = vector.broadcast %broadcast_in_dim3A_103 : f32 to vector<16xf32>
      %swap3A_105 = arith.constant 0 : i32
      %swap3A_106 = arith.index_cast %swap3A_105 : i32 to index
      %swap3A_107 = arith.index_cast %scan3A_94 : i32 to index
      %swap3A_108 = arith.constant 16 : index
      %swap3A_109 = tpu.vector_load %arg9[%swap3A_106, %swap3A_107, %swap3A_108] {strides = array<i32>} : memref<3x160x80xf32, #tpu.memory_space<vmem>>, vector<1x1x16xf32>,
      %swap3A_110 = vector.shape_cast %swap3A_109 : vector<1x1x16xf32> to vector<16xf32>
      %swap3A_111 = vector.shape_cast %broadcast_in_dim3A_104 : vector<16xf32> to vector<1x1x16xf32>
      tpu.vector_store %arg9[%swap3A_106, %swap3A_107, %swap3A_108], %swap3A_111 {strides = array<i32>} : memref<3x160x80xf32, #tpu.memory_space<vmem>>, vector<1x1x16xf32>,
      %broadcast_in_dim3A_112 = arith.constant 0.000000e+00 : f32
      %broadcast_in_dim3A_113 = vector.broadcast %broadcast_in_dim3A_112 : f32 to vector<16xf32>
      %swap3A_114 = arith.constant 0 : i32
      %swap3A_115 = arith.index_cast %swap3A_114 : i32 to index
      %swap3A_116 = arith.index_cast %scan3A_94 : i32 to index
      %swap3A_117 = arith.constant 32 : index
      %swap3A_118 = tpu.vector_load %arg9[%swap3A_115, %swap3A_116, %swap3A_117] {strides = array<i32>} : memref<3x160x80xf32, #tpu.memory_space<vmem>>, vector<1x1x16xf32>,
      %swap3A_119 = vector.shape_cast %swap3A_118 : vector<1x1x16xf32> to vector<16xf32>
      %swap3A_120 = vector.shape_cast %broadcast_in_dim3A_113 : vector<16xf32> to vector<1x1x16xf32>
      tpu.vector_store %arg9[%swap3A_115, %swap3A_116, %swap3A_117], %swap3A_120 {strides = array<i32>} : memref<3x160x80xf32, #tpu.memory_space<vmem>>, vector<1x1x16xf32>,
      %broadcast_in_dim3A_121 = arith.constant 0.000000e+00 : f32
      %broadcast_in_dim3A_122 = vector.broadcast %broadcast_in_dim3A_121 : f32 to vector<16xf32>
      %swap3A_123 = arith.constant 0 : i32
      %swap3A_124 = arith.index_cast %swap3A_123 : i32 to index
      %swap3A_125 = arith.index_cast %scan3A_94 : i32 to index
      %swap3A_126 = arith.constant 48 : index
      %swap3A_127 = tpu.vector_load %arg9[%swap3A_124, %swap3A_125, %swap3A_126] {strides = array<i32>} : memref<3x160x80xf32, #tpu.memory_space<vmem>>, vector<1x1x16xf32>,
      %swap3A_128 = vector.shape_cast %swap3A_127 : vector<1x1x16xf32> to vector<16xf32>
      %swap3A_129 = vector.shape_cast %broadcast_in_dim3A_122 : vector<16xf32> to vector<1x1x16xf32>
      tpu.vector_store %arg9[%swap3A_124, %swap3A_125, %swap3A_126], %swap3A_129 {strides = array<i32>} : memref<3x160x80xf32, #tpu.memory_space<vmem>>, vector<1x1x16xf32>,
      %broadcast_in_dim3A_130 = arith.constant 0.000000e+00 : f32
      %broadcast_in_dim3A_131 = vector.broadcast %broadcast_in_dim3A_130 : f32 to vector<16xf32>
      %swap3A_132 = arith.constant 0 : i32
      %swap3A_133 = arith.index_cast %swap3A_132 : i32 to index
      %swap3A_134 = arith.index_cast %scan3A_94 : i32 to index
      %swap3A_135 = arith.constant 64 : index
      %swap3A_136 = tpu.vector_load %arg9[%swap3A_133, %swap3A_134, %swap3A_135] {strides = array<i32>} : memref<3x160x80xf32, #tpu.memory_space<vmem>>, vector<1x1x16xf32>,
      %swap3A_137 = vector.shape_cast %swap3A_136 : vector<1x1x16xf32> to vector<16xf32>
      %swap3A_138 = vector.shape_cast %broadcast_in_dim3A_131 : vector<16xf32> to vector<1x1x16xf32>
      tpu.vector_store %arg9[%swap3A_133, %swap3A_134, %swap3A_135], %swap3A_138 {strides = array<i32>} : memref<3x160x80xf32, #tpu.memory_space<vmem>>, vector<1x1x16xf32>,
      %scan3A_139 = arith.constant 0 : i32
      scf.yield %scan3A_139 : i32
    }
    %scan3A_5 = arith.constant 160 : i32
    %mul3A = arith.constant 625 : i32
    %mul3A_6 = arith.muli %arg1, %mul3A : i32
    %add3A = arith.constant 0 : i32
    %add3A_7 = arith.addi %mul3A_6, %add3A : i32
    %run_scoped3A = arith.constant 0 : i32
    "tpu.region"() ({
      %run_scoped3A_94 = tpu.sem_alloc : memref<!tpu.dma_semaphore, #tpu.memory_space<semaphore_mem>>
      %dma_start3A = arith.constant 0 : i32
      %dma_start3A_95 = arith.constant 0 : i32
      %dma_start3A_96 = tpu.memref_slice %arg9[%run_scoped3A, %dma_start3A, %dma_start3A_95] : memref<3x160x80xf32, #tpu.memory_space<vmem>> -> memref<1x160x80xf32, #tpu.memory_space<vmem>>
      %dma_start3A_97 = tpu.memref_squeeze %dma_start3A_96 : memref<1x160x80xf32, #tpu.memory_space<vmem>> -> memref<160x80xf32, #tpu.memory_space<vmem>>
      %dma_start3A_98 = arith.constant 0 : i32
      %dma_start3A_99 = tpu.memref_slice %arg10[%add3A_7, %dma_start3A_98] : memref<10000x80xf32, #tpu.memory_space<vmem_shared>> -> memref<160x80xf32, #tpu.memory_space<vmem_shared>>
      %dma_start3A_100 = arith.constant 0 : i32
      %dma_start3A_101 = tpu.memref_slice %arg10[%add3A_7, %dma_start3A_100] : memref<10000x80xf32, #tpu.memory_space<vmem_shared>> -> memref<160x80xf32, #tpu.memory_space<vmem_shared>>
      %dma_start3A_102 = arith.constant 0 : i32
      %dma_start3A_103 = arith.constant 0 : i32
      %dma_start3A_104 = tpu.memref_slice %arg9[%run_scoped3A, %dma_start3A_102, %dma_start3A_103] : memref<3x160x80xf32, #tpu.memory_space<vmem>> -> memref<1x160x80xf32, #tpu.memory_space<vmem>>
      %dma_start3A_105 = tpu.memref_squeeze %dma_start3A_104 : memref<1x160x80xf32, #tpu.memory_space<vmem>> -> memref<160x80xf32, #tpu.memory_space<vmem>>
      tpu.enqueue_dma source(%dma_start3A_105 : memref<160x80xf32, #tpu.memory_space<vmem>>) target(%dma_start3A_101 : memref<160x80xf32, #tpu.memory_space<vmem_shared>>) target_semaphore(%run_scoped3A_94 : memref<!tpu.dma_semaphore, #tpu.memory_space<semaphore_mem>>)
      %dma_wait3A_106 = arith.constant 0 : i32
      %dma_wait3A_107 = arith.constant 0 : i32
      %dma_wait3A_108 = tpu.memref_slice %arg9[%run_scoped3A, %dma_wait3A_106, %dma_wait3A_107] : memref<3x160x80xf32, #tpu.memory_space<vmem>> -> memref<1x160x80xf32, #tpu.memory_space<vmem>>
      %dma_wait3A_109 = tpu.memref_squeeze %dma_wait3A_108 : memref<1x160x80xf32, #tpu.memory_space<vmem>> -> memref<160x80xf32, #tpu.memory_space<vmem>>
      %dma_wait3A_110 = arith.constant 0 : i32
      %dma_wait3A_111 = tpu.memref_slice %arg10[%add3A_7, %dma_wait3A_110] : memref<10000x80xf32, #tpu.memory_space<vmem_shared>> -> memref<160x80xf32, #tpu.memory_space<vmem_shared>>
      %dma_wait3A_112 = arith.constant 0 : i32
      %dma_wait3A_113 = tpu.memref_slice %arg10[%add3A_7, %dma_wait3A_112] : memref<10000x80xf32, #tpu.memory_space<vmem_shared>> -> memref<160x80xf32, #tpu.memory_space<vmem_shared>>
      %dma_wait3A_114 = arith.constant 0 : i32
      %dma_wait3A_115 = arith.constant 0 : i32
      %dma_wait3A_116 = tpu.memref_slice %arg9[%run_scoped3A, %dma_wait3A_114, %dma_wait3A_115] : memref<3x160x80xf32, #tpu.memory_space<vmem>> -> memref<1x160x80xf32, #tpu.memory_space<vmem>>
      %dma_wait3A_117 = tpu.memref_squeeze %dma_wait3A_116 : memref<1x160x80xf32, #tpu.memory_space<vmem>> -> memref<160x80xf32, #tpu.memory_space<vmem>>
      tpu.wait_dma2 semaphore(%run_scoped3A_94 : memref<!tpu.dma_semaphore, #tpu.memory_space<semaphore_mem>>) src(%dma_wait3A_117 : memref<160x80xf32, #tpu.memory_space<vmem>>) dst(%dma_wait3A_113 : memref<160x80xf32, #tpu.memory_space<vmem_shared>>)
      tpu.yield
    }) : () -> ()
    %add3A_8 = arith.constant 160 : i32
    %add3A_9 = arith.addi %mul3A_6, %add3A_8 : i32
    %run_scoped3A_10 = arith.constant 0 : i32
    "tpu.region"() ({
      %run_scoped3A_94 = tpu.sem_alloc : memref<!tpu.dma_semaphore, #tpu.memory_space<semaphore_mem>>
      %dma_start3A = arith.constant 0 : i32
      %dma_start3A_95 = arith.constant 0 : i32
      %dma_start3A_96 = tpu.memref_slice %arg9[%run_scoped3A_10, %dma_start3A, %dma_start3A_95] : memref<3x160x80xf32, #tpu.memory_space<vmem>> -> memref<1x160x80xf32, #tpu.memory_space<vmem>>
      %dma_start3A_97 = tpu.memref_squeeze %dma_start3A_96 : memref<1x160x80xf32, #tpu.memory_space<vmem>> -> memref<160x80xf32, #tpu.memory_space<vmem>>
      %dma_start3A_98 = arith.constant 0 : i32
      %dma_start3A_99 = tpu.memref_slice %arg10[%add3A_9, %dma_start3A_98] : memref<10000x80xf32, #tpu.memory_space<vmem_shared>> -> memref<160x80xf32, #tpu.memory_space<vmem_shared>>
      %dma_start3A_100 = arith.constant 0 : i32
      %dma_start3A_101 = tpu.memref_slice %arg10[%add3A_9, %dma_start3A_100] : memref<10000x80xf32, #tpu.memory_space<vmem_shared>> -> memref<160x80xf32, #tpu.memory_space<vmem_shared>>
      %dma_start3A_102 = arith.constant 0 : i32
      %dma_start3A_103 = arith.constant 0 : i32
      %dma_start3A_104 = tpu.memref_slice %arg9[%run_scoped3A_10, %dma_start3A_102, %dma_start3A_103] : memref<3x160x80xf32, #tpu.memory_space<vmem>> -> memref<1x160x80xf32, #tpu.memory_space<vmem>>
      %dma_start3A_105 = tpu.memref_squeeze %dma_start3A_104 : memref<1x160x80xf32, #tpu.memory_space<vmem>> -> memref<160x80xf32, #tpu.memory_space<vmem>>
      tpu.enqueue_dma source(%dma_start3A_105 : memref<160x80xf32, #tpu.memory_space<vmem>>) target(%dma_start3A_101 : memref<160x80xf32, #tpu.memory_space<vmem_shared>>) target_semaphore(%run_scoped3A_94 : memref<!tpu.dma_semaphore, #tpu.memory_space<semaphore_mem>>)
      %dma_wait3A_106 = arith.constant 0 : i32
      %dma_wait3A_107 = arith.constant 0 : i32
      %dma_wait3A_108 = tpu.memref_slice %arg9[%run_scoped3A_10, %dma_wait3A_106, %dma_wait3A_107] : memref<3x160x80xf32, #tpu.memory_space<vmem>> -> memref<1x160x80xf32, #tpu.memory_space<vmem>>
      %dma_wait3A_109 = tpu.memref_squeeze %dma_wait3A_108 : memref<1x160x80xf32, #tpu.memory_space<vmem>> -> memref<160x80xf32, #tpu.memory_space<vmem>>
      %dma_wait3A_110 = arith.constant 0 : i32
      %dma_wait3A_111 = tpu.memref_slice %arg10[%add3A_9, %dma_wait3A_110] : memref<10000x80xf32, #tpu.memory_space<vmem_shared>> -> memref<160x80xf32, #tpu.memory_space<vmem_shared>>
      %dma_wait3A_112 = arith.constant 0 : i32
      %dma_wait3A_113 = tpu.memref_slice %arg10[%add3A_9, %dma_wait3A_112] : memref<10000x80xf32, #tpu.memory_space<vmem_shared>> -> memref<160x80xf32, #tpu.memory_space<vmem_shared>>
      %dma_wait3A_114 = arith.constant 0 : i32
      %dma_wait3A_115 = arith.constant 0 : i32
      %dma_wait3A_116 = tpu.memref_slice %arg9[%run_scoped3A_10, %dma_wait3A_114, %dma_wait3A_115] : memref<3x160x80xf32, #tpu.memory_space<vmem>> -> memref<1x160x80xf32, #tpu.memory_space<vmem>>
      %dma_wait3A_117 = tpu.memref_squeeze %dma_wait3A_116 : memref<1x160x80xf32, #tpu.memory_space<vmem>> -> memref<160x80xf32, #tpu.memory_space<vmem>>
      tpu.wait_dma2 semaphore(%run_scoped3A_94 : memref<!tpu.dma_semaphore, #tpu.memory_space<semaphore_mem>>) src(%dma_wait3A_117 : memref<160x80xf32, #tpu.memory_space<vmem>>) dst(%dma_wait3A_113 : memref<160x80xf32, #tpu.memory_space<vmem_shared>>)
      tpu.yield
    }) : () -> ()
    %add3A_11 = arith.constant 320 : i32
    %add3A_12 = arith.addi %mul3A_6, %add3A_11 : i32
    %run_scoped3A_13 = arith.constant 0 : i32
    "tpu.region"() ({
      %run_scoped3A_94 = tpu.sem_alloc : memref<!tpu.dma_semaphore, #tpu.memory_space<semaphore_mem>>
      %dma_start3A = arith.constant 0 : i32
      %dma_start3A_95 = arith.constant 0 : i32
      %dma_start3A_96 = tpu.memref_slice %arg9[%run_scoped3A_13, %dma_start3A, %dma_start3A_95] : memref<3x160x80xf32, #tpu.memory_space<vmem>> -> memref<1x160x80xf32, #tpu.memory_space<vmem>>
      %dma_start3A_97 = tpu.memref_squeeze %dma_start3A_96 : memref<1x160x80xf32, #tpu.memory_space<vmem>> -> memref<160x80xf32, #tpu.memory_space<vmem>>
      %dma_start3A_98 = arith.constant 0 : i32
      %dma_start3A_99 = tpu.memref_slice %arg10[%add3A_12, %dma_start3A_98] : memref<10000x80xf32, #tpu.memory_space<vmem_shared>> -> memref<160x80xf32, #tpu.memory_space<vmem_shared>>
      %dma_start3A_100 = arith.constant 0 : i32
      %dma_start3A_101 = tpu.memref_slice %arg10[%add3A_12, %dma_start3A_100] : memref<10000x80xf32, #tpu.memory_space<vmem_shared>> -> memref<160x80xf32, #tpu.memory_space<vmem_shared>>
      %dma_start3A_102 = arith.constant 0 : i32
      %dma_start3A_103 = arith.constant 0 : i32
      %dma_start3A_104 = tpu.memref_slice %arg9[%run_scoped3A_13, %dma_start3A_102, %dma_start3A_103] : memref<3x160x80xf32, #tpu.memory_space<vmem>> -> memref<1x160x80xf32, #tpu.memory_space<vmem>>
      %dma_start3A_105 = tpu.memref_squeeze %dma_start3A_104 : memref<1x160x80xf32, #tpu.memory_space<vmem>> -> memref<160x80xf32, #tpu.memory_space<vmem>>
      tpu.enqueue_dma source(%dma_start3A_105 : memref<160x80xf32, #tpu.memory_space<vmem>>) target(%dma_start3A_101 : memref<160x80xf32, #tpu.memory_space<vmem_shared>>) target_semaphore(%run_scoped3A_94 : memref<!tpu.dma_semaphore, #tpu.memory_space<semaphore_mem>>)
      %dma_wait3A_106 = arith.constant 0 : i32
      %dma_wait3A_107 = arith.constant 0 : i32
      %dma_wait3A_108 = tpu.memref_slice %arg9[%run_scoped3A_13, %dma_wait3A_106, %dma_wait3A_107] : memref<3x160x80xf32, #tpu.memory_space<vmem>> -> memref<1x160x80xf32, #tpu.memory_space<vmem>>
      %dma_wait3A_109 = tpu.memref_squeeze %dma_wait3A_108 : memref<1x160x80xf32, #tpu.memory_space<vmem>> -> memref<160x80xf32, #tpu.memory_space<vmem>>
      %dma_wait3A_110 = arith.constant 0 : i32
      %dma_wait3A_111 = tpu.memref_slice %arg10[%add3A_12, %dma_wait3A_110] : memref<10000x80xf32, #tpu.memory_space<vmem_shared>> -> memref<160x80xf32, #tpu.memory_space<vmem_shared>>
      %dma_wait3A_112 = arith.constant 0 : i32
      %dma_wait3A_113 = tpu.memref_slice %arg10[%add3A_12, %dma_wait3A_112] : memref<10000x80xf32, #tpu.memory_space<vmem_shared>> -> memref<160x80xf32, #tpu.memory_space<vmem_shared>>
      %dma_wait3A_114 = arith.constant 0 : i32
      %dma_wait3A_115 = arith.constant 0 : i32
      %dma_wait3A_116 = tpu.memref_slice %arg9[%run_scoped3A_13, %dma_wait3A_114, %dma_wait3A_115] : memref<3x160x80xf32, #tpu.memory_space<vmem>> -> memref<1x160x80xf32, #tpu.memory_space<vmem>>
      %dma_wait3A_117 = tpu.memref_squeeze %dma_wait3A_116 : memref<1x160x80xf32, #tpu.memory_space<vmem>> -> memref<160x80xf32, #tpu.memory_space<vmem>>
      tpu.wait_dma2 semaphore(%run_scoped3A_94 : memref<!tpu.dma_semaphore, #tpu.memory_space<semaphore_mem>>) src(%dma_wait3A_117 : memref<160x80xf32, #tpu.memory_space<vmem>>) dst(%dma_wait3A_113 : memref<160x80xf32, #tpu.memory_space<vmem_shared>>)
      tpu.yield
    }) : () -> ()
    %add3A_14 = arith.constant 480 : i32
    %add3A_15 = arith.addi %mul3A_6, %add3A_14 : i32
    %run_scoped3A_16 = arith.constant 0 : i32
    "tpu.region"() ({
      %run_scoped3A_94 = tpu.sem_alloc : memref<!tpu.dma_semaphore, #tpu.memory_space<semaphore_mem>>
      %dma_start3A = arith.constant 0 : i32
      %dma_start3A_95 = arith.constant 0 : i32
      %dma_start3A_96 = tpu.memref_slice %arg9[%run_scoped3A_16, %dma_start3A, %dma_start3A_95] : memref<3x160x80xf32, #tpu.memory_space<vmem>> -> memref<1x145x80xf32, #tpu.memory_space<vmem>>
      %dma_start3A_97 = tpu.memref_squeeze %dma_start3A_96 : memref<1x145x80xf32, #tpu.memory_space<vmem>> -> memref<145x80xf32, #tpu.memory_space<vmem>>
      %dma_start3A_98 = arith.constant 0 : i32
      %dma_start3A_99 = tpu.memref_slice %arg10[%add3A_15, %dma_start3A_98] : memref<10000x80xf32, #tpu.memory_space<vmem_shared>> -> memref<145x80xf32, #tpu.memory_space<vmem_shared>>
      %dma_start3A_100 = arith.constant 0 : i32
      %dma_start3A_101 = tpu.memref_slice %arg10[%add3A_15, %dma_start3A_100] : memref<10000x80xf32, #tpu.memory_space<vmem_shared>> -> memref<145x80xf32, #tpu.memory_space<vmem_shared>>
      %dma_start3A_102 = arith.constant 0 : i32
      %dma_start3A_103 = arith.constant 0 : i32
      %dma_start3A_104 = tpu.memref_slice %arg9[%run_scoped3A_16, %dma_start3A_102, %dma_start3A_103] : memref<3x160x80xf32, #tpu.memory_space<vmem>> -> memref<1x145x80xf32, #tpu.memory_space<vmem>>
      %dma_start3A_105 = tpu.memref_squeeze %dma_start3A_104 : memref<1x145x80xf32, #tpu.memory_space<vmem>> -> memref<145x80xf32, #tpu.memory_space<vmem>>
      tpu.enqueue_dma source(%dma_start3A_105 : memref<145x80xf32, #tpu.memory_space<vmem>>) target(%dma_start3A_101 : memref<145x80xf32, #tpu.memory_space<vmem_shared>>) target_semaphore(%run_scoped3A_94 : memref<!tpu.dma_semaphore, #tpu.memory_space<semaphore_mem>>)
      %dma_wait3A_106 = arith.constant 0 : i32
      %dma_wait3A_107 = arith.constant 0 : i32
      %dma_wait3A_108 = tpu.memref_slice %arg9[%run_scoped3A_16, %dma_wait3A_106, %dma_wait3A_107] : memref<3x160x80xf32, #tpu.memory_space<vmem>> -> memref<1x145x80xf32, #tpu.memory_space<vmem>>
      %dma_wait3A_109 = tpu.memref_squeeze %dma_wait3A_108 : memref<1x145x80xf32, #tpu.memory_space<vmem>> -> memref<145x80xf32, #tpu.memory_space<vmem>>
      %dma_wait3A_110 = arith.constant 0 : i32
      %dma_wait3A_111 = tpu.memref_slice %arg10[%add3A_15, %dma_wait3A_110] : memref<10000x80xf32, #tpu.memory_space<vmem_shared>> -> memref<145x80xf32, #tpu.memory_space<vmem_shared>>
      %dma_wait3A_112 = arith.constant 0 : i32
      %dma_wait3A_113 = tpu.memref_slice %arg10[%add3A_15, %dma_wait3A_112] : memref<10000x80xf32, #tpu.memory_space<vmem_shared>> -> memref<145x80xf32, #tpu.memory_space<vmem_shared>>
      %dma_wait3A_114 = arith.constant 0 : i32
      %dma_wait3A_115 = arith.constant 0 : i32
      %dma_wait3A_116 = tpu.memref_slice %arg9[%run_scoped3A_16, %dma_wait3A_114, %dma_wait3A_115] : memref<3x160x80xf32, #tpu.memory_space<vmem>> -> memref<1x145x80xf32, #tpu.memory_space<vmem>>
      %dma_wait3A_117 = tpu.memref_squeeze %dma_wait3A_116 : memref<1x145x80xf32, #tpu.memory_space<vmem>> -> memref<145x80xf32, #tpu.memory_space<vmem>>
      tpu.wait_dma2 semaphore(%run_scoped3A_94 : memref<!tpu.dma_semaphore, #tpu.memory_space<semaphore_mem>>) src(%dma_wait3A_117 : memref<145x80xf32, #tpu.memory_space<vmem>>) dst(%dma_wait3A_113 : memref<145x80xf32, #tpu.memory_space<vmem_shared>>)
      tpu.yield
    }) : () -> ()
    %barrier3A = arith.constant 0 : index
    tpu.barrier barrier_id(%barrier3A)
    %mul3A_17 = arith.constant 125 : i32
    %mul3A_18 = arith.muli %arg1, %mul3A_17 : i32
    "tpu.region"() ({
      %run_scoped3A_94 = tpu.sem_alloc : memref<!tpu.dma_semaphore, #tpu.memory_space<semaphore_mem>>
      %dma_start3A = arith.constant 0 : i32
      %dma_start3A_95 = arith.constant 0 : i32
      %dma_start3A_96 = tpu.memref_slice %arg2[%mul3A_18, %dma_start3A, %dma_start3A_95] : memref<2000x1x160xi32, #tpu.memory_space<hbm>> -> memref<125x1x160xi32, #tpu.memory_space<hbm>>
      %dma_start3A_97 = arith.constant 0 : i32
      %dma_start3A_98 = arith.constant 0 : i32
      %dma_start3A_99 = tpu.memref_slice %arg2[%mul3A_18, %dma_start3A_97, %dma_start3A_98] : memref<2000x1x160xi32, #tpu.memory_space<hbm>> -> memref<125x1x160xi32, #tpu.memory_space<hbm>>
      tpu.enqueue_dma source(%dma_start3A_99 : memref<125x1x160xi32, #tpu.memory_space<hbm>>) target(%arg7 : memref<125x1x160xi32, #tpu.memory_space<vmem>>) target_semaphore(%run_scoped3A_94 : memref<!tpu.dma_semaphore, #tpu.memory_space<semaphore_mem>>)
      %dma_wait3A_100 = arith.constant 0 : i32
      %dma_wait3A_101 = arith.constant 0 : i32
      %dma_wait3A_102 = tpu.memref_slice %arg2[%mul3A_18, %dma_wait3A_100, %dma_wait3A_101] : memref<2000x1x160xi32, #tpu.memory_space<hbm>> -> memref<125x1x160xi32, #tpu.memory_space<hbm>>
      %dma_wait3A_103 = arith.constant 0 : i32
      %dma_wait3A_104 = arith.constant 0 : i32
      %dma_wait3A_105 = tpu.memref_slice %arg2[%mul3A_18, %dma_wait3A_103, %dma_wait3A_104] : memref<2000x1x160xi32, #tpu.memory_space<hbm>> -> memref<125x1x160xi32, #tpu.memory_space<hbm>>
      tpu.wait_dma2 semaphore(%run_scoped3A_94 : memref<!tpu.dma_semaphore, #tpu.memory_space<semaphore_mem>>) src(%dma_wait3A_105 : memref<125x1x160xi32, #tpu.memory_space<hbm>>) dst(%arg7 : memref<125x1x160xi32, #tpu.memory_space<vmem>>)
      tpu.yield
    }) : () -> ()
    "tpu.region"() ({
      %run_scoped3A_94 = tpu.sem_alloc : memref<!tpu.dma_semaphore, #tpu.memory_space<semaphore_mem>>
      %dma_start3A = arith.constant 0 : i32
      %dma_start3A_95 = arith.constant 0 : i32
      %dma_start3A_96 = tpu.memref_slice %arg3[%mul3A_18, %dma_start3A, %dma_start3A_95] : memref<2000x1x160xi32, #tpu.memory_space<hbm>> -> memref<125x1x160xi32, #tpu.memory_space<hbm>>
      %dma_start3A_97 = arith.constant 0 : i32
      %dma_start3A_98 = arith.constant 0 : i32
      %dma_start3A_99 = tpu.memref_slice %arg3[%mul3A_18, %dma_start3A_97, %dma_start3A_98] : memref<2000x1x160xi32, #tpu.memory_space<hbm>> -> memref<125x1x160xi32, #tpu.memory_space<hbm>>
      tpu.enqueue_dma source(%dma_start3A_99 : memref<125x1x160xi32, #tpu.memory_space<hbm>>) target(%arg8 : memref<125x1x160xi32, #tpu.memory_space<vmem>>) target_semaphore(%run_scoped3A_94 : memref<!tpu.dma_semaphore, #tpu.memory_space<semaphore_mem>>)
      %dma_wait3A_100 = arith.constant 0 : i32
      %dma_wait3A_101 = arith.constant 0 : i32
      %dma_wait3A_102 = tpu.memref_slice %arg3[%mul3A_18, %dma_wait3A_100, %dma_wait3A_101] : memref<2000x1x160xi32, #tpu.memory_space<hbm>> -> memref<125x1x160xi32, #tpu.memory_space<hbm>>
      %dma_wait3A_103 = arith.constant 0 : i32
      %dma_wait3A_104 = arith.constant 0 : i32
      %dma_wait3A_105 = tpu.memref_slice %arg3[%mul3A_18, %dma_wait3A_103, %dma_wait3A_104] : memref<2000x1x160xi32, #tpu.memory_space<hbm>> -> memref<125x1x160xi32, #tpu.memory_space<hbm>>
      tpu.wait_dma2 semaphore(%run_scoped3A_94 : memref<!tpu.dma_semaphore, #tpu.memory_space<semaphore_mem>>) src(%dma_wait3A_105 : memref<125x1x160xi32, #tpu.memory_space<hbm>>) dst(%arg8 : memref<125x1x160xi32, #tpu.memory_space<vmem>>)
      tpu.yield
    }) : () -> ()
    %scan3A_19 = arith.constant 0 : i32
    %scan3A_20 = arith.constant 0 : i32
    %scan3A_21 = arith.constant 127 : i32
    %scan3A_22 = arith.addi %scan3A_20, %scan3A_21 : i32
    %scan3A_23 = arith.constant 1 : i32
    %scan3A_24 = scf.for %scan3A_94 = %scan3A_20 to %scan3A_22 step %scan3A_23 iter_args(%scan3A_95 = %scan3A_19) -> (i32)  : i32 {
      %rem3A = arith.constant 3 : i32
      %rem3A_96 = arith.remsi %scan3A_94, %rem3A : i32
      %add3A_97 = arith.constant 3 : i32
      %add3A_98 = arith.addi %scan3A_94, %add3A_97 : i32
      %sub3A = arith.constant 1 : i32
      %sub3A_99 = arith.subi %add3A_98, %sub3A : i32
      %rem3A_100 = arith.constant 3 : i32
      %rem3A_101 = arith.remsi %sub3A_99, %rem3A_100 : i32
      %add3A_102 = arith.constant 3 : i32
      %add3A_103 = arith.addi %scan3A_94, %add3A_102 : i32
      %sub3A_104 = arith.constant 2 : i32
      %sub3A_105 = arith.subi %add3A_103, %sub3A_104 : i32
      %rem3A_106 = arith.constant 3 : i32
      %rem3A_107 = arith.remsi %sub3A_105, %rem3A_106 : i32
      %ge3A = arith.constant 3 : i32
      %ge3A_108 = arith.cmpi sge, %scan3A_94, %ge3A : i32
      %lt3A = arith.constant 125 : i32
      %lt3A_109 = arith.cmpi slt, %scan3A_94, %lt3A : i32
      %and3A = arith.andi %ge3A_108, %lt3A_109 : i1
      %convert_element_type3A = arith.extui %and3A : i1 to i32
      %cond3A = arith.constant 0 : i32
      %cond3A_110 = arith.cmpi ne, %convert_element_type3A, %cond3A : i32
      scf.if %cond3A_110 {
        %dma_wait3A_130 = arith.constant 0 : i32
        %dma_wait3A_131 = arith.constant 0 : i32
        %dma_wait3A_132 = arith.constant 0 : i32
        %dma_wait3A_133 = arith.constant 0 : i32
        %dma_wait3A_134 = tpu.memref_slice %arg9[%rem3A_96, %dma_wait3A_132, %dma_wait3A_133] : memref<3x160x80xf32, #tpu.memory_space<vmem>> -> memref<1x160x80xf32, #tpu.memory_space<vmem>>
        %dma_wait3A_135 = tpu.memref_squeeze %dma_wait3A_134 : memref<1x160x80xf32, #tpu.memory_space<vmem>> -> memref<160x80xf32, #tpu.memory_space<vmem>>
        %dma_wait3A_136 = arith.constant 0 : i32
        %dma_wait3A_137 = tpu.memref_slice %arg8[%dma_wait3A_130, %dma_wait3A_131, %dma_wait3A_136] : memref<125x1x160xi32, #tpu.memory_space<vmem>> -> memref<1x1x160xi32, #tpu.memory_space<vmem>>
        %dma_wait3A_138 = tpu.memref_squeeze %dma_wait3A_137 : memref<1x1x160xi32, #tpu.memory_space<vmem>> -> memref<160xi32, #tpu.memory_space<vmem>>
        %dma_wait3A_139 = arith.constant 0 : i32
        %dma_wait3A_140 = arith.constant 0 : i32
        %dma_wait3A_141 = tpu.memref_slice %arg4[%arg0, %dma_wait3A_139, %dma_wait3A_140] : memref<2x10000x80xf32, #tpu.memory_space<hbm>> -> memref<1x10000x80xf32, #tpu.memory_space<hbm>>
        %dma_wait3A_142 = tpu.memref_squeeze %dma_wait3A_141 : memref<1x10000x80xf32, #tpu.memory_space<hbm>> -> memref<10000x80xf32, #tpu.memory_space<hbm>>
        %dma_wait3A_143 = arith.constant 0 : i32
        %dma_wait3A_144 = arith.constant 0 : i32
        %dma_wait3A_145 = tpu.memref_slice %dma_wait3A_142[%dma_wait3A_143, %dma_wait3A_144] : memref<10000x80xf32, #tpu.memory_space<hbm>> -> memref<10000x80xf32, #tpu.memory_space<hbm>>
        %dma_wait3A_146 = tpu.memref_slice %arg11[%rem3A_96] : memref<3x!tpu.dma_semaphore, #tpu.memory_space<semaphore_mem>> -> memref<1x!tpu.dma_semaphore, #tpu.memory_space<semaphore_mem>>
        %dma_wait3A_147 = tpu.memref_squeeze %dma_wait3A_146 : memref<1x!tpu.dma_semaphore, #tpu.memory_space<semaphore_mem>> -> memref<!tpu.dma_semaphore, #tpu.memory_space<semaphore_mem>>
        tpu.wait_indirect_dma semaphore(%dma_wait3A_147 : memref<!tpu.dma_semaphore, #tpu.memory_space<semaphore_mem>>) src(%dma_wait3A_145 : memref<10000x80xf32, #tpu.memory_space<hbm>>) dst(%dma_wait3A_135 : memref<160x80xf32, #tpu.memory_space<vmem>>)
      } else {
      }
      %lt3A_111 = arith.constant 125 : i32
      %lt3A_112 = arith.cmpi slt, %scan3A_94, %lt3A_111 : i32
      %convert_element_type3A_113 = arith.extui %lt3A_112 : i1 to i32
      %cond3A_114 = arith.constant 0 : i32
      %cond3A_115 = arith.cmpi ne, %convert_element_type3A_113, %cond3A_114 : i32
      scf.if %cond3A_115 {
        %dma_start3A = arith.constant 0 : i32
        %dma_start3A_130 = arith.constant 0 : i32
        %dma_start3A_131 = arith.constant 0 : i32
        %dma_start3A_132 = tpu.memref_slice %arg9[%rem3A_96, %dma_start3A_130, %dma_start3A_131] : memref<3x160x80xf32, #tpu.memory_space<vmem>> -> memref<1x160x80xf32, #tpu.memory_space<vmem>>
        %dma_start3A_133 = tpu.memref_squeeze %dma_start3A_132 : memref<1x160x80xf32, #tpu.memory_space<vmem>> -> memref<160x80xf32, #tpu.memory_space<vmem>>
        %dma_start3A_134 = arith.constant 0 : i32
        %dma_start3A_135 = tpu.memref_slice %arg8[%scan3A_94, %dma_start3A, %dma_start3A_134] : memref<125x1x160xi32, #tpu.memory_space<vmem>> -> memref<1x1x160xi32, #tpu.memory_space<vmem>>
        %dma_start3A_136 = tpu.memref_squeeze %dma_start3A_135 : memref<1x1x160xi32, #tpu.memory_space<vmem>> -> memref<160xi32, #tpu.memory_space<vmem>>
        %dma_start3A_137 = arith.constant 0 : i32
        %dma_start3A_138 = arith.constant 0 : i32
        %dma_start3A_139 = tpu.memref_slice %arg4[%arg0, %dma_start3A_137, %dma_start3A_138] : memref<2x10000x80xf32, #tpu.memory_space<hbm>> -> memref<1x10000x80xf32, #tpu.memory_space<hbm>>
        %dma_start3A_140 = tpu.memref_squeeze %dma_start3A_139 : memref<1x10000x80xf32, #tpu.memory_space<hbm>> -> memref<10000x80xf32, #tpu.memory_space<hbm>>
        %dma_start3A_141 = arith.constant 0 : i32
        %dma_start3A_142 = arith.constant 0 : i32
        %dma_start3A_143 = tpu.memref_slice %dma_start3A_140[%dma_start3A_141, %dma_start3A_142] : memref<10000x80xf32, #tpu.memory_space<hbm>> -> memref<10000x80xf32, #tpu.memory_space<hbm>>
        %dma_start3A_144 = tpu.memref_slice %arg11[%rem3A_96] : memref<3x!tpu.dma_semaphore, #tpu.memory_space<semaphore_mem>> -> memref<1x!tpu.dma_semaphore, #tpu.memory_space<semaphore_mem>>
        %dma_start3A_145 = tpu.memref_squeeze %dma_start3A_144 : memref<1x!tpu.dma_semaphore, #tpu.memory_space<semaphore_mem>> -> memref<!tpu.dma_semaphore, #tpu.memory_space<semaphore_mem>>
        tpu.enqueue_indirect_dma source(%dma_start3A_143 : memref<10000x80xf32, #tpu.memory_space<hbm>>) target(%dma_start3A_133 : memref<160x80xf32, #tpu.memory_space<vmem>>) offsets(%dma_start3A_136 : memref<160xi32, #tpu.memory_space<vmem>>) semaphore(%dma_start3A_145 : memref<!tpu.dma_semaphore, #tpu.memory_space<semaphore_mem>>)
      } else {
      }
      %ge3A_116 = arith.constant 1 : i32
      %ge3A_117 = arith.cmpi sge, %scan3A_94, %ge3A_116 : i32
      %lt3A_118 = arith.constant 126 : i32
      %lt3A_119 = arith.cmpi slt, %scan3A_94, %lt3A_118 : i32
      %and3A_120 = arith.andi %ge3A_117, %lt3A_119 : i1
      %convert_element_type3A_121 = arith.extui %and3A_120 : i1 to i32
      %cond3A_122 = arith.constant 0 : i32
      %cond3A_123 = arith.cmpi ne, %convert_element_type3A_121, %cond3A_122 : i32
      scf.if %cond3A_123 {
        %dma_wait3A_130 = arith.constant 0 : i32
        %dma_wait3A_131 = arith.constant 0 : i32
        %dma_wait3A_132 = arith.constant 0 : i32
        %dma_wait3A_133 = arith.constant 0 : i32
        %dma_wait3A_134 = tpu.memref_slice %arg9[%rem3A_101, %dma_wait3A_132, %dma_wait3A_133] : memref<3x160x80xf32, #tpu.memory_space<vmem>> -> memref<1x160x80xf32, #tpu.memory_space<vmem>>
        %dma_wait3A_135 = tpu.memref_squeeze %dma_wait3A_134 : memref<1x160x80xf32, #tpu.memory_space<vmem>> -> memref<160x80xf32, #tpu.memory_space<vmem>>
        %dma_wait3A_136 = arith.constant 0 : i32
        %dma_wait3A_137 = tpu.memref_slice %arg8[%dma_wait3A_130, %dma_wait3A_131, %dma_wait3A_136] : memref<125x1x160xi32, #tpu.memory_space<vmem>> -> memref<1x1x160xi32, #tpu.memory_space<vmem>>
        %dma_wait3A_138 = tpu.memref_squeeze %dma_wait3A_137 : memref<1x1x160xi32, #tpu.memory_space<vmem>> -> memref<160xi32, #tpu.memory_space<vmem>>
        %dma_wait3A_139 = arith.constant 0 : i32
        %dma_wait3A_140 = arith.constant 0 : i32
        %dma_wait3A_141 = tpu.memref_slice %arg4[%arg0, %dma_wait3A_139, %dma_wait3A_140] : memref<2x10000x80xf32, #tpu.memory_space<hbm>> -> memref<1x10000x80xf32, #tpu.memory_space<hbm>>
        %dma_wait3A_142 = tpu.memref_squeeze %dma_wait3A_141 : memref<1x10000x80xf32, #tpu.memory_space<hbm>> -> memref<10000x80xf32, #tpu.memory_space<hbm>>
        %dma_wait3A_143 = arith.constant 0 : i32
        %dma_wait3A_144 = arith.constant 0 : i32
        %dma_wait3A_145 = tpu.memref_slice %dma_wait3A_142[%dma_wait3A_143, %dma_wait3A_144] : memref<10000x80xf32, #tpu.memory_space<hbm>> -> memref<10000x80xf32, #tpu.memory_space<hbm>>
        %dma_wait3A_146 = tpu.memref_slice %arg11[%rem3A_101] : memref<3x!tpu.dma_semaphore, #tpu.memory_space<semaphore_mem>> -> memref<1x!tpu.dma_semaphore, #tpu.memory_space<semaphore_mem>>
        %dma_wait3A_147 = tpu.memref_squeeze %dma_wait3A_146 : memref<1x!tpu.dma_semaphore, #tpu.memory_space<semaphore_mem>> -> memref<!tpu.dma_semaphore, #tpu.memory_space<semaphore_mem>>
        tpu.wait_indirect_dma semaphore(%dma_wait3A_147 : memref<!tpu.dma_semaphore, #tpu.memory_space<semaphore_mem>>) src(%dma_wait3A_145 : memref<10000x80xf32, #tpu.memory_space<hbm>>) dst(%dma_wait3A_135 : memref<160x80xf32, #tpu.memory_space<vmem>>)
        %sub3A_148 = arith.constant 1 : i32
        %sub3A_149 = arith.subi %scan3A_94, %sub3A_148 : i32
        %dma_start3A = arith.constant 0 : i32
        %dma_start3A_150 = arith.constant 0 : i32
        %dma_start3A_151 = arith.constant 0 : i32
        %dma_start3A_152 = tpu.memref_slice %arg9[%rem3A_101, %dma_start3A_150, %dma_start3A_151] : memref<3x160x80xf32, #tpu.memory_space<vmem>> -> memref<1x160x80xf32, #tpu.memory_space<vmem>>
        %dma_start3A_153 = tpu.memref_squeeze %dma_start3A_152 : memref<1x160x80xf32, #tpu.memory_space<vmem>> -> memref<160x80xf32, #tpu.memory_space<vmem>>
        %dma_start3A_154 = arith.constant 0 : i32
        %dma_start3A_155 = tpu.memref_slice %arg7[%sub3A_149, %dma_start3A, %dma_start3A_154] : memref<125x1x160xi32, #tpu.memory_space<vmem>> -> memref<1x1x160xi32, #tpu.memory_space<vmem>>
        %dma_start3A_156 = tpu.memref_squeeze %dma_start3A_155 : memref<1x1x160xi32, #tpu.memory_space<vmem>> -> memref<160xi32, #tpu.memory_space<vmem>>
        %dma_start3A_157 = arith.constant 0 : i32
        %dma_start3A_158 = arith.constant 0 : i32
        %dma_start3A_159 = tpu.memref_slice %arg5[%arg0, %dma_start3A_157, %dma_start3A_158] : memref<2x10000x80xf32, #tpu.memory_space<hbm>> -> memref<1x10000x80xf32, #tpu.memory_space<hbm>>
        %dma_start3A_160 = tpu.memref_squeeze %dma_start3A_159 : memref<1x10000x80xf32, #tpu.memory_space<hbm>> -> memref<10000x80xf32, #tpu.memory_space<hbm>>
        %dma_start3A_161 = arith.constant 0 : i32
        %dma_start3A_162 = arith.constant 0 : i32
        %dma_start3A_163 = tpu.memref_slice %dma_start3A_160[%dma_start3A_161, %dma_start3A_162] : memref<10000x80xf32, #tpu.memory_space<hbm>> -> memref<10000x80xf32, #tpu.memory_space<hbm>>
        %dma_start3A_164 = tpu.memref_slice %arg11[%rem3A_101] : memref<3x!tpu.dma_semaphore, #tpu.memory_space<semaphore_mem>> -> memref<1x!tpu.dma_semaphore, #tpu.memory_space<semaphore_mem>>
        %dma_start3A_165 = tpu.memref_squeeze %dma_start3A_164 : memref<1x!tpu.dma_semaphore, #tpu.memory_space<semaphore_mem>> -> memref<!tpu.dma_semaphore, #tpu.memory_space<semaphore_mem>>
        tpu.enqueue_indirect_dma source(%dma_start3A_163 : memref<10000x80xf32, #tpu.memory_space<hbm>>) target(%dma_start3A_153 : memref<160x80xf32, #tpu.memory_space<vmem>>) offsets(%dma_start3A_156 : memref<160xi32, #tpu.memory_space<vmem>>) semaphore(%dma_start3A_165 : memref<!tpu.dma_semaphore, #tpu.memory_space<semaphore_mem>>) {add = true}
      } else {
      }
      %ge3A_124 = arith.constant 2 : i32
      %ge3A_125 = arith.cmpi sge, %scan3A_94, %ge3A_124 : i32
      %convert_element_type3A_126 = arith.extui %ge3A_125 : i1 to i32
      %cond3A_127 = arith.constant 0 : i32
      %cond3A_128 = arith.cmpi ne, %convert_element_type3A_126, %cond3A_127 : i32
      scf.if %cond3A_128 {
        %dma_wait3A_130 = arith.constant 0 : i32
        %dma_wait3A_131 = arith.constant 0 : i32
        %dma_wait3A_132 = arith.constant 0 : i32
        %dma_wait3A_133 = arith.constant 0 : i32
        %dma_wait3A_134 = tpu.memref_slice %arg9[%rem3A_107, %dma_wait3A_132, %dma_wait3A_133] : memref<3x160x80xf32, #tpu.memory_space<vmem>> -> memref<1x160x80xf32, #tpu.memory_space<vmem>>
        %dma_wait3A_135 = tpu.memref_squeeze %dma_wait3A_134 : memref<1x160x80xf32, #tpu.memory_space<vmem>> -> memref<160x80xf32, #tpu.memory_space<vmem>>
        %dma_wait3A_136 = arith.constant 0 : i32
        %dma_wait3A_137 = tpu.memref_slice %arg8[%dma_wait3A_130, %dma_wait3A_131, %dma_wait3A_136] : memref<125x1x160xi32, #tpu.memory_space<vmem>> -> memref<1x1x160xi32, #tpu.memory_space<vmem>>
        %dma_wait3A_138 = tpu.memref_squeeze %dma_wait3A_137 : memref<1x1x160xi32, #tpu.memory_space<vmem>> -> memref<160xi32, #tpu.memory_space<vmem>>
        %dma_wait3A_139 = arith.constant 0 : i32
        %dma_wait3A_140 = arith.constant 0 : i32
        %dma_wait3A_141 = tpu.memref_slice %arg4[%arg0, %dma_wait3A_139, %dma_wait3A_140] : memref<2x10000x80xf32, #tpu.memory_space<hbm>> -> memref<1x10000x80xf32, #tpu.memory_space<hbm>>
        %dma_wait3A_142 = tpu.memref_squeeze %dma_wait3A_141 : memref<1x10000x80xf32, #tpu.memory_space<hbm>> -> memref<10000x80xf32, #tpu.memory_space<hbm>>
        %dma_wait3A_143 = arith.constant 0 : i32
        %dma_wait3A_144 = arith.constant 0 : i32
        %dma_wait3A_145 = tpu.memref_slice %dma_wait3A_142[%dma_wait3A_143, %dma_wait3A_144] : memref<10000x80xf32, #tpu.memory_space<hbm>> -> memref<10000x80xf32, #tpu.memory_space<hbm>>
        %dma_wait3A_146 = tpu.memref_slice %arg11[%rem3A_107] : memref<3x!tpu.dma_semaphore, #tpu.memory_space<semaphore_mem>> -> memref<1x!tpu.dma_semaphore, #tpu.memory_space<semaphore_mem>>
        %dma_wait3A_147 = tpu.memref_squeeze %dma_wait3A_146 : memref<1x!tpu.dma_semaphore, #tpu.memory_space<semaphore_mem>> -> memref<!tpu.dma_semaphore, #tpu.memory_space<semaphore_mem>>
        tpu.wait_indirect_dma semaphore(%dma_wait3A_147 : memref<!tpu.dma_semaphore, #tpu.memory_space<semaphore_mem>>) src(%dma_wait3A_145 : memref<10000x80xf32, #tpu.memory_space<hbm>>) dst(%dma_wait3A_135 : memref<160x80xf32, #tpu.memory_space<vmem>>)
        %scan3A_148 = arith.constant 0 : i32
        %scan3A_149 = arith.constant 0 : i32
        %scan3A_150 = arith.constant 40 : i32
        %scan3A_151 = arith.addi %scan3A_149, %scan3A_150 : i32
        %scan3A_152 = arith.constant 1 : i32
        %scan3A_153 = scf.for %scan3A_169 = %scan3A_149 to %scan3A_151 step %scan3A_152 iter_args(%scan3A_170 = %scan3A_148) -> (i32)  : i32 {
          %mul3A_171 = arith.constant 4 : i32
          %mul3A_172 = arith.muli %scan3A_169, %mul3A_171 : i32
          %add3A_173 = arith.constant 0 : i32
          %add3A_174 = arith.addi %mul3A_172, %add3A_173 : i32
          %get3A = arith.index_cast %rem3A_107 : i32 to index
          %get3A_175 = arith.index_cast %add3A_174 : i32 to index
          %get3A_176 = arith.constant 0 : index
          %get3A_177 = tpu.vector_load %arg9[%get3A, %get3A_175, %get3A_176] {strides = array<i32>} : memref<3x160x80xf32, #tpu.memory_space<vmem>>, vector<1x1x16xf32>,
          %get3A_178 = vector.shape_cast %get3A_177 : vector<1x1x16xf32> to vector<16xf32>
          %max3A = arith.constant 0.000000e+00 : f32
          %max3A_179 = vector.broadcast %max3A : f32 to vector<16xf32>
          %max3A_180 = arith.maximumf %get3A_178, %max3A_179 : vector<16xf32>
          %get3A_181 = arith.index_cast %rem3A_107 : i32 to index
          %get3A_182 = arith.index_cast %add3A_174 : i32 to index
          %get3A_183 = arith.constant 16 : index
          %get3A_184 = tpu.vector_load %arg9[%get3A_181, %get3A_182, %get3A_183] {strides = array<i32>} : memref<3x160x80xf32, #tpu.memory_space<vmem>>, vector<1x1x16xf32>,
          %get3A_185 = vector.shape_cast %get3A_184 : vector<1x1x16xf32> to vector<16xf32>
          %max3A_186 = arith.constant 0.000000e+00 : f32
          %max3A_187 = vector.broadcast %max3A_186 : f32 to vector<16xf32>
          %max3A_188 = arith.maximumf %get3A_185, %max3A_187 : vector<16xf32>
          %get3A_189 = arith.index_cast %rem3A_107 : i32 to index
          %get3A_190 = arith.index_cast %add3A_174 : i32 to index
          %get3A_191 = arith.constant 32 : index
          %get3A_192 = tpu.vector_load %arg9[%get3A_189, %get3A_190, %get3A_191] {strides = array<i32>} : memref<3x160x80xf32, #tpu.memory_space<vmem>>, vector<1x1x16xf32>,
          %get3A_193 = vector.shape_cast %get3A_192 : vector<1x1x16xf32> to vector<16xf32>
          %max3A_194 = arith.constant 0.000000e+00 : f32
          %max3A_195 = vector.broadcast %max3A_194 : f32 to vector<16xf32>
          %max3A_196 = arith.maximumf %get3A_193, %max3A_195 : vector<16xf32>
          %get3A_197 = arith.index_cast %rem3A_107 : i32 to index
          %get3A_198 = arith.index_cast %add3A_174 : i32 to index
          %get3A_199 = arith.constant 48 : index
          %get3A_200 = tpu.vector_load %arg9[%get3A_197, %get3A_198, %get3A_199] {strides = array<i32>} : memref<3x160x80xf32, #tpu.memory_space<vmem>>, vector<1x1x16xf32>,
          %get3A_201 = vector.shape_cast %get3A_200 : vector<1x1x16xf32> to vector<16xf32>
          %max3A_202 = arith.constant 0.000000e+00 : f32
          %max3A_203 = vector.broadcast %max3A_202 : f32 to vector<16xf32>
          %max3A_204 = arith.maximumf %get3A_201, %max3A_203 : vector<16xf32>
          %get3A_205 = arith.index_cast %rem3A_107 : i32 to index
          %get3A_206 = arith.index_cast %add3A_174 : i32 to index
          %get3A_207 = arith.constant 64 : index
          %get3A_208 = tpu.vector_load %arg9[%get3A_205, %get3A_206, %get3A_207] {strides = array<i32>} : memref<3x160x80xf32, #tpu.memory_space<vmem>>, vector<1x1x16xf32>,
          %get3A_209 = vector.shape_cast %get3A_208 : vector<1x1x16xf32> to vector<16xf32>
          %max3A_210 = arith.constant 0.000000e+00 : f32
          %max3A_211 = vector.broadcast %max3A_210 : f32 to vector<16xf32>
          %max3A_212 = arith.maximumf %get3A_209, %max3A_211 : vector<16xf32>
          %mul3A_213 = arith.constant 4 : i32
          %mul3A_214 = arith.muli %scan3A_169, %mul3A_213 : i32
          %add3A_215 = arith.constant 1 : i32
          %add3A_216 = arith.addi %mul3A_214, %add3A_215 : i32
          %get3A_217 = arith.index_cast %rem3A_107 : i32 to index
          %get3A_218 = arith.index_cast %add3A_216 : i32 to index
          %get3A_219 = arith.constant 0 : index
          %get3A_220 = tpu.vector_load %arg9[%get3A_217, %get3A_218, %get3A_219] {strides = array<i32>} : memref<3x160x80xf32, #tpu.memory_space<vmem>>, vector<1x1x16xf32>,
          %get3A_221 = vector.shape_cast %get3A_220 : vector<1x1x16xf32> to vector<16xf32>
          %max3A_222 = arith.constant 0.000000e+00 : f32
          %max3A_223 = vector.broadcast %max3A_222 : f32 to vector<16xf32>
          %max3A_224 = arith.maximumf %get3A_221, %max3A_223 : vector<16xf32>
          %get3A_225 = arith.index_cast %rem3A_107 : i32 to index
          %get3A_226 = arith.index_cast %add3A_216 : i32 to index
          %get3A_227 = arith.constant 16 : index
          %get3A_228 = tpu.vector_load %arg9[%get3A_225, %get3A_226, %get3A_227] {strides = array<i32>} : memref<3x160x80xf32, #tpu.memory_space<vmem>>, vector<1x1x16xf32>,
          %get3A_229 = vector.shape_cast %get3A_228 : vector<1x1x16xf32> to vector<16xf32>
          %max3A_230 = arith.constant 0.000000e+00 : f32
          %max3A_231 = vector.broadcast %max3A_230 : f32 to vector<16xf32>
          %max3A_232 = arith.maximumf %get3A_229, %max3A_231 : vector<16xf32>
          %get3A_233 = arith.index_cast %rem3A_107 : i32 to index
          %get3A_234 = arith.index_cast %add3A_216 : i32 to index
          %get3A_235 = arith.constant 32 : index
          %get3A_236 = tpu.vector_load %arg9[%get3A_233, %get3A_234, %get3A_235] {strides = array<i32>} : memref<3x160x80xf32, #tpu.memory_space<vmem>>, vector<1x1x16xf32>,
          %get3A_237 = vector.shape_cast %get3A_236 : vector<1x1x16xf32> to vector<16xf32>
          %max3A_238 = arith.constant 0.000000e+00 : f32
          %max3A_239 = vector.broadcast %max3A_238 : f32 to vector<16xf32>
          %max3A_240 = arith.maximumf %get3A_237, %max3A_239 : vector<16xf32>
          %get3A_241 = arith.index_cast %rem3A_107 : i32 to index
          %get3A_242 = arith.index_cast %add3A_216 : i32 to index
          %get3A_243 = arith.constant 48 : index
          %get3A_244 = tpu.vector_load %arg9[%get3A_241, %get3A_242, %get3A_243] {strides = array<i32>} : memref<3x160x80xf32, #tpu.memory_space<vmem>>, vector<1x1x16xf32>,
          %get3A_245 = vector.shape_cast %get3A_244 : vector<1x1x16xf32> to vector<16xf32>
          %max3A_246 = arith.constant 0.000000e+00 : f32
          %max3A_247 = vector.broadcast %max3A_246 : f32 to vector<16xf32>
          %max3A_248 = arith.maximumf %get3A_245, %max3A_247 : vector<16xf32>
          %get3A_249 = arith.index_cast %rem3A_107 : i32 to index
          %get3A_250 = arith.index_cast %add3A_216 : i32 to index
          %get3A_251 = arith.constant 64 : index
          %get3A_252 = tpu.vector_load %arg9[%get3A_249, %get3A_250, %get3A_251] {strides = array<i32>} : memref<3x160x80xf32, #tpu.memory_space<vmem>>, vector<1x1x16xf32>,
          %get3A_253 = vector.shape_cast %get3A_252 : vector<1x1x16xf32> to vector<16xf32>
          %max3A_254 = arith.constant 0.000000e+00 : f32
          %max3A_255 = vector.broadcast %max3A_254 : f32 to vector<16xf32>
          %max3A_256 = arith.maximumf %get3A_253, %max3A_255 : vector<16xf32>
          %mul3A_257 = arith.constant 4 : i32
          %mul3A_258 = arith.muli %scan3A_169, %mul3A_257 : i32
          %add3A_259 = arith.constant 2 : i32
          %add3A_260 = arith.addi %mul3A_258, %add3A_259 : i32
          %get3A_261 = arith.index_cast %rem3A_107 : i32 to index
          %get3A_262 = arith.index_cast %add3A_260 : i32 to index
          %get3A_263 = arith.constant 0 : index
          %get3A_264 = tpu.vector_load %arg9[%get3A_261, %get3A_262, %get3A_263] {strides = array<i32>} : memref<3x160x80xf32, #tpu.memory_space<vmem>>, vector<1x1x16xf32>,
          %get3A_265 = vector.shape_cast %get3A_264 : vector<1x1x16xf32> to vector<16xf32>
          %max3A_266 = arith.constant 0.000000e+00 : f32
          %max3A_267 = vector.broadcast %max3A_266 : f32 to vector<16xf32>
          %max3A_268 = arith.maximumf %get3A_265, %max3A_267 : vector<16xf32>
          %get3A_269 = arith.index_cast %rem3A_107 : i32 to index
          %get3A_270 = arith.index_cast %add3A_260 : i32 to index
          %get3A_271 = arith.constant 16 : index
          %get3A_272 = tpu.vector_load %arg9[%get3A_269, %get3A_270, %get3A_271] {strides = array<i32>} : memref<3x160x80xf32, #tpu.memory_space<vmem>>, vector<1x1x16xf32>,
          %get3A_273 = vector.shape_cast %get3A_272 : vector<1x1x16xf32> to vector<16xf32>
          %max3A_274 = arith.constant 0.000000e+00 : f32
          %max3A_275 = vector.broadcast %max3A_274 : f32 to vector<16xf32>
          %max3A_276 = arith.maximumf %get3A_273, %max3A_275 : vector<16xf32>
          %get3A_277 = arith.index_cast %rem3A_107 : i32 to index
          %get3A_278 = arith.index_cast %add3A_260 : i32 to index
          %get3A_279 = arith.constant 32 : index
          %get3A_280 = tpu.vector_load %arg9[%get3A_277, %get3A_278, %get3A_279] {strides = array<i32>} : memref<3x160x80xf32, #tpu.memory_space<vmem>>, vector<1x1x16xf32>,
          %get3A_281 = vector.shape_cast %get3A_280 : vector<1x1x16xf32> to vector<16xf32>
          %max3A_282 = arith.constant 0.000000e+00 : f32
          %max3A_283 = vector.broadcast %max3A_282 : f32 to vector<16xf32>
          %max3A_284 = arith.maximumf %get3A_281, %max3A_283 : vector<16xf32>
          %get3A_285 = arith.index_cast %rem3A_107 : i32 to index
          %get3A_286 = arith.index_cast %add3A_260 : i32 to index
          %get3A_287 = arith.constant 48 : index
          %get3A_288 = tpu.vector_load %arg9[%get3A_285, %get3A_286, %get3A_287] {strides = array<i32>} : memref<3x160x80xf32, #tpu.memory_space<vmem>>, vector<1x1x16xf32>,
          %get3A_289 = vector.shape_cast %get3A_288 : vector<1x1x16xf32> to vector<16xf32>
          %max3A_290 = arith.constant 0.000000e+00 : f32
          %max3A_291 = vector.broadcast %max3A_290 : f32 to vector<16xf32>
          %max3A_292 = arith.maximumf %get3A_289, %max3A_291 : vector<16xf32>
          %get3A_293 = arith.index_cast %rem3A_107 : i32 to index
          %get3A_294 = arith.index_cast %add3A_260 : i32 to index
          %get3A_295 = arith.constant 64 : index
          %get3A_296 = tpu.vector_load %arg9[%get3A_293, %get3A_294, %get3A_295] {strides = array<i32>} : memref<3x160x80xf32, #tpu.memory_space<vmem>>, vector<1x1x16xf32>,
          %get3A_297 = vector.shape_cast %get3A_296 : vector<1x1x16xf32> to vector<16xf32>
          %max3A_298 = arith.constant 0.000000e+00 : f32
          %max3A_299 = vector.broadcast %max3A_298 : f32 to vector<16xf32>
          %max3A_300 = arith.maximumf %get3A_297, %max3A_299 : vector<16xf32>
          %mul3A_301 = arith.constant 4 : i32
          %mul3A_302 = arith.muli %scan3A_169, %mul3A_301 : i32
          %add3A_303 = arith.constant 3 : i32
          %add3A_304 = arith.addi %mul3A_302, %add3A_303 : i32
          %get3A_305 = arith.index_cast %rem3A_107 : i32 to index
          %get3A_306 = arith.index_cast %add3A_304 : i32 to index
          %get3A_307 = arith.constant 0 : index
          %get3A_308 = tpu.vector_load %arg9[%get3A_305, %get3A_306, %get3A_307] {strides = array<i32>} : memref<3x160x80xf32, #tpu.memory_space<vmem>>, vector<1x1x16xf32>,
          %get3A_309 = vector.shape_cast %get3A_308 : vector<1x1x16xf32> to vector<16xf32>
          %max3A_310 = arith.constant 0.000000e+00 : f32
          %max3A_311 = vector.broadcast %max3A_310 : f32 to vector<16xf32>
          %max3A_312 = arith.maximumf %get3A_309, %max3A_311 : vector<16xf32>
          %get3A_313 = arith.index_cast %rem3A_107 : i32 to index
          %get3A_314 = arith.index_cast %add3A_304 : i32 to index
          %get3A_315 = arith.constant 16 : index
          %get3A_316 = tpu.vector_load %arg9[%get3A_313, %get3A_314, %get3A_315] {strides = array<i32>} : memref<3x160x80xf32, #tpu.memory_space<vmem>>, vector<1x1x16xf32>,
          %get3A_317 = vector.shape_cast %get3A_316 : vector<1x1x16xf32> to vector<16xf32>
          %max3A_318 = arith.constant 0.000000e+00 : f32
          %max3A_319 = vector.broadcast %max3A_318 : f32 to vector<16xf32>
          %max3A_320 = arith.maximumf %get3A_317, %max3A_319 : vector<16xf32>
          %get3A_321 = arith.index_cast %rem3A_107 : i32 to index
          %get3A_322 = arith.index_cast %add3A_304 : i32 to index
          %get3A_323 = arith.constant 32 : index
          %get3A_324 = tpu.vector_load %arg9[%get3A_321, %get3A_322, %get3A_323] {strides = array<i32>} : memref<3x160x80xf32, #tpu.memory_space<vmem>>, vector<1x1x16xf32>,
          %get3A_325 = vector.shape_cast %get3A_324 : vector<1x1x16xf32> to vector<16xf32>
          %max3A_326 = arith.constant 0.000000e+00 : f32
          %max3A_327 = vector.broadcast %max3A_326 : f32 to vector<16xf32>
          %max3A_328 = arith.maximumf %get3A_325, %max3A_327 : vector<16xf32>
          %get3A_329 = arith.index_cast %rem3A_107 : i32 to index
          %get3A_330 = arith.index_cast %add3A_304 : i32 to index
          %get3A_331 = arith.constant 48 : index
          %get3A_332 = tpu.vector_load %arg9[%get3A_329, %get3A_330, %get3A_331] {strides = array<i32>} : memref<3x160x80xf32, #tpu.memory_space<vmem>>, vector<1x1x16xf32>,
          %get3A_333 = vector.shape_cast %get3A_332 : vector<1x1x16xf32> to vector<16xf32>
          %max3A_334 = arith.constant 0.000000e+00 : f32
          %max3A_335 = vector.broadcast %max3A_334 : f32 to vector<16xf32>
          %max3A_336 = arith.maximumf %get3A_333, %max3A_335 : vector<16xf32>
          %get3A_337 = arith.index_cast %rem3A_107 : i32 to index
          %get3A_338 = arith.index_cast %add3A_304 : i32 to index
          %get3A_339 = arith.constant 64 : index
          %get3A_340 = tpu.vector_load %arg9[%get3A_337, %get3A_338, %get3A_339] {strides = array<i32>} : memref<3x160x80xf32, #tpu.memory_space<vmem>>, vector<1x1x16xf32>,
          %get3A_341 = vector.shape_cast %get3A_340 : vector<1x1x16xf32> to vector<16xf32>
          %max3A_342 = arith.constant 0.000000e+00 : f32
          %max3A_343 = vector.broadcast %max3A_342 : f32 to vector<16xf32>
          %max3A_344 = arith.maximumf %get3A_341, %max3A_343 : vector<16xf32>
          %swap3A = arith.index_cast %rem3A_107 : i32 to index
          %swap3A_345 = arith.index_cast %add3A_174 : i32 to index
          %swap3A_346 = arith.constant 0 : index
          %swap3A_347 = tpu.vector_load %arg9[%swap3A, %swap3A_345, %swap3A_346] {strides = array<i32>} : memref<3x160x80xf32, #tpu.memory_space<vmem>>, vector<1x1x16xf32>,
          %swap3A_348 = vector.shape_cast %swap3A_347 : vector<1x1x16xf32> to vector<16xf32>
          %swap3A_349 = vector.shape_cast %max3A_180 : vector<16xf32> to vector<1x1x16xf32>
          tpu.vector_store %arg9[%swap3A, %swap3A_345, %swap3A_346], %swap3A_349 {strides = array<i32>} : memref<3x160x80xf32, #tpu.memory_space<vmem>>, vector<1x1x16xf32>,
          %swap3A_350 = arith.index_cast %rem3A_107 : i32 to index
          %swap3A_351 = arith.index_cast %add3A_174 : i32 to index
          %swap3A_352 = arith.constant 16 : index
          %swap3A_353 = tpu.vector_load %arg9[%swap3A_350, %swap3A_351, %swap3A_352] {strides = array<i32>} : memref<3x160x80xf32, #tpu.memory_space<vmem>>, vector<1x1x16xf32>,
          %swap3A_354 = vector.shape_cast %swap3A_353 : vector<1x1x16xf32> to vector<16xf32>
          %swap3A_355 = vector.shape_cast %max3A_188 : vector<16xf32> to vector<1x1x16xf32>
          tpu.vector_store %arg9[%swap3A_350, %swap3A_351, %swap3A_352], %swap3A_355 {strides = array<i32>} : memref<3x160x80xf32, #tpu.memory_space<vmem>>, vector<1x1x16xf32>,
          %swap3A_356 = arith.index_cast %rem3A_107 : i32 to index
          %swap3A_357 = arith.index_cast %add3A_174 : i32 to index
          %swap3A_358 = arith.constant 32 : index
          %swap3A_359 = tpu.vector_load %arg9[%swap3A_356, %swap3A_357, %swap3A_358] {strides = array<i32>} : memref<3x160x80xf32, #tpu.memory_space<vmem>>, vector<1x1x16xf32>,
          %swap3A_360 = vector.shape_cast %swap3A_359 : vector<1x1x16xf32> to vector<16xf32>
          %swap3A_361 = vector.shape_cast %max3A_196 : vector<16xf32> to vector<1x1x16xf32>
          tpu.vector_store %arg9[%swap3A_356, %swap3A_357, %swap3A_358], %swap3A_361 {strides = array<i32>} : memref<3x160x80xf32, #tpu.memory_space<vmem>>, vector<1x1x16xf32>,
          %swap3A_362 = arith.index_cast %rem3A_107 : i32 to index
          %swap3A_363 = arith.index_cast %add3A_174 : i32 to index
          %swap3A_364 = arith.constant 48 : index
          %swap3A_365 = tpu.vector_load %arg9[%swap3A_362, %swap3A_363, %swap3A_364] {strides = array<i32>} : memref<3x160x80xf32, #tpu.memory_space<vmem>>, vector<1x1x16xf32>,
          %swap3A_366 = vector.shape_cast %swap3A_365 : vector<1x1x16xf32> to vector<16xf32>
          %swap3A_367 = vector.shape_cast %max3A_204 : vector<16xf32> to vector<1x1x16xf32>
          tpu.vector_store %arg9[%swap3A_362, %swap3A_363, %swap3A_364], %swap3A_367 {strides = array<i32>} : memref<3x160x80xf32, #tpu.memory_space<vmem>>, vector<1x1x16xf32>,
          %swap3A_368 = arith.index_cast %rem3A_107 : i32 to index
          %swap3A_369 = arith.index_cast %add3A_174 : i32 to index
          %swap3A_370 = arith.constant 64 : index
          %swap3A_371 = tpu.vector_load %arg9[%swap3A_368, %swap3A_369, %swap3A_370] {strides = array<i32>} : memref<3x160x80xf32, #tpu.memory_space<vmem>>, vector<1x1x16xf32>,
          %swap3A_372 = vector.shape_cast %swap3A_371 : vector<1x1x16xf32> to vector<16xf32>
          %swap3A_373 = vector.shape_cast %max3A_212 : vector<16xf32> to vector<1x1x16xf32>
          tpu.vector_store %arg9[%swap3A_368, %swap3A_369, %swap3A_370], %swap3A_373 {strides = array<i32>} : memref<3x160x80xf32, #tpu.memory_space<vmem>>, vector<1x1x16xf32>,
          %swap3A_374 = arith.index_cast %rem3A_107 : i32 to index
          %swap3A_375 = arith.index_cast %add3A_216 : i32 to index
          %swap3A_376 = arith.constant 0 : index
          %swap3A_377 = tpu.vector_load %arg9[%swap3A_374, %swap3A_375, %swap3A_376] {strides = array<i32>} : memref<3x160x80xf32, #tpu.memory_space<vmem>>, vector<1x1x16xf32>,
          %swap3A_378 = vector.shape_cast %swap3A_377 : vector<1x1x16xf32> to vector<16xf32>
          %swap3A_379 = vector.shape_cast %max3A_224 : vector<16xf32> to vector<1x1x16xf32>
          tpu.vector_store %arg9[%swap3A_374, %swap3A_375, %swap3A_376], %swap3A_379 {strides = array<i32>} : memref<3x160x80xf32, #tpu.memory_space<vmem>>, vector<1x1x16xf32>,
          %swap3A_380 = arith.index_cast %rem3A_107 : i32 to index
          %swap3A_381 = arith.index_cast %add3A_216 : i32 to index
          %swap3A_382 = arith.constant 16 : index
          %swap3A_383 = tpu.vector_load %arg9[%swap3A_380, %swap3A_381, %swap3A_382] {strides = array<i32>} : memref<3x160x80xf32, #tpu.memory_space<vmem>>, vector<1x1x16xf32>,
          %swap3A_384 = vector.shape_cast %swap3A_383 : vector<1x1x16xf32> to vector<16xf32>
          %swap3A_385 = vector.shape_cast %max3A_232 : vector<16xf32> to vector<1x1x16xf32>
          tpu.vector_store %arg9[%swap3A_380, %swap3A_381, %swap3A_382], %swap3A_385 {strides = array<i32>} : memref<3x160x80xf32, #tpu.memory_space<vmem>>, vector<1x1x16xf32>,
          %swap3A_386 = arith.index_cast %rem3A_107 : i32 to index
          %swap3A_387 = arith.index_cast %add3A_216 : i32 to index
          %swap3A_388 = arith.constant 32 : index
          %swap3A_389 = tpu.vector_load %arg9[%swap3A_386, %swap3A_387, %swap3A_388] {strides = array<i32>} : memref<3x160x80xf32, #tpu.memory_space<vmem>>, vector<1x1x16xf32>,
          %swap3A_390 = vector.shape_cast %swap3A_389 : vector<1x1x16xf32> to vector<16xf32>
          %swap3A_391 = vector.shape_cast %max3A_240 : vector<16xf32> to vector<1x1x16xf32>
          tpu.vector_store %arg9[%swap3A_386, %swap3A_387, %swap3A_388], %swap3A_391 {strides = array<i32>} : memref<3x160x80xf32, #tpu.memory_space<vmem>>, vector<1x1x16xf32>,
          %swap3A_392 = arith.index_cast %rem3A_107 : i32 to index
          %swap3A_393 = arith.index_cast %add3A_216 : i32 to index
          %swap3A_394 = arith.constant 48 : index
          %swap3A_395 = tpu.vector_load %arg9[%swap3A_392, %swap3A_393, %swap3A_394] {strides = array<i32>} : memref<3x160x80xf32, #tpu.memory_space<vmem>>, vector<1x1x16xf32>,
          %swap3A_396 = vector.shape_cast %swap3A_395 : vector<1x1x16xf32> to vector<16xf32>
          %swap3A_397 = vector.shape_cast %max3A_248 : vector<16xf32> to vector<1x1x16xf32>
          tpu.vector_store %arg9[%swap3A_392, %swap3A_393, %swap3A_394], %swap3A_397 {strides = array<i32>} : memref<3x160x80xf32, #tpu.memory_space<vmem>>, vector<1x1x16xf32>,
          %swap3A_398 = arith.index_cast %rem3A_107 : i32 to index
          %swap3A_399 = arith.index_cast %add3A_216 : i32 to index
          %swap3A_400 = arith.constant 64 : index
          %swap3A_401 = tpu.vector_load %arg9[%swap3A_398, %swap3A_399, %swap3A_400] {strides = array<i32>} : memref<3x160x80xf32, #tpu.memory_space<vmem>>, vector<1x1x16xf32>,
          %swap3A_402 = vector.shape_cast %swap3A_401 : vector<1x1x16xf32> to vector<16xf32>
          %swap3A_403 = vector.shape_cast %max3A_256 : vector<16xf32> to vector<1x1x16xf32>
          tpu.vector_store %arg9[%swap3A_398, %swap3A_399, %swap3A_400], %swap3A_403 {strides = array<i32>} : memref<3x160x80xf32, #tpu.memory_space<vmem>>, vector<1x1x16xf32>,
          %swap3A_404 = arith.index_cast %rem3A_107 : i32 to index
          %swap3A_405 = arith.index_cast %add3A_260 : i32 to index
          %swap3A_406 = arith.constant 0 : index
          %swap3A_407 = tpu.vector_load %arg9[%swap3A_404, %swap3A_405, %swap3A_406] {strides = array<i32>} : memref<3x160x80xf32, #tpu.memory_space<vmem>>, vector<1x1x16xf32>,
          %swap3A_408 = vector.shape_cast %swap3A_407 : vector<1x1x16xf32> to vector<16xf32>
          %swap3A_409 = vector.shape_cast %max3A_268 : vector<16xf32> to vector<1x1x16xf32>
          tpu.vector_store %arg9[%swap3A_404, %swap3A_405, %swap3A_406], %swap3A_409 {strides = array<i32>} : memref<3x160x80xf32, #tpu.memory_space<vmem>>, vector<1x1x16xf32>,
          %swap3A_410 = arith.index_cast %rem3A_107 : i32 to index
          %swap3A_411 = arith.index_cast %add3A_260 : i32 to index
          %swap3A_412 = arith.constant 16 : index
          %swap3A_413 = tpu.vector_load %arg9[%swap3A_410, %swap3A_411, %swap3A_412] {strides = array<i32>} : memref<3x160x80xf32, #tpu.memory_space<vmem>>, vector<1x1x16xf32>,
          %swap3A_414 = vector.shape_cast %swap3A_413 : vector<1x1x16xf32> to vector<16xf32>
          %swap3A_415 = vector.shape_cast %max3A_276 : vector<16xf32> to vector<1x1x16xf32>
          tpu.vector_store %arg9[%swap3A_410, %swap3A_411, %swap3A_412], %swap3A_415 {strides = array<i32>} : memref<3x160x80xf32, #tpu.memory_space<vmem>>, vector<1x1x16xf32>,
          %swap3A_416 = arith.index_cast %rem3A_107 : i32 to index
          %swap3A_417 = arith.index_cast %add3A_260 : i32 to index
          %swap3A_418 = arith.constant 32 : index
          %swap3A_419 = tpu.vector_load %arg9[%swap3A_416, %swap3A_417, %swap3A_418] {strides = array<i32>} : memref<3x160x80xf32, #tpu.memory_space<vmem>>, vector<1x1x16xf32>,
          %swap3A_420 = vector.shape_cast %swap3A_419 : vector<1x1x16xf32> to vector<16xf32>
          %swap3A_421 = vector.shape_cast %max3A_284 : vector<16xf32> to vector<1x1x16xf32>
          tpu.vector_store %arg9[%swap3A_416, %swap3A_417, %swap3A_418], %swap3A_421 {strides = array<i32>} : memref<3x160x80xf32, #tpu.memory_space<vmem>>, vector<1x1x16xf32>,
          %swap3A_422 = arith.index_cast %rem3A_107 : i32 to index
          %swap3A_423 = arith.index_cast %add3A_260 : i32 to index
          %swap3A_424 = arith.constant 48 : index
          %swap3A_425 = tpu.vector_load %arg9[%swap3A_422, %swap3A_423, %swap3A_424] {strides = array<i32>} : memref<3x160x80xf32, #tpu.memory_space<vmem>>, vector<1x1x16xf32>,
          %swap3A_426 = vector.shape_cast %swap3A_425 : vector<1x1x16xf32> to vector<16xf32>
          %swap3A_427 = vector.shape_cast %max3A_292 : vector<16xf32> to vector<1x1x16xf32>
          tpu.vector_store %arg9[%swap3A_422, %swap3A_423, %swap3A_424], %swap3A_427 {strides = array<i32>} : memref<3x160x80xf32, #tpu.memory_space<vmem>>, vector<1x1x16xf32>,
          %swap3A_428 = arith.index_cast %rem3A_107 : i32 to index
          %swap3A_429 = arith.index_cast %add3A_260 : i32 to index
          %swap3A_430 = arith.constant 64 : index
          %swap3A_431 = tpu.vector_load %arg9[%swap3A_428, %swap3A_429, %swap3A_430] {strides = array<i32>} : memref<3x160x80xf32, #tpu.memory_space<vmem>>, vector<1x1x16xf32>,
          %swap3A_432 = vector.shape_cast %swap3A_431 : vector<1x1x16xf32> to vector<16xf32>
          %swap3A_433 = vector.shape_cast %max3A_300 : vector<16xf32> to vector<1x1x16xf32>
          tpu.vector_store %arg9[%swap3A_428, %swap3A_429, %swap3A_430], %swap3A_433 {strides = array<i32>} : memref<3x160x80xf32, #tpu.memory_space<vmem>>, vector<1x1x16xf32>,
          %swap3A_434 = arith.index_cast %rem3A_107 : i32 to index
          %swap3A_435 = arith.index_cast %add3A_304 : i32 to index
          %swap3A_436 = arith.constant 0 : index
          %swap3A_437 = tpu.vector_load %arg9[%swap3A_434, %swap3A_435, %swap3A_436] {strides = array<i32>} : memref<3x160x80xf32, #tpu.memory_space<vmem>>, vector<1x1x16xf32>,
          %swap3A_438 = vector.shape_cast %swap3A_437 : vector<1x1x16xf32> to vector<16xf32>
          %swap3A_439 = vector.shape_cast %max3A_312 : vector<16xf32> to vector<1x1x16xf32>
          tpu.vector_store %arg9[%swap3A_434, %swap3A_435, %swap3A_436], %swap3A_439 {strides = array<i32>} : memref<3x160x80xf32, #tpu.memory_space<vmem>>, vector<1x1x16xf32>,
          %swap3A_440 = arith.index_cast %rem3A_107 : i32 to index
          %swap3A_441 = arith.index_cast %add3A_304 : i32 to index
          %swap3A_442 = arith.constant 16 : index
          %swap3A_443 = tpu.vector_load %arg9[%swap3A_440, %swap3A_441, %swap3A_442] {strides = array<i32>} : memref<3x160x80xf32, #tpu.memory_space<vmem>>, vector<1x1x16xf32>,
          %swap3A_444 = vector.shape_cast %swap3A_443 : vector<1x1x16xf32> to vector<16xf32>
          %swap3A_445 = vector.shape_cast %max3A_320 : vector<16xf32> to vector<1x1x16xf32>
          tpu.vector_store %arg9[%swap3A_440, %swap3A_441, %swap3A_442], %swap3A_445 {strides = array<i32>} : memref<3x160x80xf32, #tpu.memory_space<vmem>>, vector<1x1x16xf32>,
          %swap3A_446 = arith.index_cast %rem3A_107 : i32 to index
          %swap3A_447 = arith.index_cast %add3A_304 : i32 to index
          %swap3A_448 = arith.constant 32 : index
          %swap3A_449 = tpu.vector_load %arg9[%swap3A_446, %swap3A_447, %swap3A_448] {strides = array<i32>} : memref<3x160x80xf32, #tpu.memory_space<vmem>>, vector<1x1x16xf32>,
          %swap3A_450 = vector.shape_cast %swap3A_449 : vector<1x1x16xf32> to vector<16xf32>
          %swap3A_451 = vector.shape_cast %max3A_328 : vector<16xf32> to vector<1x1x16xf32>
          tpu.vector_store %arg9[%swap3A_446, %swap3A_447, %swap3A_448], %swap3A_451 {strides = array<i32>} : memref<3x160x80xf32, #tpu.memory_space<vmem>>, vector<1x1x16xf32>,
          %swap3A_452 = arith.index_cast %rem3A_107 : i32 to index
          %swap3A_453 = arith.index_cast %add3A_304 : i32 to index
          %swap3A_454 = arith.constant 48 : index
          %swap3A_455 = tpu.vector_load %arg9[%swap3A_452, %swap3A_453, %swap3A_454] {strides = array<i32>} : memref<3x160x80xf32, #tpu.memory_space<vmem>>, vector<1x1x16xf32>,
          %swap3A_456 = vector.shape_cast %swap3A_455 : vector<1x1x16xf32> to vector<16xf32>
          %swap3A_457 = vector.shape_cast %max3A_336 : vector<16xf32> to vector<1x1x16xf32>
          tpu.vector_store %arg9[%swap3A_452, %swap3A_453, %swap3A_454], %swap3A_457 {strides = array<i32>} : memref<3x160x80xf32, #tpu.memory_space<vmem>>, vector<1x1x16xf32>,
          %swap3A_458 = arith.index_cast %rem3A_107 : i32 to index
          %swap3A_459 = arith.index_cast %add3A_304 : i32 to index
          %swap3A_460 = arith.constant 64 : index
          %swap3A_461 = tpu.vector_load %arg9[%swap3A_458, %swap3A_459, %swap3A_460] {strides = array<i32>} : memref<3x160x80xf32, #tpu.memory_space<vmem>>, vector<1x1x16xf32>,
          %swap3A_462 = vector.shape_cast %swap3A_461 : vector<1x1x16xf32> to vector<16xf32>
          %swap3A_463 = vector.shape_cast %max3A_344 : vector<16xf32> to vector<1x1x16xf32>
          tpu.vector_store %arg9[%swap3A_458, %swap3A_459, %swap3A_460], %swap3A_463 {strides = array<i32>} : memref<3x160x80xf32, #tpu.memory_space<vmem>>, vector<1x1x16xf32>,
          %scan3A_464 = arith.constant 0 : i32
          scf.yield %scan3A_464 : i32
        }
        %scan3A_154 = arith.constant 40 : i32
        %sub3A_155 = arith.constant 2 : i32
        %sub3A_156 = arith.subi %scan3A_94, %sub3A_155 : i32
        %dma_start3A = arith.constant 0 : i32
        %dma_start3A_157 = arith.constant 0 : i32
        %dma_start3A_158 = arith.constant 0 : i32
        %dma_start3A_159 = tpu.memref_slice %arg9[%rem3A_107, %dma_start3A_157, %dma_start3A_158] : memref<3x160x80xf32, #tpu.memory_space<vmem>> -> memref<1x160x80xf32, #tpu.memory_space<vmem>>
        %dma_start3A_160 = tpu.memref_squeeze %dma_start3A_159 : memref<1x160x80xf32, #tpu.memory_space<vmem>> -> memref<160x80xf32, #tpu.memory_space<vmem>>
        %dma_start3A_161 = arith.constant 0 : i32
        %dma_start3A_162 = tpu.memref_slice %arg8[%sub3A_156, %dma_start3A, %dma_start3A_161] : memref<125x1x160xi32, #tpu.memory_space<vmem>> -> memref<1x1x160xi32, #tpu.memory_space<vmem>>
        %dma_start3A_163 = tpu.memref_squeeze %dma_start3A_162 : memref<1x1x160xi32, #tpu.memory_space<vmem>> -> memref<160xi32, #tpu.memory_space<vmem>>
        %dma_start3A_164 = arith.constant 0 : i32
        %dma_start3A_165 = arith.constant 0 : i32
        %dma_start3A_166 = tpu.memref_slice %arg10[%dma_start3A_164, %dma_start3A_165] : memref<10000x80xf32, #tpu.memory_space<vmem_shared>> -> memref<10000x80xf32, #tpu.memory_space<vmem_shared>>
        %dma_start3A_167 = tpu.memref_slice %arg11[%rem3A_107] : memref<3x!tpu.dma_semaphore, #tpu.memory_space<semaphore_mem>> -> memref<1x!tpu.dma_semaphore, #tpu.memory_space<semaphore_mem>>
        %dma_start3A_168 = tpu.memref_squeeze %dma_start3A_167 : memref<1x!tpu.dma_semaphore, #tpu.memory_space<semaphore_mem>> -> memref<!tpu.dma_semaphore, #tpu.memory_space<semaphore_mem>>
        tpu.enqueue_indirect_dma source(%dma_start3A_160 : memref<160x80xf32, #tpu.memory_space<vmem>>) target(%dma_start3A_166 : memref<10000x80xf32, #tpu.memory_space<vmem_shared>>) offsets(%dma_start3A_163 : memref<160xi32, #tpu.memory_space<vmem>>) semaphore(%dma_start3A_168 : memref<!tpu.dma_semaphore, #tpu.memory_space<semaphore_mem>>) {add = true}
      } else {
      }
      %scan3A_129 = arith.constant 0 : i32
      scf.yield %scan3A_129 : i32
    }
    %scan3A_25 = arith.constant 127 : i32
    %dma_wait3A = arith.constant 0 : i32
    %dma_wait3A_26 = arith.constant 0 : i32
    %dma_wait3A_27 = arith.constant 0 : i32
    %dma_wait3A_28 = arith.constant 0 : i32
    %dma_wait3A_29 = arith.constant 0 : i32
    %dma_wait3A_30 = arith.constant 0 : i32
    %dma_wait3A_31 = tpu.memref_slice %arg9[%dma_wait3A_27, %dma_wait3A_29, %dma_wait3A_30] : memref<3x160x80xf32, #tpu.memory_space<vmem>> -> memref<1x160x80xf32, #tpu.memory_space<vmem>>
    %dma_wait3A_32 = tpu.memref_squeeze %dma_wait3A_31 : memref<1x160x80xf32, #tpu.memory_space<vmem>> -> memref<160x80xf32, #tpu.memory_space<vmem>>
    %dma_wait3A_33 = arith.constant 0 : i32
    %dma_wait3A_34 = tpu.memref_slice %arg8[%dma_wait3A, %dma_wait3A_26, %dma_wait3A_33] : memref<125x1x160xi32, #tpu.memory_space<vmem>> -> memref<1x1x160xi32, #tpu.memory_space<vmem>>
    %dma_wait3A_35 = tpu.memref_squeeze %dma_wait3A_34 : memref<1x1x160xi32, #tpu.memory_space<vmem>> -> memref<160xi32, #tpu.memory_space<vmem>>
    %dma_wait3A_36 = arith.constant 0 : i32
    %dma_wait3A_37 = arith.constant 0 : i32
    %dma_wait3A_38 = tpu.memref_slice %arg4[%arg0, %dma_wait3A_36, %dma_wait3A_37] : memref<2x10000x80xf32, #tpu.memory_space<hbm>> -> memref<1x10000x80xf32, #tpu.memory_space<hbm>>
    %dma_wait3A_39 = tpu.memref_squeeze %dma_wait3A_38 : memref<1x10000x80xf32, #tpu.memory_space<hbm>> -> memref<10000x80xf32, #tpu.memory_space<hbm>>
    %dma_wait3A_40 = arith.constant 0 : i32
    %dma_wait3A_41 = arith.constant 0 : i32
    %dma_wait3A_42 = tpu.memref_slice %dma_wait3A_39[%dma_wait3A_40, %dma_wait3A_41] : memref<10000x80xf32, #tpu.memory_space<hbm>> -> memref<10000x80xf32, #tpu.memory_space<hbm>>
    %dma_wait3A_43 = tpu.memref_slice %arg11[%dma_wait3A_28] : memref<3x!tpu.dma_semaphore, #tpu.memory_space<semaphore_mem>> -> memref<1x!tpu.dma_semaphore, #tpu.memory_space<semaphore_mem>>
    %dma_wait3A_44 = tpu.memref_squeeze %dma_wait3A_43 : memref<1x!tpu.dma_semaphore, #tpu.memory_space<semaphore_mem>> -> memref<!tpu.dma_semaphore, #tpu.memory_space<semaphore_mem>>
    tpu.wait_indirect_dma semaphore(%dma_wait3A_44 : memref<!tpu.dma_semaphore, #tpu.memory_space<semaphore_mem>>) src(%dma_wait3A_42 : memref<10000x80xf32, #tpu.memory_space<hbm>>) dst(%dma_wait3A_32 : memref<160x80xf32, #tpu.memory_space<vmem>>)
    %dma_wait3A_45 = arith.constant 0 : i32
    %dma_wait3A_46 = arith.constant 0 : i32
    %dma_wait3A_47 = arith.constant 1 : i32
    %dma_wait3A_48 = arith.constant 1 : i32
    %dma_wait3A_49 = arith.constant 0 : i32
    %dma_wait3A_50 = arith.constant 0 : i32
    %dma_wait3A_51 = tpu.memref_slice %arg9[%dma_wait3A_47, %dma_wait3A_49, %dma_wait3A_50] : memref<3x160x80xf32, #tpu.memory_space<vmem>> -> memref<1x160x80xf32, #tpu.memory_space<vmem>>
    %dma_wait3A_52 = tpu.memref_squeeze %dma_wait3A_51 : memref<1x160x80xf32, #tpu.memory_space<vmem>> -> memref<160x80xf32, #tpu.memory_space<vmem>>
    %dma_wait3A_53 = arith.constant 0 : i32
    %dma_wait3A_54 = tpu.memref_slice %arg8[%dma_wait3A_45, %dma_wait3A_46, %dma_wait3A_53] : memref<125x1x160xi32, #tpu.memory_space<vmem>> -> memref<1x1x160xi32, #tpu.memory_space<vmem>>
    %dma_wait3A_55 = tpu.memref_squeeze %dma_wait3A_54 : memref<1x1x160xi32, #tpu.memory_space<vmem>> -> memref<160xi32, #tpu.memory_space<vmem>>
    %dma_wait3A_56 = arith.constant 0 : i32
    %dma_wait3A_57 = arith.constant 0 : i32
    %dma_wait3A_58 = tpu.memref_slice %arg4[%arg0, %dma_wait3A_56, %dma_wait3A_57] : memref<2x10000x80xf32, #tpu.memory_space<hbm>> -> memref<1x10000x80xf32, #tpu.memory_space<hbm>>
    %dma_wait3A_59 = tpu.memref_squeeze %dma_wait3A_58 : memref<1x10000x80xf32, #tpu.memory_space<hbm>> -> memref<10000x80xf32, #tpu.memory_space<hbm>>
    %dma_wait3A_60 = arith.constant 0 : i32
    %dma_wait3A_61 = arith.constant 0 : i32
    %dma_wait3A_62 = tpu.memref_slice %dma_wait3A_59[%dma_wait3A_60, %dma_wait3A_61] : memref<10000x80xf32, #tpu.memory_space<hbm>> -> memref<10000x80xf32, #tpu.memory_space<hbm>>
    %dma_wait3A_63 = tpu.memref_slice %arg11[%dma_wait3A_48] : memref<3x!tpu.dma_semaphore, #tpu.memory_space<semaphore_mem>> -> memref<1x!tpu.dma_semaphore, #tpu.memory_space<semaphore_mem>>
    %dma_wait3A_64 = tpu.memref_squeeze %dma_wait3A_63 : memref<1x!tpu.dma_semaphore, #tpu.memory_space<semaphore_mem>> -> memref<!tpu.dma_semaphore, #tpu.memory_space<semaphore_mem>>
    tpu.wait_indirect_dma semaphore(%dma_wait3A_64 : memref<!tpu.dma_semaphore, #tpu.memory_space<semaphore_mem>>) src(%dma_wait3A_62 : memref<10000x80xf32, #tpu.memory_space<hbm>>) dst(%dma_wait3A_52 : memref<160x80xf32, #tpu.memory_space<vmem>>)
    %dma_wait3A_65 = arith.constant 0 : i32
    %dma_wait3A_66 = arith.constant 0 : i32
    %dma_wait3A_67 = arith.constant 2 : i32
    %dma_wait3A_68 = arith.constant 2 : i32
    %dma_wait3A_69 = arith.constant 0 : i32
    %dma_wait3A_70 = arith.constant 0 : i32
    %dma_wait3A_71 = tpu.memref_slice %arg9[%dma_wait3A_67, %dma_wait3A_69, %dma_wait3A_70] : memref<3x160x80xf32, #tpu.memory_space<vmem>> -> memref<1x160x80xf32, #tpu.memory_space<vmem>>
    %dma_wait3A_72 = tpu.memref_squeeze %dma_wait3A_71 : memref<1x160x80xf32, #tpu.memory_space<vmem>> -> memref<160x80xf32, #tpu.memory_space<vmem>>
    %dma_wait3A_73 = arith.constant 0 : i32
    %dma_wait3A_74 = tpu.memref_slice %arg8[%dma_wait3A_65, %dma_wait3A_66, %dma_wait3A_73] : memref<125x1x160xi32, #tpu.memory_space<vmem>> -> memref<1x1x160xi32, #tpu.memory_space<vmem>>
    %dma_wait3A_75 = tpu.memref_squeeze %dma_wait3A_74 : memref<1x1x160xi32, #tpu.memory_space<vmem>> -> memref<160xi32, #tpu.memory_space<vmem>>
    %dma_wait3A_76 = arith.constant 0 : i32
    %dma_wait3A_77 = arith.constant 0 : i32
    %dma_wait3A_78 = tpu.memref_slice %arg4[%arg0, %dma_wait3A_76, %dma_wait3A_77] : memref<2x10000x80xf32, #tpu.memory_space<hbm>> -> memref<1x10000x80xf32, #tpu.memory_space<hbm>>
    %dma_wait3A_79 = tpu.memref_squeeze %dma_wait3A_78 : memref<1x10000x80xf32, #tpu.memory_space<hbm>> -> memref<10000x80xf32, #tpu.memory_space<hbm>>
    %dma_wait3A_80 = arith.constant 0 : i32
    %dma_wait3A_81 = arith.constant 0 : i32
    %dma_wait3A_82 = tpu.memref_slice %dma_wait3A_79[%dma_wait3A_80, %dma_wait3A_81] : memref<10000x80xf32, #tpu.memory_space<hbm>> -> memref<10000x80xf32, #tpu.memory_space<hbm>>
    %dma_wait3A_83 = tpu.memref_slice %arg11[%dma_wait3A_68] : memref<3x!tpu.dma_semaphore, #tpu.memory_space<semaphore_mem>> -> memref<1x!tpu.dma_semaphore, #tpu.memory_space<semaphore_mem>>
    %dma_wait3A_84 = tpu.memref_squeeze %dma_wait3A_83 : memref<1x!tpu.dma_semaphore, #tpu.memory_space<semaphore_mem>> -> memref<!tpu.dma_semaphore, #tpu.memory_space<semaphore_mem>>
    tpu.wait_indirect_dma semaphore(%dma_wait3A_84 : memref<!tpu.dma_semaphore, #tpu.memory_space<semaphore_mem>>) src(%dma_wait3A_82 : memref<10000x80xf32, #tpu.memory_space<hbm>>) dst(%dma_wait3A_72 : memref<160x80xf32, #tpu.memory_space<vmem>>)
    %barrier3A_85 = arith.constant 0 : index
    tpu.barrier barrier_id(%barrier3A_85)
    %add3A_86 = arith.constant 0 : i32
    %add3A_87 = arith.addi %mul3A_6, %add3A_86 : i32
    "tpu.region"() ({
      %run_scoped3A_94 = tpu.sem_alloc : memref<!tpu.dma_semaphore, #tpu.memory_space<semaphore_mem>>
      %dma_start3A = arith.constant 0 : i32
      %dma_start3A_95 = tpu.memref_slice %arg6[%arg0, %add3A_87, %dma_start3A] : memref<2x10000x80xf32, #tpu.memory_space<hbm>> -> memref<1x160x80xf32, #tpu.memory_space<hbm>>
      %dma_start3A_96 = tpu.memref_squeeze %dma_start3A_95 : memref<1x160x80xf32, #tpu.memory_space<hbm>> -> memref<160x80xf32, #tpu.memory_space<hbm>>
      %dma_start3A_97 = arith.constant 0 : i32
      %dma_start3A_98 = tpu.memref_slice %arg10[%add3A_87, %dma_start3A_97] : memref<10000x80xf32, #tpu.memory_space<vmem_shared>> -> memref<160x80xf32, #tpu.memory_space<vmem_shared>>
      tpu.enqueue_dma source(%dma_start3A_98 : memref<160x80xf32, #tpu.memory_space<vmem_shared>>) target(%dma_start3A_96 : memref<160x80xf32, #tpu.memory_space<hbm>>) target_semaphore(%run_scoped3A_94 : memref<!tpu.dma_semaphore, #tpu.memory_space<semaphore_mem>>)
      %dma_wait3A_99 = arith.constant 0 : i32
      %dma_wait3A_100 = tpu.memref_slice %arg6[%arg0, %add3A_87, %dma_wait3A_99] : memref<2x10000x80xf32, #tpu.memory_space<hbm>> -> memref<1x160x80xf32, #tpu.memory_space<hbm>>
      %dma_wait3A_101 = tpu.memref_squeeze %dma_wait3A_100 : memref<1x160x80xf32, #tpu.memory_space<hbm>> -> memref<160x80xf32, #tpu.memory_space<hbm>>
      %dma_wait3A_102 = arith.constant 0 : i32
      %dma_wait3A_103 = tpu.memref_slice %arg10[%add3A_87, %dma_wait3A_102] : memref<10000x80xf32, #tpu.memory_space<vmem_shared>> -> memref<160x80xf32, #tpu.memory_space<vmem_shared>>
      tpu.wait_dma2 semaphore(%run_scoped3A_94 : memref<!tpu.dma_semaphore, #tpu.memory_space<semaphore_mem>>) src(%dma_wait3A_103 : memref<160x80xf32, #tpu.memory_space<vmem_shared>>) dst(%dma_wait3A_101 : memref<160x80xf32, #tpu.memory_space<hbm>>)
      tpu.yield
    }) : () -> ()
    %add3A_88 = arith.constant 160 : i32
    %add3A_89 = arith.addi %mul3A_6, %add3A_88 : i32
    "tpu.region"() ({
      %run_scoped3A_94 = tpu.sem_alloc : memref<!tpu.dma_semaphore, #tpu.memory_space<semaphore_mem>>
      %dma_start3A = arith.constant 0 : i32
      %dma_start3A_95 = tpu.memref_slice %arg6[%arg0, %add3A_89, %dma_start3A] : memref<2x10000x80xf32, #tpu.memory_space<hbm>> -> memref<1x160x80xf32, #tpu.memory_space<hbm>>
      %dma_start3A_96 = tpu.memref_squeeze %dma_start3A_95 : memref<1x160x80xf32, #tpu.memory_space<hbm>> -> memref<160x80xf32, #tpu.memory_space<hbm>>
      %dma_start3A_97 = arith.constant 0 : i32
      %dma_start3A_98 = tpu.memref_slice %arg10[%add3A_89, %dma_start3A_97] : memref<10000x80xf32, #tpu.memory_space<vmem_shared>> -> memref<160x80xf32, #tpu.memory_space<vmem_shared>>
      tpu.enqueue_dma source(%dma_start3A_98 : memref<160x80xf32, #tpu.memory_space<vmem_shared>>) target(%dma_start3A_96 : memref<160x80xf32, #tpu.memory_space<hbm>>) target_semaphore(%run_scoped3A_94 : memref<!tpu.dma_semaphore, #tpu.memory_space<semaphore_mem>>)
      %dma_wait3A_99 = arith.constant 0 : i32
      %dma_wait3A_100 = tpu.memref_slice %arg6[%arg0, %add3A_89, %dma_wait3A_99] : memref<2x10000x80xf32, #tpu.memory_space<hbm>> -> memref<1x160x80xf32, #tpu.memory_space<hbm>>
      %dma_wait3A_101 = tpu.memref_squeeze %dma_wait3A_100 : memref<1x160x80xf32, #tpu.memory_space<hbm>> -> memref<160x80xf32, #tpu.memory_space<hbm>>
      %dma_wait3A_102 = arith.constant 0 : i32
      %dma_wait3A_103 = tpu.memref_slice %arg10[%add3A_89, %dma_wait3A_102] : memref<10000x80xf32, #tpu.memory_space<vmem_shared>> -> memref<160x80xf32, #tpu.memory_space<vmem_shared>>
      tpu.wait_dma2 semaphore(%run_scoped3A_94 : memref<!tpu.dma_semaphore, #tpu.memory_space<semaphore_mem>>) src(%dma_wait3A_103 : memref<160x80xf32, #tpu.memory_space<vmem_shared>>) dst(%dma_wait3A_101 : memref<160x80xf32, #tpu.memory_space<hbm>>)
      tpu.yield
    }) : () -> ()
    %add3A_90 = arith.constant 320 : i32
    %add3A_91 = arith.addi %mul3A_6, %add3A_90 : i32
    "tpu.region"() ({
      %run_scoped3A_94 = tpu.sem_alloc : memref<!tpu.dma_semaphore, #tpu.memory_space<semaphore_mem>>
      %dma_start3A = arith.constant 0 : i32
      %dma_start3A_95 = tpu.memref_slice %arg6[%arg0, %add3A_91, %dma_start3A] : memref<2x10000x80xf32, #tpu.memory_space<hbm>> -> memref<1x160x80xf32, #tpu.memory_space<hbm>>
      %dma_start3A_96 = tpu.memref_squeeze %dma_start3A_95 : memref<1x160x80xf32, #tpu.memory_space<hbm>> -> memref<160x80xf32, #tpu.memory_space<hbm>>
      %dma_start3A_97 = arith.constant 0 : i32
      %dma_start3A_98 = tpu.memref_slice %arg10[%add3A_91, %dma_start3A_97] : memref<10000x80xf32, #tpu.memory_space<vmem_shared>> -> memref<160x80xf32, #tpu.memory_space<vmem_shared>>
      tpu.enqueue_dma source(%dma_start3A_98 : memref<160x80xf32, #tpu.memory_space<vmem_shared>>) target(%dma_start3A_96 : memref<160x80xf32, #tpu.memory_space<hbm>>) target_semaphore(%run_scoped3A_94 : memref<!tpu.dma_semaphore, #tpu.memory_space<semaphore_mem>>)
      %dma_wait3A_99 = arith.constant 0 : i32
      %dma_wait3A_100 = tpu.memref_slice %arg6[%arg0, %add3A_91, %dma_wait3A_99] : memref<2x10000x80xf32, #tpu.memory_space<hbm>> -> memref<1x160x80xf32, #tpu.memory_space<hbm>>
      %dma_wait3A_101 = tpu.memref_squeeze %dma_wait3A_100 : memref<1x160x80xf32, #tpu.memory_space<hbm>> -> memref<160x80xf32, #tpu.memory_space<hbm>>
      %dma_wait3A_102 = arith.constant 0 : i32
      %dma_wait3A_103 = tpu.memref_slice %arg10[%add3A_91, %dma_wait3A_102] : memref<10000x80xf32, #tpu.memory_space<vmem_shared>> -> memref<160x80xf32, #tpu.memory_space<vmem_shared>>
      tpu.wait_dma2 semaphore(%run_scoped3A_94 : memref<!tpu.dma_semaphore, #tpu.memory_space<semaphore_mem>>) src(%dma_wait3A_103 : memref<160x80xf32, #tpu.memory_space<vmem_shared>>) dst(%dma_wait3A_101 : memref<160x80xf32, #tpu.memory_space<hbm>>)
      tpu.yield
    }) : () -> ()
    %add3A_92 = arith.constant 480 : i32
    %add3A_93 = arith.addi %mul3A_6, %add3A_92 : i32
    "tpu.region"() ({
      %run_scoped3A_94 = tpu.sem_alloc : memref<!tpu.dma_semaphore, #tpu.memory_space<semaphore_mem>>
      %dma_start3A = arith.constant 0 : i32
      %dma_start3A_95 = tpu.memref_slice %arg6[%arg0, %add3A_93, %dma_start3A] : memref<2x10000x80xf32, #tpu.memory_space<hbm>> -> memref<1x145x80xf32, #tpu.memory_space<hbm>>
      %dma_start3A_96 = tpu.memref_squeeze %dma_start3A_95 : memref<1x145x80xf32, #tpu.memory_space<hbm>> -> memref<145x80xf32, #tpu.memory_space<hbm>>
      %dma_start3A_97 = arith.constant 0 : i32
      %dma_start3A_98 = tpu.memref_slice %arg10[%add3A_93, %dma_start3A_97] : memref<10000x80xf32, #tpu.memory_space<vmem_shared>> -> memref<145x80xf32, #tpu.memory_space<vmem_shared>>
      tpu.enqueue_dma source(%dma_start3A_98 : memref<145x80xf32, #tpu.memory_space<vmem_shared>>) target(%dma_start3A_96 : memref<145x80xf32, #tpu.memory_space<hbm>>) target_semaphore(%run_scoped3A_94 : memref<!tpu.dma_semaphore, #tpu.memory_space<semaphore_mem>>)
      %dma_wait3A_99 = arith.constant 0 : i32
      %dma_wait3A_100 = tpu.memref_slice %arg6[%arg0, %add3A_93, %dma_wait3A_99] : memref<2x10000x80xf32, #tpu.memory_space<hbm>> -> memref<1x145x80xf32, #tpu.memory_space<hbm>>
      %dma_wait3A_101 = tpu.memref_squeeze %dma_wait3A_100 : memref<1x145x80xf32, #tpu.memory_space<hbm>> -> memref<145x80xf32, #tpu.memory_space<hbm>>
      %dma_wait3A_102 = arith.constant 0 : i32
      %dma_wait3A_103 = tpu.memref_slice %arg10[%add3A_93, %dma_wait3A_102] : memref<10000x80xf32, #tpu.memory_space<vmem_shared>> -> memref<145x80xf32, #tpu.memory_space<vmem_shared>>
      tpu.wait_dma2 semaphore(%run_scoped3A_94 : memref<!tpu.dma_semaphore, #tpu.memory_space<semaphore_mem>>) src(%dma_wait3A_103 : memref<145x80xf32, #tpu.memory_space<vmem_shared>>) dst(%dma_wait3A_101 : memref<145x80xf32, #tpu.memory_space<hbm>>)
      tpu.yield
    }) : () -> ()
    return
  }
}

module attributes {stable_mosaic.version = 14 : i64} {
  func.func @_tc_tables_body(%arg0: i32, %arg1: memref<512x128xf32, #tpu.memory_space<vmem>>, %arg2: memref<128x256xf32, #tpu.memory_space<vmem>>, %arg3: memref<1x128xf32, #tpu.memory_space<vmem>>, %arg4: memref<2x512x80xf32, #tpu.memory_space<vmem>>, %arg5: memref<2x512x80xf32, #tpu.memory_space<vmem>>) attributes {dimension_semantics = [#tpu.dimension_semantics<arbitrary>], iteration_bounds = array<i64: 20>, scalar_prefetch = 0 : i64, scratch_operands = 0 : i64, tpu.core_type = #tpu.core_type<tc>, window_params = [{transform_indices = @transform_0, window_bounds = array<i64: 512, 128>}, {pipeline_mode = #tpu.pipeline_mode<synchronous>, transform_indices = @transform_1, window_bounds = array<i64: 128, 256>}, {pipeline_mode = #tpu.pipeline_mode<synchronous>, transform_indices = @transform_2, window_bounds = array<i64: 1, 128>}, {transform_indices = @transform_3, window_bounds = array<i64: 2, 512, 80>}, {transform_indices = @transform_4, window_bounds = array<i64: 2, 512, 80>}]} {
    %get3A = arith.constant 0 : index
    %get3A_0 = arith.constant 0 : index
    %get3A_1 = vector.load %arg1[%get3A, %get3A_0] : memref<512x128xf32, #tpu.memory_space<vmem>>, vector<512x128xf32>
    %get3A_2 = arith.constant 0 : index
    %get3A_3 = arith.constant 0 : index
    %get3A_4 = vector.load %arg2[%get3A_2, %get3A_3] : memref<128x256xf32, #tpu.memory_space<vmem>>, vector<128x256xf32>
    %slice3A = vector.extract_strided_slice %get3A_4 {offsets = [0, 0], sizes = [128, 128], strides = [1, 1]} : vector<128x256xf32> to vector<128x128xf32>
    %slice3A_5 = vector.extract_strided_slice %get3A_4 {offsets = [0, 128], sizes = [128, 128], strides = [1, 1]} : vector<128x256xf32> to vector<128x128xf32>
    %dot_general3A = arith.constant dense<0.000000e+00> : vector<512x128xf32>
    %dot_general3A_6 = tpu.matmul %get3A_1, %slice3A_5, %dot_general3A {dimension_numbers = #tpu.dot_dimension_numbers<[1], [1], [0], [0], [0, 0, 1, 0], [], []>, precision = #tpu.contract_precision<fp32>, transpose_lhs_hint = false} : vector<512x128xf32>, vector<128x128xf32>, vector<512x128xf32> -> vector<512x128xf32>
    %sub3A = arith.subf %slice3A, %slice3A_5 : vector<128x128xf32>
    %dot_general3A_7 = arith.constant dense<0.000000e+00> : vector<512x128xf32>
    %dot_general3A_8 = tpu.matmul %get3A_1, %sub3A, %dot_general3A_7 {dimension_numbers = #tpu.dot_dimension_numbers<[1], [1], [0], [0], [0, 0, 1, 0], [], []>, precision = #tpu.contract_precision<fp32>, transpose_lhs_hint = false} : vector<512x128xf32>, vector<128x128xf32>, vector<512x128xf32> -> vector<512x128xf32>
    %get3A_9 = arith.constant 0 : index
    %get3A_10 = arith.constant 0 : index
    %get3A_11 = vector.load %arg3[%get3A_9, %get3A_10] : memref<1x128xf32, #tpu.memory_space<vmem>>, vector<1x128xf32>
    %add3A = vector.broadcast %get3A_11 : vector<1x128xf32> to vector<512x128xf32>
    %add3A_12 = arith.addf %dot_general3A_8, %add3A : vector<512x128xf32>
    %iota3A = tpu.iota {dimensions = array<i32: 1>} : vector<512x32xi32>
    %eq3A = arith.constant 0 : i32
    %eq3A_13 = vector.broadcast %eq3A : i32 to vector<512x32xi32>
    %eq3A_14 = arith.cmpi eq, %iota3A, %eq3A_13 : vector<512x32xi32>
    %jit3A = arith.constant 1.000000e+00 : f32
    %jit3A_15 = arith.constant 0.000000e+00 : f32
    %broadcast_in_dim3A = vector.broadcast %jit3A : f32 to vector<512x32xf32>
    %broadcast_in_dim3A_16 = vector.broadcast %jit3A_15 : f32 to vector<512x32xf32>
    %select_n3A = arith.select %eq3A_14, %broadcast_in_dim3A, %broadcast_in_dim3A_16 : vector<512x32xi1>, vector<512x32xf32>
    %broadcast_in_dim3A_17 = arith.constant 0.000000e+00 : f32
    %broadcast_in_dim3A_18 = vector.broadcast %broadcast_in_dim3A_17 : f32 to vector<512x32xf32>
    %slice3A_19 = vector.extract_strided_slice %add3A_12 {offsets = [0, 0], sizes = [512, 80], strides = [1, 1]} : vector<512x128xf32> to vector<512x80xf32>
    %swap3A = arith.constant 0 : index
    %swap3A_20 = arith.constant 0 : index
    %swap3A_21 = arith.constant 0 : index
    %swap3A_22 = vector.load %arg4[%swap3A, %swap3A_20, %swap3A_21] : memref<2x512x80xf32, #tpu.memory_space<vmem>>, vector<1x512x80xf32>
    %swap3A_23 = vector.shape_cast %swap3A_22 : vector<1x512x80xf32> to vector<512x80xf32>
    %swap3A_24 = vector.shape_cast %slice3A_19 : vector<512x80xf32> to vector<1x512x80xf32>
    tpu.vector_store %arg4[%swap3A, %swap3A_20, %swap3A_21], %swap3A_24 {strides = array<i32>} : memref<2x512x80xf32, #tpu.memory_space<vmem>>, vector<1x512x80xf32>,
    %slice3A_25 = vector.extract_strided_slice %add3A_12 {offsets = [0, 80], sizes = [512, 48], strides = [1, 1]} : vector<512x128xf32> to vector<512x48xf32>
    %concatenate3A = tpu.concatenate %slice3A_25, %select_n3A in 1 : vector<512x48xf32>, vector<512x32xf32> -> vector<512x80xf32>
    %swap3A_26 = arith.constant 1 : index
    %swap3A_27 = arith.constant 0 : index
    %swap3A_28 = arith.constant 0 : index
    %swap3A_29 = vector.load %arg4[%swap3A_26, %swap3A_27, %swap3A_28] : memref<2x512x80xf32, #tpu.memory_space<vmem>>, vector<1x512x80xf32>
    %swap3A_30 = vector.shape_cast %swap3A_29 : vector<1x512x80xf32> to vector<512x80xf32>
    %swap3A_31 = vector.shape_cast %concatenate3A : vector<512x80xf32> to vector<1x512x80xf32>
    tpu.vector_store %arg4[%swap3A_26, %swap3A_27, %swap3A_28], %swap3A_31 {strides = array<i32>} : memref<2x512x80xf32, #tpu.memory_space<vmem>>, vector<1x512x80xf32>,
    %slice3A_32 = vector.extract_strided_slice %dot_general3A_6 {offsets = [0, 0], sizes = [512, 80], strides = [1, 1]} : vector<512x128xf32> to vector<512x80xf32>
    %swap3A_33 = arith.constant 0 : index
    %swap3A_34 = arith.constant 0 : index
    %swap3A_35 = arith.constant 0 : index
    %swap3A_36 = vector.load %arg5[%swap3A_33, %swap3A_34, %swap3A_35] : memref<2x512x80xf32, #tpu.memory_space<vmem>>, vector<1x512x80xf32>
    %swap3A_37 = vector.shape_cast %swap3A_36 : vector<1x512x80xf32> to vector<512x80xf32>
    %swap3A_38 = vector.shape_cast %slice3A_32 : vector<512x80xf32> to vector<1x512x80xf32>
    tpu.vector_store %arg5[%swap3A_33, %swap3A_34, %swap3A_35], %swap3A_38 {strides = array<i32>} : memref<2x512x80xf32, #tpu.memory_space<vmem>>, vector<1x512x80xf32>,
    %slice3A_39 = vector.extract_strided_slice %dot_general3A_6 {offsets = [0, 80], sizes = [512, 48], strides = [1, 1]} : vector<512x128xf32> to vector<512x48xf32>
    %concatenate3A_40 = tpu.concatenate %slice3A_39, %broadcast_in_dim3A_18 in 1 : vector<512x48xf32>, vector<512x32xf32> -> vector<512x80xf32>
    %swap3A_41 = arith.constant 1 : index
    %swap3A_42 = arith.constant 0 : index
    %swap3A_43 = arith.constant 0 : index
    %swap3A_44 = vector.load %arg5[%swap3A_41, %swap3A_42, %swap3A_43] : memref<2x512x80xf32, #tpu.memory_space<vmem>>, vector<1x512x80xf32>
    %swap3A_45 = vector.shape_cast %swap3A_44 : vector<1x512x80xf32> to vector<512x80xf32>
    %swap3A_46 = vector.shape_cast %concatenate3A_40 : vector<512x80xf32> to vector<1x512x80xf32>
    tpu.vector_store %arg5[%swap3A_41, %swap3A_42, %swap3A_43], %swap3A_46 {strides = array<i32>} : memref<2x512x80xf32, #tpu.memory_space<vmem>>, vector<1x512x80xf32>,
    return
  }
  func.func @transform_0(%arg0: i32) -> (i32, i32) {
    %c0_i32 = arith.constant 0 : i32
    %c0_i32_0 = arith.constant 0 : i32
    return %arg0, %c0_i32 : i32, i32
  }
  func.func @transform_1(%arg0: i32) -> (i32, i32) {
    %c0_i32 = arith.constant 0 : i32
    %c0_i32_0 = arith.constant 0 : i32
    %c0_i32_1 = arith.constant 0 : i32
    return %c0_i32, %c0_i32_0 : i32, i32
  }
  func.func @transform_2(%arg0: i32) -> (i32, i32) {
    %c0_i32 = arith.constant 0 : i32
    %c0_i32_0 = arith.constant 0 : i32
    %c0_i32_1 = arith.constant 0 : i32
    return %c0_i32, %c0_i32_0 : i32, i32
  }
  func.func @transform_3(%arg0: i32) -> (i32, i32, i32) {
    %c0_i32 = arith.constant 0 : i32
    %c0_i32_0 = arith.constant 0 : i32
    %c0_i32_1 = arith.constant 0 : i32
    return %c0_i32, %arg0, %c0_i32_0 : i32, i32, i32
  }
  func.func @transform_4(%arg0: i32) -> (i32, i32, i32) {
    %c0_i32 = arith.constant 0 : i32
    %c0_i32_0 = arith.constant 0 : i32
    %c0_i32_1 = arith.constant 0 : i32
    return %c0_i32, %arg0, %c0_i32_0 : i32, i32, i32
  }
}

module attributes {stable_mosaic.version = 14 : i64} {
  func.func @_tc_fin_tab_body(%arg0: i32, %arg1: memref<2x512x80xf32, #tpu.memory_space<vmem>>, %arg2: memref<1x128xf32, #tpu.memory_space<vmem>>, %arg3: memref<1x128xf32, #tpu.memory_space<vmem>>, %arg4: memref<128x128xf32, #tpu.memory_space<vmem>>, %arg5: memref<1x128xf32, #tpu.memory_space<vmem>>, %arg6: memref<128x256xf32, #tpu.memory_space<vmem>>, %arg7: memref<1x128xf32, #tpu.memory_space<vmem>>, %arg8: memref<2x512x80xf32, #tpu.memory_space<vmem>>, %arg9: memref<2x512x80xf32, #tpu.memory_space<vmem>>) attributes {dimension_semantics = [#tpu.dimension_semantics<arbitrary>], iteration_bounds = array<i64: 20>, scalar_prefetch = 0 : i64, scratch_operands = 0 : i64, tpu.core_type = #tpu.core_type<tc>, window_params = [{transform_indices = @transform_0, window_bounds = array<i64: 2, 512, 80>}, {pipeline_mode = #tpu.pipeline_mode<synchronous>, transform_indices = @transform_1, window_bounds = array<i64: 1, 128>}, {pipeline_mode = #tpu.pipeline_mode<synchronous>, transform_indices = @transform_2, window_bounds = array<i64: 1, 128>}, {pipeline_mode = #tpu.pipeline_mode<synchronous>, transform_indices = @transform_3, window_bounds = array<i64: 128, 128>}, {pipeline_mode = #tpu.pipeline_mode<synchronous>, transform_indices = @transform_4, window_bounds = array<i64: 1, 128>}, {pipeline_mode = #tpu.pipeline_mode<synchronous>, transform_indices = @transform_5, window_bounds = array<i64: 128, 256>}, {pipeline_mode = #tpu.pipeline_mode<synchronous>, transform_indices = @transform_6, window_bounds = array<i64: 1, 128>}, {transform_indices = @transform_7, window_bounds = array<i64: 2, 512, 80>}, {transform_indices = @transform_8, window_bounds = array<i64: 2, 512, 80>}]} {
    %get3A = arith.constant 0 : index
    %get3A_0 = arith.constant 0 : index
    %get3A_1 = arith.constant 0 : index
    %get3A_2 = vector.load %arg1[%get3A, %get3A_0, %get3A_1] : memref<2x512x80xf32, #tpu.memory_space<vmem>>, vector<2x512x80xf32>
    %slice3A = vector.extract_strided_slice %get3A_2 {offsets = [0, 0, 0], sizes = [1, 512, 80], strides = [1, 1, 1]} : vector<2x512x80xf32> to vector<1x512x80xf32>
    %squeeze3A = vector.shape_cast %slice3A : vector<1x512x80xf32> to vector<512x80xf32>
    %slice3A_3 = vector.extract_strided_slice %get3A_2 {offsets = [1, 0, 0], sizes = [1, 512, 80], strides = [1, 1, 1]} : vector<2x512x80xf32> to vector<1x512x80xf32>
    %squeeze3A_4 = vector.shape_cast %slice3A_3 : vector<1x512x80xf32> to vector<512x80xf32>
    %slice3A_5 = vector.extract_strided_slice %squeeze3A_4 {offsets = [0, 0], sizes = [512, 48], strides = [1, 1]} : vector<512x80xf32> to vector<512x48xf32>
    %concatenate3A = tpu.concatenate %squeeze3A, %slice3A_5 in 1 : vector<512x80xf32>, vector<512x48xf32> -> vector<512x128xf32>
    %slice3A_6 = vector.extract_strided_slice %get3A_2 {offsets = [1, 0, 0], sizes = [1, 512, 80], strides = [1, 1, 1]} : vector<2x512x80xf32> to vector<1x512x80xf32>
    %squeeze3A_7 = vector.shape_cast %slice3A_6 : vector<1x512x80xf32> to vector<512x80xf32>
    %slice3A_8 = vector.extract_strided_slice %squeeze3A_7 {offsets = [0, 48], sizes = [512, 1], strides = [1, 1]} : vector<512x80xf32> to vector<512x1xf32>
    %get3A_9 = arith.constant 0 : index
    %get3A_10 = arith.constant 0 : index
    %get3A_11 = vector.load %arg2[%get3A_9, %get3A_10] : memref<1x128xf32, #tpu.memory_space<vmem>>, vector<1x128xf32>
    %sqrt3A = arith.constant 1.000010e+00 : f32
    %sqrt3A_12 = math.sqrt %sqrt3A : f32
    %div3A = arith.constant 1.000000e+00 : f32
    %div3A_13 = arith.divf %div3A, %sqrt3A_12 : f32
    %mul3A = vector.broadcast %div3A_13 : f32 to vector<1x128xf32>
    %mul3A_14 = arith.mulf %get3A_11, %mul3A : vector<1x128xf32>
    %mul3A_15 = vector.broadcast %mul3A_14 : vector<1x128xf32> to vector<512x128xf32>
    %mul3A_16 = arith.mulf %concatenate3A, %mul3A_15 : vector<512x128xf32>
    %get3A_17 = arith.constant 0 : index
    %get3A_18 = arith.constant 0 : index
    %get3A_19 = vector.load %arg4[%get3A_17, %get3A_18] : memref<128x128xf32, #tpu.memory_space<vmem>>, vector<128x128xf32>
    %dot_general3A = arith.constant dense<0.000000e+00> : vector<512x128xf32>
    %dot_general3A_20 = tpu.matmul %mul3A_16, %get3A_19, %dot_general3A {dimension_numbers = #tpu.dot_dimension_numbers<[1], [1], [0], [0], [0, 0, 1, 0], [], []>, precision = #tpu.contract_precision<fp32>, transpose_lhs_hint = false} : vector<512x128xf32>, vector<128x128xf32>, vector<512x128xf32> -> vector<512x128xf32>
    %get3A_21 = arith.constant 0 : index
    %get3A_22 = arith.constant 0 : index
    %get3A_23 = vector.load %arg3[%get3A_21, %get3A_22] : memref<1x128xf32, #tpu.memory_space<vmem>>, vector<1x128xf32>
    %get3A_24 = arith.constant 0 : index
    %get3A_25 = arith.constant 0 : index
    %get3A_26 = vector.load %arg4[%get3A_24, %get3A_25] : memref<128x128xf32, #tpu.memory_space<vmem>>, vector<128x128xf32>
    %dot_general3A_27 = arith.constant dense<0.000000e+00> : vector<1x128xf32>
    %dot_general3A_28 = tpu.matmul %get3A_23, %get3A_26, %dot_general3A_27 {dimension_numbers = #tpu.dot_dimension_numbers<[1], [1], [0], [0], [0, 0, 1, 0], [], []>, precision = #tpu.contract_precision<fp32>, transpose_lhs_hint = false} : vector<1x128xf32>, vector<128x128xf32>, vector<1x128xf32> -> vector<1x128xf32>
    %get3A_29 = arith.constant 0 : index
    %get3A_30 = arith.constant 0 : index
    %get3A_31 = vector.load %arg5[%get3A_29, %get3A_30] : memref<1x128xf32, #tpu.memory_space<vmem>>, vector<1x128xf32>
    %add3A = arith.addf %dot_general3A_28, %get3A_31 : vector<1x128xf32>
    %mul3A_32 = vector.broadcast %slice3A_8 : vector<512x1xf32> to vector<512x128xf32>
    %mul3A_33 = vector.broadcast %add3A : vector<1x128xf32> to vector<512x128xf32>
    %mul3A_34 = arith.mulf %mul3A_32, %mul3A_33 : vector<512x128xf32>
    %add3A_35 = arith.addf %dot_general3A_20, %mul3A_34 : vector<512x128xf32>
    %max3A = arith.constant 0.000000e+00 : f32
    %max3A_36 = vector.broadcast %max3A : f32 to vector<512x128xf32>
    %max3A_37 = arith.maximumf %add3A_35, %max3A_36 : vector<512x128xf32>
    %mul3A_38 = arith.mulf %max3A_37, %max3A_37 : vector<512x128xf32>
    %reduce_sum3A = arith.constant dense<0.000000e+00> : vector<512xf32>
    %reduce_sum3A_39 = vector.multi_reduction <add>, %mul3A_38, %reduce_sum3A [1] : vector<512x128xf32> to vector<512xf32>
    %broadcast_in_dim3A = vector.shape_cast %reduce_sum3A_39 : vector<512xf32> to vector<512x1xf32>
    %sqrt3A_40 = math.sqrt %broadcast_in_dim3A : vector<512x1xf32>
    %max3A_41 = arith.constant 9.99999996E-13 : f32
    %max3A_42 = vector.broadcast %max3A_41 : f32 to vector<512x1xf32>
    %max3A_43 = arith.maximumf %sqrt3A_40, %max3A_42 : vector<512x1xf32>
    %div3A_44 = vector.broadcast %max3A_43 : vector<512x1xf32> to vector<512x128xf32>
    %div3A_45 = arith.divf %max3A_37, %div3A_44 : vector<512x128xf32>
    %get3A_46 = arith.constant 0 : index
    %get3A_47 = arith.constant 0 : index
    %get3A_48 = vector.load %arg6[%get3A_46, %get3A_47] : memref<128x256xf32, #tpu.memory_space<vmem>>, vector<128x256xf32>
    %slice3A_49 = vector.extract_strided_slice %get3A_48 {offsets = [0, 0], sizes = [128, 128], strides = [1, 1]} : vector<128x256xf32> to vector<128x128xf32>
    %slice3A_50 = vector.extract_strided_slice %get3A_48 {offsets = [0, 128], sizes = [128, 128], strides = [1, 1]} : vector<128x256xf32> to vector<128x128xf32>
    %dot_general3A_51 = arith.constant dense<0.000000e+00> : vector<512x128xf32>
    %dot_general3A_52 = tpu.matmul %div3A_45, %slice3A_50, %dot_general3A_51 {dimension_numbers = #tpu.dot_dimension_numbers<[1], [1], [0], [0], [0, 0, 1, 0], [], []>, precision = #tpu.contract_precision<fp32>, transpose_lhs_hint = false} : vector<512x128xf32>, vector<128x128xf32>, vector<512x128xf32> -> vector<512x128xf32>
    %sub3A = arith.subf %slice3A_49, %slice3A_50 : vector<128x128xf32>
    %dot_general3A_53 = arith.constant dense<0.000000e+00> : vector<512x128xf32>
    %dot_general3A_54 = tpu.matmul %div3A_45, %sub3A, %dot_general3A_53 {dimension_numbers = #tpu.dot_dimension_numbers<[1], [1], [0], [0], [0, 0, 1, 0], [], []>, precision = #tpu.contract_precision<fp32>, transpose_lhs_hint = false} : vector<512x128xf32>, vector<128x128xf32>, vector<512x128xf32> -> vector<512x128xf32>
    %get3A_55 = arith.constant 0 : index
    %get3A_56 = arith.constant 0 : index
    %get3A_57 = vector.load %arg7[%get3A_55, %get3A_56] : memref<1x128xf32, #tpu.memory_space<vmem>>, vector<1x128xf32>
    %add3A_58 = vector.broadcast %get3A_57 : vector<1x128xf32> to vector<512x128xf32>
    %add3A_59 = arith.addf %dot_general3A_54, %add3A_58 : vector<512x128xf32>
    %iota3A = tpu.iota {dimensions = array<i32: 1>} : vector<512x32xi32>
    %eq3A = arith.constant 0 : i32
    %eq3A_60 = vector.broadcast %eq3A : i32 to vector<512x32xi32>
    %eq3A_61 = arith.cmpi eq, %iota3A, %eq3A_60 : vector<512x32xi32>
    %jit3A = arith.constant 1.000000e+00 : f32
    %jit3A_62 = arith.constant 0.000000e+00 : f32
    %broadcast_in_dim3A_63 = vector.broadcast %jit3A : f32 to vector<512x32xf32>
    %broadcast_in_dim3A_64 = vector.broadcast %jit3A_62 : f32 to vector<512x32xf32>
    %select_n3A = arith.select %eq3A_61, %broadcast_in_dim3A_63, %broadcast_in_dim3A_64 : vector<512x32xi1>, vector<512x32xf32>
    %broadcast_in_dim3A_65 = arith.constant 0.000000e+00 : f32
    %broadcast_in_dim3A_66 = vector.broadcast %broadcast_in_dim3A_65 : f32 to vector<512x32xf32>
    %slice3A_67 = vector.extract_strided_slice %add3A_59 {offsets = [0, 0], sizes = [512, 80], strides = [1, 1]} : vector<512x128xf32> to vector<512x80xf32>
    %swap3A = arith.constant 0 : index
    %swap3A_68 = arith.constant 0 : index
    %swap3A_69 = arith.constant 0 : index
    %swap3A_70 = vector.load %arg8[%swap3A, %swap3A_68, %swap3A_69] : memref<2x512x80xf32, #tpu.memory_space<vmem>>, vector<1x512x80xf32>
    %swap3A_71 = vector.shape_cast %swap3A_70 : vector<1x512x80xf32> to vector<512x80xf32>
    %swap3A_72 = vector.shape_cast %slice3A_67 : vector<512x80xf32> to vector<1x512x80xf32>
    tpu.vector_store %arg8[%swap3A, %swap3A_68, %swap3A_69], %swap3A_72 {strides = array<i32>} : memref<2x512x80xf32, #tpu.memory_space<vmem>>, vector<1x512x80xf32>,
    %slice3A_73 = vector.extract_strided_slice %add3A_59 {offsets = [0, 80], sizes = [512, 48], strides = [1, 1]} : vector<512x128xf32> to vector<512x48xf32>
    %concatenate3A_74 = tpu.concatenate %slice3A_73, %select_n3A in 1 : vector<512x48xf32>, vector<512x32xf32> -> vector<512x80xf32>
    %swap3A_75 = arith.constant 1 : index
    %swap3A_76 = arith.constant 0 : index
    %swap3A_77 = arith.constant 0 : index
    %swap3A_78 = vector.load %arg8[%swap3A_75, %swap3A_76, %swap3A_77] : memref<2x512x80xf32, #tpu.memory_space<vmem>>, vector<1x512x80xf32>
    %swap3A_79 = vector.shape_cast %swap3A_78 : vector<1x512x80xf32> to vector<512x80xf32>
    %swap3A_80 = vector.shape_cast %concatenate3A_74 : vector<512x80xf32> to vector<1x512x80xf32>
    tpu.vector_store %arg8[%swap3A_75, %swap3A_76, %swap3A_77], %swap3A_80 {strides = array<i32>} : memref<2x512x80xf32, #tpu.memory_space<vmem>>, vector<1x512x80xf32>,
    %slice3A_81 = vector.extract_strided_slice %dot_general3A_52 {offsets = [0, 0], sizes = [512, 80], strides = [1, 1]} : vector<512x128xf32> to vector<512x80xf32>
    %swap3A_82 = arith.constant 0 : index
    %swap3A_83 = arith.constant 0 : index
    %swap3A_84 = arith.constant 0 : index
    %swap3A_85 = vector.load %arg9[%swap3A_82, %swap3A_83, %swap3A_84] : memref<2x512x80xf32, #tpu.memory_space<vmem>>, vector<1x512x80xf32>
    %swap3A_86 = vector.shape_cast %swap3A_85 : vector<1x512x80xf32> to vector<512x80xf32>
    %swap3A_87 = vector.shape_cast %slice3A_81 : vector<512x80xf32> to vector<1x512x80xf32>
    tpu.vector_store %arg9[%swap3A_82, %swap3A_83, %swap3A_84], %swap3A_87 {strides = array<i32>} : memref<2x512x80xf32, #tpu.memory_space<vmem>>, vector<1x512x80xf32>,
    %slice3A_88 = vector.extract_strided_slice %dot_general3A_52 {offsets = [0, 80], sizes = [512, 48], strides = [1, 1]} : vector<512x128xf32> to vector<512x48xf32>
    %concatenate3A_89 = tpu.concatenate %slice3A_88, %broadcast_in_dim3A_66 in 1 : vector<512x48xf32>, vector<512x32xf32> -> vector<512x80xf32>
    %swap3A_90 = arith.constant 1 : index
    %swap3A_91 = arith.constant 0 : index
    %swap3A_92 = arith.constant 0 : index
    %swap3A_93 = vector.load %arg9[%swap3A_90, %swap3A_91, %swap3A_92] : memref<2x512x80xf32, #tpu.memory_space<vmem>>, vector<1x512x80xf32>
    %swap3A_94 = vector.shape_cast %swap3A_93 : vector<1x512x80xf32> to vector<512x80xf32>
    %swap3A_95 = vector.shape_cast %concatenate3A_89 : vector<512x80xf32> to vector<1x512x80xf32>
    tpu.vector_store %arg9[%swap3A_90, %swap3A_91, %swap3A_92], %swap3A_95 {strides = array<i32>} : memref<2x512x80xf32, #tpu.memory_space<vmem>>, vector<1x512x80xf32>,
    return
  }
  func.func @transform_0(%arg0: i32) -> (i32, i32, i32) {
    %c0_i32 = arith.constant 0 : i32
    %c0_i32_0 = arith.constant 0 : i32
    %c0_i32_1 = arith.constant 0 : i32
    return %c0_i32, %arg0, %c0_i32_0 : i32, i32, i32
  }
  func.func @transform_1(%arg0: i32) -> (i32, i32) {
    %c0_i32 = arith.constant 0 : i32
    %c0_i32_0 = arith.constant 0 : i32
    %c0_i32_1 = arith.constant 0 : i32
    return %c0_i32, %c0_i32_0 : i32, i32
  }
  func.func @transform_2(%arg0: i32) -> (i32, i32) {
    %c0_i32 = arith.constant 0 : i32
    %c0_i32_0 = arith.constant 0 : i32
    %c0_i32_1 = arith.constant 0 : i32
    return %c0_i32, %c0_i32_0 : i32, i32
  }
  func.func @transform_3(%arg0: i32) -> (i32, i32) {
    %c0_i32 = arith.constant 0 : i32
    %c0_i32_0 = arith.constant 0 : i32
    %c0_i32_1 = arith.constant 0 : i32
    return %c0_i32, %c0_i32_0 : i32, i32
  }
  func.func @transform_4(%arg0: i32) -> (i32, i32) {
    %c0_i32 = arith.constant 0 : i32
    %c0_i32_0 = arith.constant 0 : i32
    %c0_i32_1 = arith.constant 0 : i32
    return %c0_i32, %c0_i32_0 : i32, i32
  }
  func.func @transform_5(%arg0: i32) -> (i32, i32) {
    %c0_i32 = arith.constant 0 : i32
    %c0_i32_0 = arith.constant 0 : i32
    %c0_i32_1 = arith.constant 0 : i32
    return %c0_i32, %c0_i32_0 : i32, i32
  }
  func.func @transform_6(%arg0: i32) -> (i32, i32) {
    %c0_i32 = arith.constant 0 : i32
    %c0_i32_0 = arith.constant 0 : i32
    %c0_i32_1 = arith.constant 0 : i32
    return %c0_i32, %c0_i32_0 : i32, i32
  }
  func.func @transform_7(%arg0: i32) -> (i32, i32, i32) {
    %c0_i32 = arith.constant 0 : i32
    %c0_i32_0 = arith.constant 0 : i32
    %c0_i32_1 = arith.constant 0 : i32
    return %c0_i32, %arg0, %c0_i32_0 : i32, i32, i32
  }
  func.func @transform_8(%arg0: i32) -> (i32, i32, i32) {
    %c0_i32 = arith.constant 0 : i32
    %c0_i32_0 = arith.constant 0 : i32
    %c0_i32_1 = arith.constant 0 : i32
    return %c0_i32, %arg0, %c0_i32_0 : i32, i32, i32
  }
}

module attributes {stable_mosaic.version = 14 : i64} {
  func.func @_tc_finalize_body(%arg0: i32, %arg1: memref<2x512x80xf32, #tpu.memory_space<vmem>>, %arg2: memref<1x128xf32, #tpu.memory_space<vmem>>, %arg3: memref<1x128xf32, #tpu.memory_space<vmem>>, %arg4: memref<128x128xf32, #tpu.memory_space<vmem>>, %arg5: memref<1x128xf32, #tpu.memory_space<vmem>>, %arg6: memref<512x128xf32, #tpu.memory_space<vmem>>) attributes {dimension_semantics = [#tpu.dimension_semantics<arbitrary>], iteration_bounds = array<i64: 20>, scalar_prefetch = 0 : i64, scratch_operands = 0 : i64, tpu.core_type = #tpu.core_type<tc>, window_params = [{transform_indices = @transform_0, window_bounds = array<i64: 2, 512, 80>}, {pipeline_mode = #tpu.pipeline_mode<synchronous>, transform_indices = @transform_1, window_bounds = array<i64: 1, 128>}, {pipeline_mode = #tpu.pipeline_mode<synchronous>, transform_indices = @transform_2, window_bounds = array<i64: 1, 128>}, {pipeline_mode = #tpu.pipeline_mode<synchronous>, transform_indices = @transform_3, window_bounds = array<i64: 128, 128>}, {pipeline_mode = #tpu.pipeline_mode<synchronous>, transform_indices = @transform_4, window_bounds = array<i64: 1, 128>}, {transform_indices = @transform_5, window_bounds = array<i64: 512, 128>}]} {
    %get3A = arith.constant 0 : index
    %get3A_0 = arith.constant 0 : index
    %get3A_1 = arith.constant 0 : index
    %get3A_2 = vector.load %arg1[%get3A, %get3A_0, %get3A_1] : memref<2x512x80xf32, #tpu.memory_space<vmem>>, vector<2x512x80xf32>
    %slice3A = vector.extract_strided_slice %get3A_2 {offsets = [0, 0, 0], sizes = [1, 512, 80], strides = [1, 1, 1]} : vector<2x512x80xf32> to vector<1x512x80xf32>
    %squeeze3A = vector.shape_cast %slice3A : vector<1x512x80xf32> to vector<512x80xf32>
    %slice3A_3 = vector.extract_strided_slice %get3A_2 {offsets = [1, 0, 0], sizes = [1, 512, 80], strides = [1, 1, 1]} : vector<2x512x80xf32> to vector<1x512x80xf32>
    %squeeze3A_4 = vector.shape_cast %slice3A_3 : vector<1x512x80xf32> to vector<512x80xf32>
    %slice3A_5 = vector.extract_strided_slice %squeeze3A_4 {offsets = [0, 0], sizes = [512, 48], strides = [1, 1]} : vector<512x80xf32> to vector<512x48xf32>
    %concatenate3A = tpu.concatenate %squeeze3A, %slice3A_5 in 1 : vector<512x80xf32>, vector<512x48xf32> -> vector<512x128xf32>
    %slice3A_6 = vector.extract_strided_slice %squeeze3A_4 {offsets = [0, 48], sizes = [512, 1], strides = [1, 1]} : vector<512x80xf32> to vector<512x1xf32>
    %get3A_7 = arith.constant 0 : index
    %get3A_8 = arith.constant 0 : index
    %get3A_9 = vector.load %arg2[%get3A_7, %get3A_8] : memref<1x128xf32, #tpu.memory_space<vmem>>, vector<1x128xf32>
    %sqrt3A = arith.constant 1.000010e+00 : f32
    %sqrt3A_10 = math.sqrt %sqrt3A : f32
    %div3A = arith.constant 1.000000e+00 : f32
    %div3A_11 = arith.divf %div3A, %sqrt3A_10 : f32
    %mul3A = vector.broadcast %div3A_11 : f32 to vector<1x128xf32>
    %mul3A_12 = arith.mulf %get3A_9, %mul3A : vector<1x128xf32>
    %mul3A_13 = vector.broadcast %mul3A_12 : vector<1x128xf32> to vector<512x128xf32>
    %mul3A_14 = arith.mulf %concatenate3A, %mul3A_13 : vector<512x128xf32>
    %get3A_15 = arith.constant 0 : index
    %get3A_16 = arith.constant 0 : index
    %get3A_17 = vector.load %arg4[%get3A_15, %get3A_16] : memref<128x128xf32, #tpu.memory_space<vmem>>, vector<128x128xf32>
    %dot_general3A = arith.constant dense<0.000000e+00> : vector<512x128xf32>
    %dot_general3A_18 = tpu.matmul %mul3A_14, %get3A_17, %dot_general3A {dimension_numbers = #tpu.dot_dimension_numbers<[1], [1], [0], [0], [0, 0, 1, 0], [], []>, precision = #tpu.contract_precision<fp32>, transpose_lhs_hint = false} : vector<512x128xf32>, vector<128x128xf32>, vector<512x128xf32> -> vector<512x128xf32>
    %get3A_19 = arith.constant 0 : index
    %get3A_20 = arith.constant 0 : index
    %get3A_21 = vector.load %arg3[%get3A_19, %get3A_20] : memref<1x128xf32, #tpu.memory_space<vmem>>, vector<1x128xf32>
    %get3A_22 = arith.constant 0 : index
    %get3A_23 = arith.constant 0 : index
    %get3A_24 = vector.load %arg4[%get3A_22, %get3A_23] : memref<128x128xf32, #tpu.memory_space<vmem>>, vector<128x128xf32>
    %dot_general3A_25 = arith.constant dense<0.000000e+00> : vector<1x128xf32>
    %dot_general3A_26 = tpu.matmul %get3A_21, %get3A_24, %dot_general3A_25 {dimension_numbers = #tpu.dot_dimension_numbers<[1], [1], [0], [0], [0, 0, 1, 0], [], []>, precision = #tpu.contract_precision<fp32>, transpose_lhs_hint = false} : vector<1x128xf32>, vector<128x128xf32>, vector<1x128xf32> -> vector<1x128xf32>
    %get3A_27 = arith.constant 0 : index
    %get3A_28 = arith.constant 0 : index
    %get3A_29 = vector.load %arg5[%get3A_27, %get3A_28] : memref<1x128xf32, #tpu.memory_space<vmem>>, vector<1x128xf32>
    %add3A = arith.addf %dot_general3A_26, %get3A_29 : vector<1x128xf32>
    %mul3A_30 = vector.broadcast %slice3A_6 : vector<512x1xf32> to vector<512x128xf32>
    %mul3A_31 = vector.broadcast %add3A : vector<1x128xf32> to vector<512x128xf32>
    %mul3A_32 = arith.mulf %mul3A_30, %mul3A_31 : vector<512x128xf32>
    %add3A_33 = arith.addf %dot_general3A_18, %mul3A_32 : vector<512x128xf32>
    %swap3A = arith.constant 0 : index
    %swap3A_34 = arith.constant 0 : index
    %swap3A_35 = vector.load %arg6[%swap3A, %swap3A_34] : memref<512x128xf32, #tpu.memory_space<vmem>>, vector<512x128xf32>
    tpu.vector_store %arg6[%swap3A, %swap3A_34], %add3A_33 {strides = array<i32>} : memref<512x128xf32, #tpu.memory_space<vmem>>, vector<512x128xf32>,
    return
  }
  func.func @transform_0(%arg0: i32) -> (i32, i32, i32) {
    %c0_i32 = arith.constant 0 : i32
    %c0_i32_0 = arith.constant 0 : i32
    %c0_i32_1 = arith.constant 0 : i32
    return %c0_i32, %arg0, %c0_i32_0 : i32, i32, i32
  }
  func.func @transform_1(%arg0: i32) -> (i32, i32) {
    %c0_i32 = arith.constant 0 : i32
    %c0_i32_0 = arith.constant 0 : i32
    %c0_i32_1 = arith.constant 0 : i32
    return %c0_i32, %c0_i32_0 : i32, i32
  }
  func.func @transform_2(%arg0: i32) -> (i32, i32) {
    %c0_i32 = arith.constant 0 : i32
    %c0_i32_0 = arith.constant 0 : i32
    %c0_i32_1 = arith.constant 0 : i32
    return %c0_i32, %c0_i32_0 : i32, i32
  }
  func.func @transform_3(%arg0: i32) -> (i32, i32) {
    %c0_i32 = arith.constant 0 : i32
    %c0_i32_0 = arith.constant 0 : i32
    %c0_i32_1 = arith.constant 0 : i32
    return %c0_i32, %c0_i32_0 : i32, i32
  }
  func.func @transform_4(%arg0: i32) -> (i32, i32) {
    %c0_i32 = arith.constant 0 : i32
    %c0_i32_0 = arith.constant 0 : i32
    %c0_i32_1 = arith.constant 0 : i32
    return %c0_i32, %c0_i32_0 : i32, i32
  }
  func.func @transform_5(%arg0: i32) -> (i32, i32) {
    %c0_i32 = arith.constant 0 : i32
    %c0_i32_0 = arith.constant 0 : i32
    return %arg0, %c0_i32 : i32, i32
  }
}

</mosaic_0001>

<sc_bundles>
// kernel: kernel.10.cloned.1.call-start
scs
__scs_entry_jumppad:
0x0: {  	(pc) =	sbr.rel $0x88, $3  }
0x1: {  	(tag) =	ssettag $0x0;
	lr =	simm.s32 $0x1  }
0x2: {  	[smem:$0x3F93] =	sst lr;
	_ =	strace $0xD0000000  }
0x3: {  	_ = 	snop  }
0x4: {  	_ = 	snop  }
0x5: {  	_ = 	snop  }
0x6: {  	_ = 	snop  }
0x7: {  	_ = 	snop  }
__scs_overlays_trampoline_lowered:
0x8: {  	[smem:$0x3FA2] =	sst s0  }
0x9: {  	[smem:$0x3FA3] =	sst s1  }
0xa: {  	[smem:$0x3FA4] =	sst s2  }
0xb: {  	[smem:$0x3FA5] =	sst s3  }
0xc: {  	[smem:$0x3FA6] =	sst s4  }
0xd: {  	[smem:$0x3FA7] =	sst s5  }
0xe: {  	[smem:$0x3FA8] =	sst s6  }
0xf: {  	[smem:$0x3FA9] =	sst s7  }
0x10: {  	[smem:$0x3FAA] =	sst s8  }
0x11: {  	[smem:$0x3FAB] =	sst s9;
	s0 =	simm.s32 @!p0 $0x0  }
0x12: {  	s1 =	sld [smem:$0x3F91];
	s0 =	simm.s32 @p0 $0x1  }
0x13: {  	[smem:$0x3FAC] =	sst s0;
	s0 =	simm.s32 @!p1 $0x0  }
0x14: {  	s2 =	sld [smem:$0x3F90];
	s0 =	simm.s32 @p1 $0x1  }
0x15: {  	[smem:$0x3FAD] =	sst s0;
	s0 =	simm.s32 @!p2 $0x0  }
0x16: {  	s3 =	sld [smem:$0x3FDB];
	s0 =	simm.s32 @p2 $0x1  }
0x17: {  	s4 =	simm.s32 $0x1BF5;
	[smem:$0x3FAF] =	sst s0  }
0x18: {  	s0 =	sld [smem:$0x3F92];
	_ =	swait.ge [sflag:s4], $0x0  }
0x19: {  	s7 =	sld [smem:$0x3F93]  }
0x1a: {  	s8 =	sadd.s32 $0xFFFFE003, lr  }
0x1b: {  	s9 =	sadd.s32 $0xFFFFFEF7, lr;
	s5 =	simm.s32 $0xFFFFFFFF;
	p2 =	slt.u32 s8, $0xFFFFF086  }
0x1c: {  	p1 =	slt.u32 s9, $0xF7A;
	s5 =	simm.s32 @!p2 $0x0  }
0x1d: {  	s5 =	simm.s32 @p1 $0x1;
	p0 =	seq.s32 s7, s2  }
0x1e: {  	s7 =	smul.u32 @!p0 $0xF7A, s2;
	p2 =	seq.s32 @!p0 s5, $0x0  }
0x1f: {  	s9 =	smul.u32 $0xF7A, s1;
	s8 =	simm.s32 @!p0 $0x1BF5;
	p2 =	por !p2, p0  }
0x20: {  	[sflag:s8] =	ssyncset.s32 @!p0 $0xFFFFF086;
	s6 =	sadd.s32 @!p0 s3, s7;
	s7 =	simm.s32 @!p0 $0x108  }
0x21: {  	s3 =	sadd.s32 s3, s9;
	s6 =	sadd.s32 @!p0 $0x88, s6;
	s7 =	simm.s32 @p2 $0x1082  }
0x22: {  	[simem:s7], [sflag:s8] =	dma.local @!p0 [hbm:s6], $0xF7A  }
0x23: {  	s9 =	sor.u32 $0xD0000000, s2;
	s6 =	simm.s32 $0x108;
	_ =	swait.ge @!p0 [sflag:s8], $0x0  }
0x24: {  	s3 =	sadd.s32 $0x88, s3;
	s6 =	simm.s32 @!p1 $0x1082;
	[sflag:s4] =	ssyncset.s32 $0xFFFFF086  }
0x25: {  	[simem:s6], [sflag:s4] =	dma.local [hbm:s3], $0xF7A  }
0x26: {  	[smem:$0x3F93] =	sst s1;
	(tag) =	ssettag s2;
	_ =	strace s9  }
0x27: {  	s1 =	sld [smem:$0x3FA3]  }
0x28: {  	s2 =	sld [smem:$0x3FA4]  }
0x29: {  	s4 =	sld [smem:$0x3FA6]  }
0x2a: {  	p0 =	seq.s32 s5, $0x0;
	s5 =	sld [smem:$0x3FA7]  }
0x2b: {  	s6 =	sld [smem:$0x3FA8]  }
0x2c: {  	s7 =	sld [smem:$0x3FA9]  }
0x2d: {  	s3 =	simm.s32 $0x108;
	s8 =	sld [smem:$0x3FAA]  }
0x2e: {  	s3 =	simm.s32 @!p0 $0x1082;
	s9 =	sld [smem:$0x3FAB]  }
0x2f: {  	lr =	sadd.s32 s0, s3;
	s0 =	sld [smem:$0x3FA2]  }
0x30: {  	s3 =	sld [smem:$0x3FA5]  }
0x31: {  	[smem:$0x3FAE] =	sst s10  }
0x32: {  	s10 =	sld [smem:$0x3FAC];
	_ =	sdelay $0x3  }
0x33: {  	p0 =	seq.s32 s10, $0x1;
	s10 =	sld [smem:$0x3FAE];
	_ =	sdelay $0x3  }
0x34: {  	[smem:$0x3FAE] =	sst s10  }
0x35: {  	s10 =	sld [smem:$0x3FAD];
	_ =	sdelay $0x3  }
0x36: {  	p1 =	seq.s32 s10, $0x1;
	s10 =	sld [smem:$0x3FAE];
	_ =	sdelay $0x3  }
0x37: {  	[smem:$0x3FAE] =	sst s10  }
0x38: {  	s10 =	sld [smem:$0x3FAF]  }
0x39: {  	_ = 	snop;
	(pc) =	sbr.ind lr, $3  }
0x3a: {  	_ = 	snop  }
0x3b: {  	_ = 	snop  }
0x3c: {  	p2 =	seq.s32 s10, $0x1;
	s10 =	sld [smem:$0x3FAE]  }
0x3d: {  	_ =	shalt  }
0x3e: {  	_ =	shalt  }
0x3f: {  	_ =	shalt  }
0x40: {  	_ =	shalt  }
0x41: {  	_ =	shalt  }
0x42: {  	_ =	shalt  }
0x43: {  	_ =	shalt  }
0x44: {  	_ =	shalt  }
0x45: {  	_ =	shalt  }
0x46: {  	_ =	shalt  }
0x47: {  	_ =	shalt  }
0x48: {  	_ =	shalt  }
0x49: {  	_ =	shalt  }
0x4a: {  	_ =	shalt  }
0x4b: {  	_ =	shalt  }
0x4c: {  	_ =	shalt  }
0x4d: {  	_ =	shalt  }
0x4e: {  	_ =	shalt  }
0x4f: {  	_ =	shalt  }
0x50: {  	_ =	shalt  }
0x51: {  	_ =	shalt  }
0x52: {  	_ =	shalt  }
0x53: {  	_ =	shalt  }
0x54: {  	_ =	shalt  }
0x55: {  	_ =	shalt  }
0x56: {  	_ =	shalt  }
0x57: {  	_ =	shalt  }
0x58: {  	_ =	shalt  }
0x59: {  	_ =	shalt  }
0x5a: {  	_ =	shalt  }
0x5b: {  	_ =	shalt  }
0x5c: {  	_ =	shalt  }
0x5d: {  	_ =	shalt  }
0x5e: {  	_ =	shalt  }
0x5f: {  	_ =	shalt  }
0x60: {  	_ =	shalt  }
0x61: {  	_ =	shalt  }
0x62: {  	_ =	shalt  }
0x63: {  	_ =	shalt  }
0x64: {  	_ =	shalt  }
0x65: {  	_ =	shalt  }
0x66: {  	_ =	shalt  }
0x67: {  	_ =	shalt  }
0x68: {  	_ =	shalt  }
0x69: {  	_ =	shalt  }
0x6a: {  	_ =	shalt  }
0x6b: {  	_ =	shalt  }
0x6c: {  	_ =	shalt  }
0x6d: {  	_ =	shalt  }
0x6e: {  	_ =	shalt  }
0x6f: {  	_ =	shalt  }
0x70: {  	_ =	shalt  }
0x71: {  	_ =	shalt  }
0x72: {  	_ =	shalt  }
0x73: {  	_ =	shalt  }
0x74: {  	_ =	shalt  }
0x75: {  	_ =	shalt  }
0x76: {  	_ =	shalt  }
0x77: {  	_ =	shalt  }
0x78: {  	_ =	shalt  }
0x79: {  	_ =	shalt  }
0x7a: {  	_ =	shalt  }
0x7b: {  	_ =	shalt  }
0x7c: {  	_ =	shalt  }
0x7d: {  	_ =	shalt  }
0x7e: {  	_ =	shalt  }
0x7f: {  	_ =	shalt  }
0x80: {  	_ =	shalt  }
0x81: {  	_ =	shalt  }
0x82: {  	_ =	shalt  }
0x83: {  	_ =	shalt  }
0x84: {  	_ =	shalt  }
0x85: {  	_ =	shalt  }
0x86: {  	_ =	shalt  }
0x87: {  	_ =	shalt  }
.Lfunc_end0:
.L_simem_size_0:
called_computation.1_lowered:
.L_overlay_start_0:
0x88: {  	s2 =	sld [smem:$0x3FD9]  }
0x89: {  	s3 =	sld [smem:$0x3FFE];
	_ =	sdelay $0x1  }
0x8a: {  	s1 =	srdreg.scid  }
0x8b: {  	s0 =	sand.u32 $0x1, s1  }
0x8c: {  	s17 =	sshll.u32 s0, $0xA;
	s2 =	sadd.s32 s3, s2  }
0x8d: {  	s2 =	sadd.s32 s2, s17  }
0x8e: {  	[smem:$0x3FBA] =	sst s2  }
0x8f: {  	_ = 	snop  }
0x90: {  	s2 =	sld [smem:$0x3FD0];
	(tm) =	ssettm $0x1  }
0x91: {  	s18 =	sld [smem:$0x3FFB];
	_ =	sdelay $0x3  }
0x92: {  	_ =	strace s18  }
0x93: {  	s3 =	sld [smem:$0x3FFC];
	_ =	sdelay $0x3  }
0x94: {  	_ =	strace s3  }
0x95: {  	s3 =	sld [smem:$0x3FFD];
	_ =	sdelay $0x3  }
0x96: {  	_ =	strace s3  }
0x97: {  	_ =	strace $0x8FFFFFFF  }
0x98: {  	s19 =	sld [smem:$0x3FDB];
	_ =	sdelay $0x1  }
0x99: {  	s4 =	simm.s32 $_scs_section_size  }
0x9a: {  	s5 =	simm.s32 $_size__tile_overlayer_lowered;
	s6 =	simm.s32 $_tile_overlayer_lowered  }
0x9b: {  	s22 =	simm.s32 $0x1BFF;
	s21 =	sshll.u32 s6, $0x1;
	s3 =	sadd.s32 s4, s19  }
0x9c: {  	s7 =	simm.s32 $0x0;
	s20 =	sshll.u32 s5, $0x1;
	s5 =	sadd.s32 s21, s3  }
0x9d: {  	[timem:s7], [sflag:s22] =	dma.local [hbm:s5], s20  }
0x9e: {  	_ =	swait.ge [sflag:s22], s20  }
0x9f: {  	s4 =	ssub.s32 $0x0, s20;
	[sflag:s22] =	ssyncset.done $0x0  }
0xa0: {  	[sflag:s22] =	ssyncadd.s32 s4;
	_ =	sdelay $0x1  }
0xa1: {  	s23 =	simm.s32 $0x1B8B  }
0xa2: {  	_ =	swait.ge [sflag:s23], $0x1  }
0xa3: {  	[sflag:s23] =	ssyncset.done $0x0  }
0xa4: {  	s25 =	simm.s32 $0x1B8E;
	s24 =	sld [smem:$0x3FFE];
	[sflag:s23] =	ssyncadd.s32 $0xFFFFFFFF  }
0xa5: {  	s26 =	simm.s32 $execute0_lowered;
	[smem:$0x3FD2] =	sst s25  }
0xa6: {  	s5 =	sshll.u32 s26, $0x1;
	_ =	strace $0x80000049;
	[dreg:$0x1] =	wrdreg $0xFFFFFFFF  }
0xa7: {  	s28 =	simm.s32 $_size_execute0_lowered;
	s3 =	sadd.s32 s3, s5;
	[dreg:$0x0] =	wrdreg $0x0  }
0xa8: {  	s5 =	sshll.u32 s28, $0x1;
	[dreg:$0x2] =	wrdreg s3  }
0xa9: {  	[dreg:$0x3] =	wrdreg s5  }
0xaa: {  	[dreg:$0x4] =	wrdreg $0xC0  }
0xab: {  	_ =	task [dreg:s7], $0x5FFFF  }
0xac: {  	[dreg:$0x1] =	wrdreg $0xFFFFFFFF  }
0xad: {  	[dreg:$0x0] =	wrdreg $0x60  }
0xae: {  	[dreg:$0x2] =	wrdreg s24  }
0xaf: {  	[dreg:$0x3] =	wrdreg s2  }
0xb0: {  	[dreg:$0x4] =	wrdreg $0x132400  }
0xb1: {  	[dreg:$0x5] =	wrdreg $0x9  }
0xb2: {  	_ =	task.clear_ibuf [dreg:s7], $0x6FFFF;
	_ =	strace $0x90000049  }
0xb3: {  	s29 =	simm.s32 $0x9;
	_ =	strace $0x8000004B  }
0xb4: {  	_ =	swait.ge [sflag:s29], $0x1  }
0xb5: {  	[sflag:s29] =	ssyncadd.s32 $0xFFFFFFFF  }
0xb6: {  	_ =	strace $0x9000004B  }
0xb7: {  	_ =	sfence  }
0xb8: {  	s30 =	sld [smem:$0x0];
	_ =	sdelay $0x2  }
0xb9: {  	s31 =	sshll.u32 s1, $0xD;
	s1 =	sshrl.u32 s1, $0x2  }
0xba: {  	s3 =	sand.u32 $0x4000, s31;
	s1 =	sadd.s32 s1, s30  }
0xbb: {  	s0 =	sor.u32 s3, s0;
	s1 =	sshll.u32 s1, $0x11  }
0xbc: {  	s0 =	sor.u32 s1, s0  }
0xbd: {  	s0 =	sadd.s32 $0x8F2B, s0  }
0xbe: {  	[sflag:s0] =	ssyncadd.remote.s32 $0x1  }
0xbf: {  	_ =	sfence.sel $0xFFFF  }
0xc0: {  	[dreg:$0x0] =	wrdreg $0xFFFFFFFF;
	(pc) =	sbr.abs _section_cstart, $3  }
0xc1: {  	[dreg:$0x1] =	wrdreg $0xFFFFFFFF  }
0xc2: {  	_ =	task.clear_ibuf [dreg:s7], $0x2FFFF;
	_ =	strace $0x9FFFFFFF  }
0xc3: {  	(tm) =	ssettm $0x7FFFFFFF  }
tec
execute0_lowered:
.L_overlay_start_1:
0x0: {  	(tag) =	ssettag $0x1  }
0x1: {  	s4 =	rddreg [dreg:$0x0]  }
0x2: {  	s9 =	rddreg [dreg:$0x1]  }
0x3: {  	s2 =	rddreg [dreg:$0x2]  }
0x4: {  	s1 =	stileid.u32;
	s5 =	srdreg.scid  }
0x5: {  	s3 =	simm.s32 $0x0;
	s20 =	simm.s32 $0x1;
	s21 =	simm.s32 $0x2  }
0x6: {  	s22 =	simm.s32 $0x3;
	s10 =	smul.u32 $0x9C4, s1;
	s5 =	sand.u32 $0x1, s5  }
0x7: {  	[smem:$0x7FF] =	sst s3;
	s11 =	smul.u32 $0xC350, s1;
	s15 =	sadd.s32 $0x6DA00, s4  }
0x8: {  	s6 =	smul.u32 $0x186A0, s5;
	_ =	strace $0x8000004A;
	s7 =	ssub.s32 $0x2, s5  }
0x9: {  	s17 =	smul.u32 $0xC3500, s5;
	s8 =	sadd.s32 s10, s4;
	s31 =	sshrl.u32 s7, $0x1  }
0xa: {  	s13 =	sadd.s32 $0x3200, s11;
	s14 =	sadd.s32 $0x6400, s11;
	s18 =	sadd.s32 $0x9600, s11  }
0xb: {  	s9 =	sadd.s32 s9, s10;
	s12 =	sadd.s32 s6, s4;
	s16 =	ssub.s32 s7, s31  }
0xc: {  	s4 =	sadd.s32 s11, s2;
	s5 =	sadd.s32 s13, s2;
	s6 =	sadd.s32 s14, s2  }
0xd: {  	s7 =	sadd.s32 s18, s2;
	s8 =	sadd.s32 $0x2000, s8;
	s11 =	sadd.s32 s11, s17  }
0xe: {  	s13 =	sadd.s32 s17, s13;
	s14 =	sadd.s32 s17, s14;
	s17 =	sadd.s32 s17, s18  }
.Ltmp0:
0xf: {  	s18 =	simm.s32 $0x4E20;
	s10 =	sadd.s32 $0xBE00, s12;
	(pc) =	sbr.rel .LBB2_1-.Ltmp0, $4  }
0x10: {  	s19 =	sshrl.u32 s11, $0x3;
	s11 =	sadd.s32 $0x3CC00, s12;
	s13 =	sshrl.u32 s13, $0x3  }
0x11: {  	s14 =	sshrl.u32 s14, $0x3;
	s17 =	sshrl.u32 s17, $0x3;
	s16 =	smax.u32 s16, $0x1  }
0x12: {  	s12 =	sadd.s32 s15, s19;
	s13 =	sadd.s32 s15, s13;
	s14 =	sadd.s32 s15, s14  }
0x13: {  	v0 =	vimm.f32 $0.0e+00;
	s15 =	sadd.s32 s15, s17;
	s17 =	simm.s32 $0x4;
	s19 =	simm.s32 $0xA0  }
.LBB2_13:
0x14: {  	_ =	swait.ge [sflag:s20], $0x3200  }
0x15: {  	[sflag:s20] =	ssyncset.done $0x0  }
0x16: {  	[sflag:s20] =	ssyncadd.s32 $0xFFFFCE00  }
0x17: {  	_ =	swait.ge [sflag:s21], $0x3200  }
0x18: {  	[sflag:s21] =	ssyncset.done $0x0  }
0x19: {  	[sflag:s21] =	ssyncadd.s32 $0xFFFFCE00  }
0x1a: {  	_ =	swait.ge [sflag:s22], $0x3200  }
0x1b: {  	[sflag:s22] =	ssyncset.done $0x0  }
0x1c: {  	s0 =	sshll.u32 s1, $0x6;
	[sflag:s22] =	ssyncadd.s32 $0xFFFFCE00  }
0x1d: {  	s23 =	sshrl.u32 s4, $0x3;
	s0 =	sor.u32 $0x1C04, s0;
	[bflag:$0x0] =	sbarrier.arrive $0xFFFF  }
0x1e: {  	[hbm:s12], [sflag:s0] =	dma.local [spmem:s23], $0x640  }
0x1f: {  	_ =	swait.ge [sflag:s17], $0x640  }
0x20: {  	[sflag:s17] =	ssyncset.done $0x0  }
0x21: {  	s29 =	sshrl.u32 s5, $0x3;
	[sflag:s17] =	ssyncadd.s32 $0xFFFFF9C0  }
0x22: {  	[hbm:s13], [sflag:s0] =	dma.local [spmem:s29], $0x640  }
0x23: {  	_ =	swait.ge [sflag:s17], $0x640  }
0x24: {  	[sflag:s17] =	ssyncset.done $0x0  }
0x25: {  	s30 =	sshrl.u32 s6, $0x3;
	[sflag:s17] =	ssyncadd.s32 $0xFFFFF9C0  }
0x26: {  	[hbm:s14], [sflag:s0] =	dma.local [spmem:s30], $0x640  }
0x27: {  	s3 =	sadd.s32 $0x1, s3;
	_ =	swait.ge [sflag:s17], $0x640  }
0x28: {  	p0 =	sne.s32 s3, s16;
	[sflag:s17] =	ssyncset.done $0x0  }
.Ltmp1:
0x29: {  	s31 =	sshrl.u32 s7, $0x3;
	[sflag:s17] =	ssyncadd.s32 $0xFFFFF9C0;
	(pc) =	sbr.rel @!p0 .LBB2_14-.Ltmp1, $4  }
0x2a: {  	[hbm:s15], [sflag:s0] =	dma.local [spmem:s31], $0x5AA  }
0x2b: {  	_ =	swait.ge [sflag:s17], $0x5AA  }
0x2c: {  	[sflag:s17] =	ssyncset.done $0x0  }
0x2d: {  	[sflag:s17] =	ssyncadd.s32 $0xFFFFFA56  }
.LBB2_1:
0x2e: {  	s24 =	simm.s32 $0x140;
	s23 =	simm.s32 $0x0  }
.LBB2_2:
0x2f: {  	p0 =	sne.s32 s24, $0xC6C0;
	[tilespmem:s23+$0x9C80] =	vst v0;
	s25 =	smov.u32 s24;
	s24 =	sadd.s32 $0x140, s24  }
.Ltmp2:
0x30: {  	[tilespmem:s23+$0x9C70] =	vst v0;
	(pc) =	sbr.rel @p0 .LBB2_2-.Ltmp2, $4  }
0x31: {  	[tilespmem:s23+$0x9C60] =	vst v0  }
0x32: {  	[tilespmem:s23+$0x9C40] =	vst v0  }
0x33: {  	[tilespmem:s23+$0x9C50] =	vst v0  }
0x34: {  	s23 =	sshra.s32 s25, $0x2  }
0x35: {  	[tilespmem:s23+$0x9C80] =	vst v0  }
0x36: {  	[tilespmem:s23+$0x9C70] =	vst v0  }
0x37: {  	[tilespmem:s23+$0x9C60] =	vst v0  }
0x38: {  	[tilespmem:s23+$0x9C40] =	vst v0  }
0x39: {  	[tilespmem:s23+$0x9C50] =	vst v0;
	s23 =	simm.s32 $0x9C40  }
0x3a: {  	[spmem:s4] =	stream.linear.scatter [tilespmem:s23], [sflag:$0x4], $0x3200, $0x38;
	[tilespmem:$0x1F590] =	vst v63  }
0x3b: {  	_ =	swait.ge [sflag:s17], $0x3200  }
0x3c: {  	[sflag:s17] =	ssyncset.done $0x0  }
0x3d: {  	[sflag:s17] =	ssyncadd.s32 $0xFFFFCE00  }
0x3e: {  	[spmem:s5] =	stream.linear.scatter [tilespmem:s23], [sflag:$0x4], $0x3200, $0x38;
	[tilespmem:$0x1F590] =	vst v63  }
0x3f: {  	_ =	swait.ge [sflag:s17], $0x3200  }
0x40: {  	[sflag:s17] =	ssyncset.done $0x0  }
0x41: {  	[sflag:s17] =	ssyncadd.s32 $0xFFFFCE00  }
0x42: {  	[spmem:s6] =	stream.linear.scatter [tilespmem:s23], [sflag:$0x4], $0x3200, $0x38;
	[tilespmem:$0x1F590] =	vst v63  }
0x43: {  	_ =	swait.ge [sflag:s17], $0x3200  }
0x44: {  	[sflag:s17] =	ssyncset.done $0x0  }
0x45: {  	[sflag:s17] =	ssyncadd.s32 $0xFFFFCE00  }
0x46: {  	[spmem:s7] =	stream.linear.scatter [tilespmem:s23], [sflag:$0x4], $0x2D50, $0x38;
	[tilespmem:$0x1F590] =	vst v63  }
0x47: {  	_ =	swait.ge [sflag:s17], $0x2D50  }
0x48: {  	[sflag:s17] =	ssyncset.done $0x0  }
0x49: {  	[sflag:s17] =	ssyncadd.s32 $0xFFFFD2B0  }
0x4a: {  	s25 =	simm.s32 $0x0;
	[bflag:$0x0] =	sbarrier.arrive $0xFFFF  }
0x4b: {  	[tilespmem:s25], [sflag:$0x4] =	stream.linear.gather [hbm4b:s8+s25], $0x4E20, $0x38;
	[tilespmem:$0x1F590] =	vst v63  }
0x4c: {  	_ =	swait.ge [sflag:s17], $0x4E20  }
0x4d: {  	[sflag:s17] =	ssyncset.done $0x0  }
.Ltmp3:
0x4e: {  	[sflag:s17] =	ssyncadd.s32 $0xFFFFB1E0;
	(pc) =	sbr.rel .LBB2_4-.Ltmp3, $4  }
0x4f: {  	[tilespmem:s18], [sflag:$0x4] =	stream.linear.gather [hbm4b:s9+s25], $0x4E20, $0x38;
	[tilespmem:$0x1F590] =	vst v63  }
0x50: {  	_ =	swait.ge [sflag:s17], $0x4E20  }
0x51: {  	[sflag:s17] =	ssyncset.done $0x0  }
0x52: {  	s24 =	simm.s32 $0x1;
	[sflag:s17] =	ssyncadd.s32 $0xFFFFB1E0  }
.LBB2_12:
0x53: {  	p0 =	sne.s32 s26, $0x7F  }
.Ltmp4:
0x54: {  	_ = 	snop;
	(pc) =	sbr.rel @!p0 .LBB2_13-.Ltmp4, $2  }
0x55: {  	_ =	sdelay $0x2  }
0x56: {  	s23 =	sadd.s32 $0x3200, s23;
	s24 =	sadd.s32 $0x1, s24;
	s25 =	smov.u32 s26  }
.LBB2_4:
0x57: {  	s28 =	smul.u32 $0xAB, s25;
	_ =	sdelay $0x1  }
0x58: {  	s26 =	sshrl.u32 s28, $0x9  }
0x59: {  	s30 =	sadd.s32 $0xFFFFFFFD, s25;
	s26 =	sand.u32 $0x7F, s26  }
0x5a: {  	p0 =	sgt.u32 s30, $0x79;
	s26 =	smul.u32 $0x3, s26  }
.Ltmp5:
0x5b: {  	_ = 	snop;
	(pc) =	sbr.rel @p0 .LBB2_6-.Ltmp5, $4  }
0x5c: {  	_ = 	snop  }
0x5d: {  	s26 =	ssub.s32 s25, s26  }
0x5e: {  	s29 =	sand.u32 $0xFF, s26  }
0x5f: {  	s26 =	sadd.s32 $0x1, s29  }
.Ltmp6:
0x60: {  	(pc) =	sbr.rel .LBB2_7-.Ltmp6, $4  }
0x61: {  	_ = 	snop  }
0x62: {  	_ =	swait.ge [sflag:s26], $0x3200  }
0x63: {  	[sflag:s26] =	ssyncset.done $0x0  }
0x64: {  	[sflag:s26] =	ssyncadd.s32 $0xFFFFCE00  }
.LBB2_6:
0x65: {  	p0 =	sgt.u32 s25, $0x7C  }
.Ltmp7:
0x66: {  	_ = 	snop;
	(pc) =	sbr.rel @p0 .LBB2_8-.Ltmp7, $1  }
0x67: {  	_ =	sdelay $0x3  }
.LBB2_7:
0x68: {  	s30 =	smul.u32 $0x280, s25  }
0x69: {  	s29 =	smul.u32 $0xC800, s29;
	_ =	sdelay $0x1  }
0x6a: {  	s30 =	sshra.s32 s30, $0x2;
	s29 =	sshrl.u32 s29, $0x2  }
0x6b: {  	s30 =	sadd.s32 $0x4E20, s30;
	s29 =	sadd.s32 $0x9C40, s29  }
0x6c: {  	[tilespmem:s29], [sflag:s26] =	stream.indirect.gather [hbm4b:s10+s19], $0x50, s30, s19, $0xb8;
	[tilespmem:$0x1F590] =	vst v63  }
.LBB2_8:
0x6d: {  	s26 =	sadd.s32 $0x2, s25  }
0x6e: {  	s29 =	sand.u32 $0xFF, s26  }
0x6f: {  	s29 =	smul.u32 $0xAB, s29;
	_ =	sdelay $0x1  }
0x70: {  	s29 =	sshrl.u32 s29, $0x9  }
0x71: {  	p0 =	seq.s32 s25, $0x0;
	s29 =	smul.u32 $0x3, s29  }
0x72: {  	p1 =	seq.s32 @!p0 s25, $0x7E  }
0x73: {  	p0 =	por p1, p0;
	s26 =	ssub.s32 s26, s29  }
0x74: {  	s30 =	smul.u32 @!p0 $0x280, s25;
	s26 =	sand.u32 $0xFF, s26  }
0x75: {  	s29 =	sadd.s32 @!p0 $0x1, s26;
	s26 =	smul.u32 @!p0 $0xC800, s26  }
0x76: {  	s31 =	simm.s32 @!p0 $0xA0;
	_ =	swait.ge @!p0 [sflag:s29], $0x3200  }
0x77: {  	s30 =	sshra.s32 @!p0 s30, $0x2;
	[sflag:s29] =	ssyncset.done @!p0 $0x0;
	s26 =	sshrl.u32 @!p0 s26, $0x2  }
0x78: {  	s30 =	sadd.s32 @!p0 $0xFFFFFF60, s30;
	[sflag:s29] =	ssyncadd.s32 @!p0 $0xFFFFCE00;
	s26 =	sadd.s32 @!p0 $0x9C40, s26  }
0x79: {  	[tilespmem:s26], [sflag:s29] =	stream.indirect.gather.add.f32 @!p0 [hbm:s11], $0x50, s30, s31, $0xb8;
	[tilespmem:$0x1F590] =	vst v63  }
0x7a: {  	p0 =	slt.u32 s25, $0x2  }
.Ltmp8:
0x7b: {  	_ = 	snop;
	(pc) =	sbr.rel @p0 .LBB2_12-.Ltmp8, $2  }
0x7c: {  	_ =	sdelay $0x2  }
0x7d: {  	s26 =	sadd.s32 $0x1, s25  }
0x7e: {  	s29 =	smulhi.u32 $0xAAAAAAAB, s24  }
0x7f: {  	s28 =	sadd.s32 $0xAB, s28  }
0x80: {  	s28 =	sshrl.u32 s28, $0x9;
	s29 =	sshrl.u32 s29, $0x1  }
0x81: {  	s28 =	sand.u32 $0x7F, s28;
	s29 =	smul.u32 $0xFFFDA800, s29  }
0x82: {  	s28 =	smul.u32 $0x3, s28  }
0x83: {  	s29 =	sshra.s32 s29, $0x2  }
0x84: {  	s28 =	ssub.s32 s26, s28;
	s29 =	sadd.s32 s29, s23  }
0x85: {  	s30 =	sand.u32 $0xFF, s28;
	v1 =	vmov s29  }
0x86: {  	s28 =	sadd.s32 $0x1, s30  }
0x87: {  	_ =	swait.ge [sflag:s28], $0x3200  }
0x88: {  	[sflag:s28] =	ssyncset.done $0x0  }
0x89: {  	s29 =	simm.s32 $0x0;
	[sflag:s28] =	ssyncadd.s32 $0xFFFFCE00  }
0x8a: {  	v11 =	vld.idx.msk [tilespmem:v1+s29+$0x3290 ss:$0x1], $0xffff  }
0x8b: {  	v15 =	vld.idx.msk [tilespmem:v1+s29+$0x32C0 ss:$0x1], $0xffff  }
0x8c: {  	v2 =	vld.idx.msk [tilespmem:v1+s29+$0x3320 ss:$0x1], $0xffff  }
0x8d: {  	v3 =	vld.idx.msk [tilespmem:v1+s29+$0x32F0 ss:$0x1], $0xffff  }
0x8e: {  	v12 =	vld.idx.msk [tilespmem:v1+s29+$0x32A0 ss:$0x1], $0xffff  }
0x8f: {  	v10 =	vld.idx.msk [tilespmem:v1+s29+$0x3280 ss:$0x1], $0xffff  }
0x90: {  	v8 =	vld.idx.msk [tilespmem:v1+s29+$0x3260 ss:$0x1], $0xffff  }
0x91: {  	v14 =	vld.idx.msk [tilespmem:v1+s29+$0x3250 ss:$0x1], $0xffff  }
0x92: {  	v9 =	vld.idx.msk [tilespmem:v1+s29+$0x3270 ss:$0x1], $0xffff  }
0x93: {  	v13 =	vld.idx.msk [tilespmem:v1+s29+$0x3240 ss:$0x1], $0xffff  }
0x94: {  	v16 =	vld.idx.msk [tilespmem:v1+s29+$0x3230 ss:$0x1], $0xffff  }
0x95: {  	v17 =	vld.idx.msk [tilespmem:v1+s29+$0x3220 ss:$0x1], $0xffff  }
0x96: {  	v18 =	vld.idx.msk [tilespmem:v1+s29+$0x3210 ss:$0x1], $0xffff  }
0x97: {  	v4 =	vld.idx.msk [tilespmem:v1+s29+$0x3200 ss:$0x1], $0xffff  }
0x98: {  	v19 =	vld.idx.msk [tilespmem:v1+s29+$0x32D0 ss:$0x1], $0xffff  }
0x99: {  	v7 =	vld.idx.msk [tilespmem:v1+s29+$0x32E0 ss:$0x1], $0xffff  }
0x9a: {  	v20 =	vld.idx.msk [tilespmem:v1+s29+$0x32B0 ss:$0x1], $0xffff  }
0x9b: {  	v5 =	vld.idx.msk [tilespmem:v1+s29+$0x3310 ss:$0x1], $0xffff  }
0x9c: {  	v6 =	vld.idx.msk [tilespmem:v1+s29+$0x3300 ss:$0x1], $0xffff;
	v21 =	vmax.f32 v4, $0.0e+00  }
0x9d: {  	v4 =	vld.idx.msk [tilespmem:v1+s29+$0x3330 ss:$0x1], $0xffff;
	v18 =	vmax.f32 v18, $0.0e+00;
	[tilespmem:v1+s29+$0x3200 ss:$0x1] =	vst.idx.msk $0xffff, v21  }
0x9e: {  	v17 =	vmax.f32 v17, $0.0e+00;
	[tilespmem:v1+s29+$0x3210 ss:$0x1] =	vst.idx.msk $0xffff, v18  }
0x9f: {  	s30 =	smul.u32 $0xC800, s30;
	v8 =	vmax.f32 v8, $0.0e+00;
	v16 =	vmax.f32 v16, $0.0e+00;
	[tilespmem:v1+s29+$0x3220 ss:$0x1] =	vst.idx.msk $0xffff, v17  }
0xa0: {  	v9 =	vmax.f32 v9, $0.0e+00;
	v10 =	vmax.f32 v10, $0.0e+00;
	v17 =	vmax.f32 v13, $0.0e+00;
	[tilespmem:v1+s29+$0x3230 ss:$0x1] =	vst.idx.msk $0xffff, v16  }
0xa1: {  	s30 =	sshrl.u32 s30, $0x2;
	v11 =	vmax.f32 v11, $0.0e+00;
	v15 =	vmax.f32 v15, $0.0e+00;
	v16 =	vmax.f32 v14, $0.0e+00;
	[tilespmem:v1+s29+$0x3240 ss:$0x1] =	vst.idx.msk $0xffff, v17  }
0xa2: {  	s31 =	simm.s32 $0x500;
	s30 =	sadd.s32 $0x9C40, s30;
	v13 =	vmax.f32 v12, $0.0e+00;
	v12 =	vmax.f32 v19, $0.0e+00;
	v14 =	vmax.f32 v20, $0.0e+00;
	[tilespmem:v1+s29+$0x3250 ss:$0x1] =	vst.idx.msk $0xffff, v16  }
.LBB2_10:
0xa3: {  	p0 =	sne.s32 s31, $0xC300;
	[tilespmem:v1+s29+$0x3260 ss:$0x1] =	vst.idx.msk $0xffff, v8;
	s0 =	smov.u32 s31;
	s31 =	sadd.s32 $0x500, s31  }
0xa4: {  	[tilespmem:v1+s29+$0x3270 ss:$0x1] =	vst.idx.msk $0xffff, v9  }
0xa5: {  	[tilespmem:v1+s29+$0x3280 ss:$0x1] =	vst.idx.msk $0xffff, v10  }
0xa6: {  	v7 =	vmax.f32 v7, $0.0e+00;
	[tilespmem:v1+s29+$0x3290 ss:$0x1] =	vst.idx.msk $0xffff, v11  }
0xa7: {  	[tilespmem:v1+s29+$0x32A0 ss:$0x1] =	vst.idx.msk $0xffff, v13  }
0xa8: {  	[tilespmem:v1+s29+$0x32B0 ss:$0x1] =	vst.idx.msk $0xffff, v14  }
0xa9: {  	[tilespmem:v1+s29+$0x32C0 ss:$0x1] =	vst.idx.msk $0xffff, v15  }
0xaa: {  	v3 =	vmax.f32 v3, $0.0e+00;
	v6 =	vmax.f32 v6, $0.0e+00;
	[tilespmem:v1+s29+$0x32D0 ss:$0x1] =	vst.idx.msk $0xffff, v12  }
0xab: {  	v5 =	vmax.f32 v5, $0.0e+00;
	[tilespmem:v1+s29+$0x32E0 ss:$0x1] =	vst.idx.msk $0xffff, v7  }
0xac: {  	[tilespmem:v1+s29+$0x32F0 ss:$0x1] =	vst.idx.msk $0xffff, v3  }
0xad: {  	v2 =	vmax.f32 v2, $0.0e+00;
	[tilespmem:v1+s29+$0x3300 ss:$0x1] =	vst.idx.msk $0xffff, v6  }
0xae: {  	v3 =	vmax.f32 v4, $0.0e+00;
	[tilespmem:v1+s29+$0x3310 ss:$0x1] =	vst.idx.msk $0xffff, v5  }
0xaf: {  	[tilespmem:v1+s29+$0x3320 ss:$0x1] =	vst.idx.msk $0xffff, v2  }
0xb0: {  	[tilespmem:v1+s29+$0x3330 ss:$0x1] =	vst.idx.msk $0xffff, v3;
	s29 =	sshra.s32 s0, $0x2  }
0xb1: {  	v4 =	vld.idx.msk [tilespmem:v1+s29+$0x3290 ss:$0x1], $0xffff  }
0xb2: {  	v15 =	vld.idx.msk [tilespmem:v1+s29+$0x32C0 ss:$0x1], $0xffff  }
0xb3: {  	v2 =	vld.idx.msk [tilespmem:v1+s29+$0x3320 ss:$0x1], $0xffff  }
0xb4: {  	v3 =	vld.idx.msk [tilespmem:v1+s29+$0x32F0 ss:$0x1], $0xffff  }
0xb5: {  	v12 =	vld.idx.msk [tilespmem:v1+s29+$0x32A0 ss:$0x1], $0xffff  }
0xb6: {  	v5 =	vld.idx.msk [tilespmem:v1+s29+$0x3280 ss:$0x1], $0xffff  }
0xb7: {  	v6 =	vld.idx.msk [tilespmem:v1+s29+$0x3260 ss:$0x1], $0xffff  }
0xb8: {  	v14 =	vld.idx.msk [tilespmem:v1+s29+$0x3250 ss:$0x1], $0xffff  }
0xb9: {  	v7 =	vld.idx.msk [tilespmem:v1+s29+$0x3270 ss:$0x1], $0xffff  }
0xba: {  	v11 =	vld.idx.msk [tilespmem:v1+s29+$0x3240 ss:$0x1], $0xffff  }
0xbb: {  	v16 =	vld.idx.msk [tilespmem:v1+s29+$0x3230 ss:$0x1], $0xffff  }
0xbc: {  	v13 =	vld.idx.msk [tilespmem:v1+s29+$0x3220 ss:$0x1], $0xffff  }
0xbd: {  	v8 =	vmax.f32 v6, $0.0e+00;
	v17 =	vld.idx.msk [tilespmem:v1+s29+$0x3210 ss:$0x1], $0xffff  }
0xbe: {  	v18 =	vld.idx.msk [tilespmem:v1+s29+$0x3200 ss:$0x1], $0xffff  }
0xbf: {  	v9 =	vmax.f32 v7, $0.0e+00;
	v19 =	vld.idx.msk [tilespmem:v1+s29+$0x32D0 ss:$0x1], $0xffff  }
0xc0: {  	v7 =	vld.idx.msk [tilespmem:v1+s29+$0x32E0 ss:$0x1], $0xffff  }
0xc1: {  	v20 =	vld.idx.msk [tilespmem:v1+s29+$0x32B0 ss:$0x1], $0xffff  }
0xc2: {  	v10 =	vmax.f32 v5, $0.0e+00;
	v5 =	vld.idx.msk [tilespmem:v1+s29+$0x3310 ss:$0x1], $0xffff  }
0xc3: {  	v21 =	vmax.f32 v11, $0.0e+00;
	v11 =	vmax.f32 v4, $0.0e+00;
	v6 =	vld.idx.msk [tilespmem:v1+s29+$0x3300 ss:$0x1], $0xffff  }
0xc4: {  	v17 =	vmax.f32 v17, $0.0e+00;
	v18 =	vmax.f32 v18, $0.0e+00;
	v4 =	vld.idx.msk [tilespmem:v1+s29+$0x3330 ss:$0x1], $0xffff  }
0xc5: {  	v22 =	vmax.f32 v13, $0.0e+00;
	v13 =	vmax.f32 v12, $0.0e+00;
	v12 =	vmax.f32 v19, $0.0e+00;
	[tilespmem:v1+s29+$0x3200 ss:$0x1] =	vst.idx.msk $0xffff, v18  }
.Ltmp9:
0xc6: {  	v16 =	vmax.f32 v16, $0.0e+00;
	[tilespmem:v1+s29+$0x3210 ss:$0x1] =	vst.idx.msk $0xffff, v17;
	(pc) =	sbr.rel @p0 .LBB2_10-.Ltmp9, $4  }
0xc7: {  	v17 =	vmax.f32 v14, $0.0e+00;
	v14 =	vmax.f32 v20, $0.0e+00;
	[tilespmem:v1+s29+$0x3220 ss:$0x1] =	vst.idx.msk $0xffff, v22  }
0xc8: {  	[tilespmem:v1+s29+$0x3230 ss:$0x1] =	vst.idx.msk $0xffff, v16  }
0xc9: {  	[tilespmem:v1+s29+$0x3240 ss:$0x1] =	vst.idx.msk $0xffff, v21  }
0xca: {  	v15 =	vmax.f32 v15, $0.0e+00;
	[tilespmem:v1+s29+$0x3250 ss:$0x1] =	vst.idx.msk $0xffff, v17  }
0xcb: {  	_ =	sdelay $0x3  }
0xcc: {  	[tilespmem:v1+s29+$0x3260 ss:$0x1] =	vst.idx.msk $0xffff, v8  }
0xcd: {  	[tilespmem:v1+s29+$0x3270 ss:$0x1] =	vst.idx.msk $0xffff, v9  }
0xce: {  	[tilespmem:v1+s29+$0x3280 ss:$0x1] =	vst.idx.msk $0xffff, v10  }
0xcf: {  	[tilespmem:v1+s29+$0x3290 ss:$0x1] =	vst.idx.msk $0xffff, v11  }
0xd0: {  	[tilespmem:v1+s29+$0x32A0 ss:$0x1] =	vst.idx.msk $0xffff, v13  }
0xd1: {  	[tilespmem:v1+s29+$0x32B0 ss:$0x1] =	vst.idx.msk $0xffff, v14  }
0xd2: {  	[tilespmem:v1+s29+$0x32C0 ss:$0x1] =	vst.idx.msk $0xffff, v15  }
0xd3: {  	v7 =	vmax.f32 v7, $0.0e+00;
	[tilespmem:v1+s29+$0x32D0 ss:$0x1] =	vst.idx.msk $0xffff, v12  }
0xd4: {  	v3 =	vmax.f32 v3, $0.0e+00;
	[tilespmem:v1+s29+$0x32E0 ss:$0x1] =	vst.idx.msk $0xffff, v7  }
0xd5: {  	v6 =	vmax.f32 v6, $0.0e+00;
	s0 =	smul.u32 $0x280, s25;
	[tilespmem:v1+s29+$0x32F0 ss:$0x1] =	vst.idx.msk $0xffff, v3  }
.Ltmp10:
0xd6: {  	v3 =	vmax.f32 v5, $0.0e+00;
	[tilespmem:v1+s29+$0x3300 ss:$0x1] =	vst.idx.msk $0xffff, v6;
	(pc) =	sbr.rel .LBB2_12-.Ltmp10, $4  }
0xd7: {  	v2 =	vmax.f32 v2, $0.0e+00;
	[tilespmem:v1+s29+$0x3310 ss:$0x1] =	vst.idx.msk $0xffff, v3  }
0xd8: {  	s0 =	sshra.s32 s0, $0x2;
	v3 =	vmax.f32 v4, $0.0e+00;
	[tilespmem:v1+s29+$0x3320 ss:$0x1] =	vst.idx.msk $0xffff, v2  }
0xd9: {  	s0 =	sadd.s32 $0x4CE0, s0;
	[tilespmem:v1+s29+$0x3330 ss:$0x1] =	vst.idx.msk $0xffff, v3  }
0xda: {  	[spmem:s2] =	stream.indirect.scatter.add.f32 [tilespmem:s30], [sflag:s28], $0x50, s0, s19, $0xb8;
	[tilespmem:$0x1F590] =	vst v63  }
.LBB2_14:
0xdb: {  	_ =	sfence.sel $0x180000  }
0xdc: {  	[bflag:$0x0] =	sbarrier.arrive $0xFFFF  }
0xdd: {  	_ =	strace $0x9000004A  }
0xde: {  	[bflag:$0x2] =	sbarrier.arrive $0xFFFF  }
0xdf: {  	p0 =	sne.s32 s1, $0x0;
	s0 =	rddreg [dreg:$0x3]  }
0xe0: {  	s0 =	sadd.s32 @!p0 $0x100000, s0  }
0xe1: {  	[sflag:s0] =	ssyncadd.tile.s32 @!p0 $0x1;
	_ =	shalt  }
.Lfunc_end2:
_tile_overlayer_lowered:
.L_overlay_start_2:
0xe2: {  	(tag) =	ssettag $0x2  }
0xe3: {  	s0 =	rddreg [dreg:$0x0];
	s2 =	stileid.u32  }
0xe4: {  	s1 =	rddreg [dreg:$0x1];
	p0 =	sne.s32 s2, $0x0  }
0xe5: {  	s3 =	rddreg [dreg:$0x2];
	[bflag:$0x3] =	sbarrier.arrive $0xFFFF;
	s2 =	simm.s32 @!p0 $0x1C04  }
0xe6: {  	[timem:s3], [sflag:s2] =	dma.local @!p0 [hbm:s0], s1  }
0xe7: {  	s0 =	simm.s32 @!p0 $0x4  }
0xe8: {  	_ =	swait.ge @!p0 [sflag:s0], s1  }
0xe9: {  	s1 =	ssub.s32 @!p0 $0x0, s1;
	[sflag:s0] =	ssyncset.done @!p0 $0x0  }
0xea: {  	[sflag:s0] =	ssyncadd.s32 @!p0 s1  }
0xeb: {  	[bflag:$0x3] =	sbarrier.arrive $0xFFFF  }
0xec: {  	_ =	shalt  }

// kernel: kernel.7.cloned.1.call-start
scs
__scs_entry_jumppad:
0x0: {  	(pc) =	sbr.rel $0x88, $3  }
0x1: {  	(tag) =	ssettag $0x0;
	lr =	simm.s32 $0x1  }
0x2: {  	[smem:$0x3F93] =	sst lr;
	_ =	strace $0xD0000000  }
0x3: {  	_ = 	snop  }
0x4: {  	_ = 	snop  }
0x5: {  	_ = 	snop  }
0x6: {  	_ = 	snop  }
0x7: {  	_ = 	snop  }
__scs_overlays_trampoline_lowered:
0x8: {  	[smem:$0x3FA2] =	sst s0  }
0x9: {  	[smem:$0x3FA3] =	sst s1  }
0xa: {  	[smem:$0x3FA4] =	sst s2  }
0xb: {  	[smem:$0x3FA5] =	sst s3  }
0xc: {  	[smem:$0x3FA6] =	sst s4  }
0xd: {  	[smem:$0x3FA7] =	sst s5  }
0xe: {  	[smem:$0x3FA8] =	sst s6  }
0xf: {  	[smem:$0x3FA9] =	sst s7  }
0x10: {  	[smem:$0x3FAA] =	sst s8  }
0x11: {  	[smem:$0x3FAB] =	sst s9;
	s0 =	simm.s32 @!p0 $0x0  }
0x12: {  	s1 =	sld [smem:$0x3F91];
	s0 =	simm.s32 @p0 $0x1  }
0x13: {  	[smem:$0x3FAC] =	sst s0;
	s0 =	simm.s32 @!p1 $0x0  }
0x14: {  	s2 =	sld [smem:$0x3F90];
	s0 =	simm.s32 @p1 $0x1  }
0x15: {  	[smem:$0x3FAD] =	sst s0;
	s0 =	simm.s32 @!p2 $0x0  }
0x16: {  	s3 =	sld [smem:$0x3FDB];
	s0 =	simm.s32 @p2 $0x1  }
0x17: {  	s4 =	simm.s32 $0x1BF5;
	[smem:$0x3FAF] =	sst s0  }
0x18: {  	s0 =	sld [smem:$0x3F92];
	_ =	swait.ge [sflag:s4], $0x0  }
0x19: {  	s7 =	sld [smem:$0x3F93]  }
0x1a: {  	s8 =	sadd.s32 $0xFFFFE003, lr  }
0x1b: {  	s9 =	sadd.s32 $0xFFFFFEF7, lr;
	s5 =	simm.s32 $0xFFFFFFFF;
	p2 =	slt.u32 s8, $0xFFFFF086  }
0x1c: {  	p1 =	slt.u32 s9, $0xF7A;
	s5 =	simm.s32 @!p2 $0x0  }
0x1d: {  	s5 =	simm.s32 @p1 $0x1;
	p0 =	seq.s32 s7, s2  }
0x1e: {  	s7 =	smul.u32 @!p0 $0xF7A, s2;
	p2 =	seq.s32 @!p0 s5, $0x0  }
0x1f: {  	s9 =	smul.u32 $0xF7A, s1;
	s8 =	simm.s32 @!p0 $0x1BF5;
	p2 =	por !p2, p0  }
0x20: {  	[sflag:s8] =	ssyncset.s32 @!p0 $0xFFFFF086;
	s6 =	sadd.s32 @!p0 s3, s7;
	s7 =	simm.s32 @!p0 $0x108  }
0x21: {  	s3 =	sadd.s32 s3, s9;
	s6 =	sadd.s32 @!p0 $0x88, s6;
	s7 =	simm.s32 @p2 $0x1082  }
0x22: {  	[simem:s7], [sflag:s8] =	dma.local @!p0 [hbm:s6], $0xF7A  }
0x23: {  	s9 =	sor.u32 $0xD0000000, s2;
	s6 =	simm.s32 $0x108;
	_ =	swait.ge @!p0 [sflag:s8], $0x0  }
0x24: {  	s3 =	sadd.s32 $0x88, s3;
	s6 =	simm.s32 @!p1 $0x1082;
	[sflag:s4] =	ssyncset.s32 $0xFFFFF086  }
0x25: {  	[simem:s6], [sflag:s4] =	dma.local [hbm:s3], $0xF7A  }
0x26: {  	[smem:$0x3F93] =	sst s1;
	(tag) =	ssettag s2;
	_ =	strace s9  }
0x27: {  	s1 =	sld [smem:$0x3FA3]  }
0x28: {  	s2 =	sld [smem:$0x3FA4]  }
0x29: {  	s4 =	sld [smem:$0x3FA6]  }
0x2a: {  	p0 =	seq.s32 s5, $0x0;
	s5 =	sld [smem:$0x3FA7]  }
0x2b: {  	s6 =	sld [smem:$0x3FA8]  }
0x2c: {  	s7 =	sld [smem:$0x3FA9]  }
0x2d: {  	s3 =	simm.s32 $0x108;
	s8 =	sld [smem:$0x3FAA]  }
0x2e: {  	s3 =	simm.s32 @!p0 $0x1082;
	s9 =	sld [smem:$0x3FAB]  }
0x2f: {  	lr =	sadd.s32 s0, s3;
	s0 =	sld [smem:$0x3FA2]  }
0x30: {  	s3 =	sld [smem:$0x3FA5]  }
0x31: {  	[smem:$0x3FAE] =	sst s10  }
0x32: {  	s10 =	sld [smem:$0x3FAC];
	_ =	sdelay $0x3  }
0x33: {  	p0 =	seq.s32 s10, $0x1;
	s10 =	sld [smem:$0x3FAE];
	_ =	sdelay $0x3  }
0x34: {  	[smem:$0x3FAE] =	sst s10  }
0x35: {  	s10 =	sld [smem:$0x3FAD];
	_ =	sdelay $0x3  }
0x36: {  	p1 =	seq.s32 s10, $0x1;
	s10 =	sld [smem:$0x3FAE];
	_ =	sdelay $0x3  }
0x37: {  	[smem:$0x3FAE] =	sst s10  }
0x38: {  	s10 =	sld [smem:$0x3FAF]  }
0x39: {  	_ = 	snop;
	(pc) =	sbr.ind lr, $3  }
0x3a: {  	_ = 	snop  }
0x3b: {  	_ = 	snop  }
0x3c: {  	p2 =	seq.s32 s10, $0x1;
	s10 =	sld [smem:$0x3FAE]  }
0x3d: {  	_ =	shalt  }
0x3e: {  	_ =	shalt  }
0x3f: {  	_ =	shalt  }
0x40: {  	_ =	shalt  }
0x41: {  	_ =	shalt  }
0x42: {  	_ =	shalt  }
0x43: {  	_ =	shalt  }
0x44: {  	_ =	shalt  }
0x45: {  	_ =	shalt  }
0x46: {  	_ =	shalt  }
0x47: {  	_ =	shalt  }
0x48: {  	_ =	shalt  }
0x49: {  	_ =	shalt  }
0x4a: {  	_ =	shalt  }
0x4b: {  	_ =	shalt  }
0x4c: {  	_ =	shalt  }
0x4d: {  	_ =	shalt  }
0x4e: {  	_ =	shalt  }
0x4f: {  	_ =	shalt  }
0x50: {  	_ =	shalt  }
0x51: {  	_ =	shalt  }
0x52: {  	_ =	shalt  }
0x53: {  	_ =	shalt  }
0x54: {  	_ =	shalt  }
0x55: {  	_ =	shalt  }
0x56: {  	_ =	shalt  }
0x57: {  	_ =	shalt  }
0x58: {  	_ =	shalt  }
0x59: {  	_ =	shalt  }
0x5a: {  	_ =	shalt  }
0x5b: {  	_ =	shalt  }
0x5c: {  	_ =	shalt  }
0x5d: {  	_ =	shalt  }
0x5e: {  	_ =	shalt  }
0x5f: {  	_ =	shalt  }
0x60: {  	_ =	shalt  }
0x61: {  	_ =	shalt  }
0x62: {  	_ =	shalt  }
0x63: {  	_ =	shalt  }
0x64: {  	_ =	shalt  }
0x65: {  	_ =	shalt  }
0x66: {  	_ =	shalt  }
0x67: {  	_ =	shalt  }
0x68: {  	_ =	shalt  }
0x69: {  	_ =	shalt  }
0x6a: {  	_ =	shalt  }
0x6b: {  	_ =	shalt  }
0x6c: {  	_ =	shalt  }
0x6d: {  	_ =	shalt  }
0x6e: {  	_ =	shalt  }
0x6f: {  	_ =	shalt  }
0x70: {  	_ =	shalt  }
0x71: {  	_ =	shalt  }
0x72: {  	_ =	shalt  }
0x73: {  	_ =	shalt  }
0x74: {  	_ =	shalt  }
0x75: {  	_ =	shalt  }
0x76: {  	_ =	shalt  }
0x77: {  	_ =	shalt  }
0x78: {  	_ =	shalt  }
0x79: {  	_ =	shalt  }
0x7a: {  	_ =	shalt  }
0x7b: {  	_ =	shalt  }
0x7c: {  	_ =	shalt  }
0x7d: {  	_ =	shalt  }
0x7e: {  	_ =	shalt  }
0x7f: {  	_ =	shalt  }
0x80: {  	_ =	shalt  }
0x81: {  	_ =	shalt  }
0x82: {  	_ =	shalt  }
0x83: {  	_ =	shalt  }
0x84: {  	_ =	shalt  }
0x85: {  	_ =	shalt  }
0x86: {  	_ =	shalt  }
0x87: {  	_ =	shalt  }
.Lfunc_end0:
.L_simem_size_0:
called_computation_lowered:
.L_overlay_start_0:
0x88: {  	s2 =	sld [smem:$0x3FD9]  }
0x89: {  	s3 =	sld [smem:$0x3FFE];
	_ =	sdelay $0x1  }
0x8a: {  	s1 =	srdreg.scid  }
0x8b: {  	s0 =	sand.u32 $0x1, s1  }
0x8c: {  	s17 =	sshll.u32 s0, $0xA;
	s2 =	sadd.s32 s3, s2  }
0x8d: {  	s2 =	sadd.s32 s2, s17  }
0x8e: {  	[smem:$0x3FBA] =	sst s2  }
0x8f: {  	_ = 	snop  }
0x90: {  	s2 =	sld [smem:$0x3FD0];
	(tm) =	ssettm $0x1  }
0x91: {  	s18 =	sld [smem:$0x3FFB];
	_ =	sdelay $0x3  }
0x92: {  	_ =	strace s18  }
0x93: {  	s3 =	sld [smem:$0x3FFC];
	_ =	sdelay $0x3  }
0x94: {  	_ =	strace s3  }
0x95: {  	s3 =	sld [smem:$0x3FFD];
	_ =	sdelay $0x3  }
0x96: {  	_ =	strace s3  }
0x97: {  	_ =	strace $0x8FFFFFFF  }
0x98: {  	s19 =	sld [smem:$0x3FDB];
	_ =	sdelay $0x1  }
0x99: {  	s4 =	simm.s32 $_scs_section_size  }
0x9a: {  	s5 =	simm.s32 $_size__tile_overlayer_lowered;
	s6 =	simm.s32 $_tile_overlayer_lowered  }
0x9b: {  	s22 =	simm.s32 $0x1BFF;
	s21 =	sshll.u32 s6, $0x1;
	s3 =	sadd.s32 s4, s19  }
0x9c: {  	s7 =	simm.s32 $0x0;
	s20 =	sshll.u32 s5, $0x1;
	s5 =	sadd.s32 s21, s3  }
0x9d: {  	[timem:s7], [sflag:s22] =	dma.local [hbm:s5], s20  }
0x9e: {  	_ =	swait.ge [sflag:s22], s20  }
0x9f: {  	s4 =	ssub.s32 $0x0, s20;
	[sflag:s22] =	ssyncset.done $0x0  }
0xa0: {  	[sflag:s22] =	ssyncadd.s32 s4;
	_ =	sdelay $0x1  }
0xa1: {  	s23 =	simm.s32 $0x1B8B  }
0xa2: {  	_ =	swait.ge [sflag:s23], $0x1  }
0xa3: {  	[sflag:s23] =	ssyncset.done $0x0  }
0xa4: {  	s25 =	simm.s32 $0x1B8E;
	s24 =	sld [smem:$0x3FFE];
	[sflag:s23] =	ssyncadd.s32 $0xFFFFFFFF  }
0xa5: {  	s26 =	simm.s32 $execute0_lowered;
	[smem:$0x3FD2] =	sst s25  }
0xa6: {  	s5 =	sshll.u32 s26, $0x1;
	_ =	strace $0x80000046;
	[dreg:$0x1] =	wrdreg $0xFFFFFFFF  }
0xa7: {  	s28 =	simm.s32 $_size_execute0_lowered;
	s3 =	sadd.s32 s3, s5;
	[dreg:$0x0] =	wrdreg $0x0  }
0xa8: {  	s5 =	sshll.u32 s28, $0x1;
	[dreg:$0x2] =	wrdreg s3  }
0xa9: {  	[dreg:$0x3] =	wrdreg s5  }
0xaa: {  	[dreg:$0x4] =	wrdreg $0xC0  }
0xab: {  	_ =	task [dreg:s7], $0x5FFFF  }
0xac: {  	[dreg:$0x1] =	wrdreg $0xFFFFFFFF  }
0xad: {  	[dreg:$0x0] =	wrdreg $0x60  }
0xae: {  	[dreg:$0x2] =	wrdreg s24  }
0xaf: {  	[dreg:$0x3] =	wrdreg s2  }
0xb0: {  	[dreg:$0x4] =	wrdreg $0x132400  }
0xb1: {  	[dreg:$0x5] =	wrdreg $0x9  }
0xb2: {  	_ =	task.clear_ibuf [dreg:s7], $0x6FFFF;
	_ =	strace $0x90000046  }
0xb3: {  	s29 =	simm.s32 $0x9;
	_ =	strace $0x80000048  }
0xb4: {  	_ =	swait.ge [sflag:s29], $0x1  }
0xb5: {  	[sflag:s29] =	ssyncadd.s32 $0xFFFFFFFF  }
0xb6: {  	_ =	strace $0x90000048  }
0xb7: {  	_ =	sfence  }
0xb8: {  	s30 =	sld [smem:$0x0];
	_ =	sdelay $0x2  }
0xb9: {  	s31 =	sshll.u32 s1, $0xD;
	s1 =	sshrl.u32 s1, $0x2  }
0xba: {  	s3 =	sand.u32 $0x4000, s31;
	s1 =	sadd.s32 s1, s30  }
0xbb: {  	s0 =	sor.u32 s3, s0;
	s1 =	sshll.u32 s1, $0x11  }
0xbc: {  	s0 =	sor.u32 s1, s0  }
0xbd: {  	s0 =	sadd.s32 $0x8F2B, s0  }
0xbe: {  	[sflag:s0] =	ssyncadd.remote.s32 $0x1  }
0xbf: {  	_ =	sfence.sel $0xFFFF  }
0xc0: {  	[dreg:$0x0] =	wrdreg $0xFFFFFFFF;
	(pc) =	sbr.abs _section_cstart, $3  }
0xc1: {  	[dreg:$0x1] =	wrdreg $0xFFFFFFFF  }
0xc2: {  	_ =	task.clear_ibuf [dreg:s7], $0x2FFFF;
	_ =	strace $0x9FFFFFFF  }
0xc3: {  	(tm) =	ssettm $0x7FFFFFFF  }
tec
execute0_lowered:
.L_overlay_start_1:
0x0: {  	(tag) =	ssettag $0x1  }
0x1: {  	s4 =	rddreg [dreg:$0x0]  }
0x2: {  	s9 =	rddreg [dreg:$0x1]  }
0x3: {  	s2 =	rddreg [dreg:$0x2]  }
0x4: {  	s1 =	stileid.u32;
	s5 =	srdreg.scid  }
0x5: {  	s3 =	simm.s32 $0x0;
	s20 =	simm.s32 $0x1;
	s21 =	simm.s32 $0x2  }
0x6: {  	s22 =	simm.s32 $0x3;
	s10 =	smul.u32 $0x9C4, s1;
	s5 =	sand.u32 $0x1, s5  }
0x7: {  	[smem:$0x7FF] =	sst s3;
	s11 =	smul.u32 $0xC350, s1;
	s15 =	sadd.s32 $0x8AE00, s4  }
0x8: {  	s6 =	smul.u32 $0x186A0, s5;
	_ =	strace $0x80000047;
	s7 =	ssub.s32 $0x2, s5  }
0x9: {  	s17 =	smul.u32 $0xC3500, s5;
	s8 =	sadd.s32 s10, s4;
	s31 =	sshrl.u32 s7, $0x1  }
0xa: {  	s13 =	sadd.s32 $0x3200, s11;
	s14 =	sadd.s32 $0x6400, s11;
	s18 =	sadd.s32 $0x9600, s11  }
0xb: {  	s9 =	sadd.s32 s9, s10;
	s12 =	sadd.s32 s6, s4;
	s16 =	ssub.s32 s7, s31  }
0xc: {  	s4 =	sadd.s32 s11, s2;
	s5 =	sadd.s32 s13, s2;
	s6 =	sadd.s32 s14, s2  }
0xd: {  	s7 =	sadd.s32 s18, s2;
	s8 =	sadd.s32 $0x2000, s8;
	s11 =	sadd.s32 s11, s17  }
0xe: {  	s13 =	sadd.s32 s17, s13;
	s14 =	sadd.s32 s17, s14;
	s17 =	sadd.s32 s17, s18  }
.Ltmp0:
0xf: {  	s18 =	simm.s32 $0x4E20;
	s10 =	sadd.s32 $0x5A000, s12;
	(pc) =	sbr.rel .LBB2_1-.Ltmp0, $4  }
0x10: {  	s19 =	sshrl.u32 s11, $0x3;
	s11 =	sadd.s32 $0xBE00, s12;
	s13 =	sshrl.u32 s13, $0x3  }
0x11: {  	s14 =	sshrl.u32 s14, $0x3;
	s17 =	sshrl.u32 s17, $0x3;
	s16 =	smax.u32 s16, $0x1  }
0x12: {  	s12 =	sadd.s32 s15, s19;
	s13 =	sadd.s32 s15, s13;
	s14 =	sadd.s32 s15, s14  }
0x13: {  	v0 =	vimm.f32 $0.0e+00;
	s15 =	sadd.s32 s15, s17;
	s17 =	simm.s32 $0x4;
	s19 =	simm.s32 $0xA0  }
.LBB2_13:
0x14: {  	_ =	swait.ge [sflag:s20], $0x3200  }
0x15: {  	[sflag:s20] =	ssyncset.done $0x0  }
0x16: {  	[sflag:s20] =	ssyncadd.s32 $0xFFFFCE00  }
0x17: {  	_ =	swait.ge [sflag:s21], $0x3200  }
0x18: {  	[sflag:s21] =	ssyncset.done $0x0  }
0x19: {  	[sflag:s21] =	ssyncadd.s32 $0xFFFFCE00  }
0x1a: {  	_ =	swait.ge [sflag:s22], $0x3200  }
0x1b: {  	[sflag:s22] =	ssyncset.done $0x0  }
0x1c: {  	s0 =	sshll.u32 s1, $0x6;
	[sflag:s22] =	ssyncadd.s32 $0xFFFFCE00  }
0x1d: {  	s23 =	sshrl.u32 s4, $0x3;
	s0 =	sor.u32 $0x1C04, s0;
	[bflag:$0x0] =	sbarrier.arrive $0xFFFF  }
0x1e: {  	[hbm:s12], [sflag:s0] =	dma.local [spmem:s23], $0x640  }
0x1f: {  	_ =	swait.ge [sflag:s17], $0x640  }
0x20: {  	[sflag:s17] =	ssyncset.done $0x0  }
0x21: {  	s29 =	sshrl.u32 s5, $0x3;
	[sflag:s17] =	ssyncadd.s32 $0xFFFFF9C0  }
0x22: {  	[hbm:s13], [sflag:s0] =	dma.local [spmem:s29], $0x640  }
0x23: {  	_ =	swait.ge [sflag:s17], $0x640  }
0x24: {  	[sflag:s17] =	ssyncset.done $0x0  }
0x25: {  	s30 =	sshrl.u32 s6, $0x3;
	[sflag:s17] =	ssyncadd.s32 $0xFFFFF9C0  }
0x26: {  	[hbm:s14], [sflag:s0] =	dma.local [spmem:s30], $0x640  }
0x27: {  	s3 =	sadd.s32 $0x1, s3;
	_ =	swait.ge [sflag:s17], $0x640  }
0x28: {  	p0 =	sne.s32 s3, s16;
	[sflag:s17] =	ssyncset.done $0x0  }
.Ltmp1:
0x29: {  	s31 =	sshrl.u32 s7, $0x3;
	[sflag:s17] =	ssyncadd.s32 $0xFFFFF9C0;
	(pc) =	sbr.rel @!p0 .LBB2_14-.Ltmp1, $4  }
0x2a: {  	[hbm:s15], [sflag:s0] =	dma.local [spmem:s31], $0x5AA  }
0x2b: {  	_ =	swait.ge [sflag:s17], $0x5AA  }
0x2c: {  	[sflag:s17] =	ssyncset.done $0x0  }
0x2d: {  	[sflag:s17] =	ssyncadd.s32 $0xFFFFFA56  }
.LBB2_1:
0x2e: {  	s24 =	simm.s32 $0x140;
	s23 =	simm.s32 $0x0  }
.LBB2_2:
0x2f: {  	p0 =	sne.s32 s24, $0xC6C0;
	[tilespmem:s23+$0x9C80] =	vst v0;
	s25 =	smov.u32 s24;
	s24 =	sadd.s32 $0x140, s24  }
.Ltmp2:
0x30: {  	[tilespmem:s23+$0x9C70] =	vst v0;
	(pc) =	sbr.rel @p0 .LBB2_2-.Ltmp2, $4  }
0x31: {  	[tilespmem:s23+$0x9C60] =	vst v0  }
0x32: {  	[tilespmem:s23+$0x9C40] =	vst v0  }
0x33: {  	[tilespmem:s23+$0x9C50] =	vst v0  }
0x34: {  	s23 =	sshra.s32 s25, $0x2  }
0x35: {  	[tilespmem:s23+$0x9C80] =	vst v0  }
0x36: {  	[tilespmem:s23+$0x9C70] =	vst v0  }
0x37: {  	[tilespmem:s23+$0x9C60] =	vst v0  }
0x38: {  	[tilespmem:s23+$0x9C40] =	vst v0  }
0x39: {  	[tilespmem:s23+$0x9C50] =	vst v0;
	s23 =	simm.s32 $0x9C40  }
0x3a: {  	[spmem:s4] =	stream.linear.scatter [tilespmem:s23], [sflag:$0x4], $0x3200, $0x38;
	[tilespmem:$0x1F590] =	vst v63  }
0x3b: {  	_ =	swait.ge [sflag:s17], $0x3200  }
0x3c: {  	[sflag:s17] =	ssyncset.done $0x0  }
0x3d: {  	[sflag:s17] =	ssyncadd.s32 $0xFFFFCE00  }
0x3e: {  	[spmem:s5] =	stream.linear.scatter [tilespmem:s23], [sflag:$0x4], $0x3200, $0x38;
	[tilespmem:$0x1F590] =	vst v63  }
0x3f: {  	_ =	swait.ge [sflag:s17], $0x3200  }
0x40: {  	[sflag:s17] =	ssyncset.done $0x0  }
0x41: {  	[sflag:s17] =	ssyncadd.s32 $0xFFFFCE00  }
0x42: {  	[spmem:s6] =	stream.linear.scatter [tilespmem:s23], [sflag:$0x4], $0x3200, $0x38;
	[tilespmem:$0x1F590] =	vst v63  }
0x43: {  	_ =	swait.ge [sflag:s17], $0x3200  }
0x44: {  	[sflag:s17] =	ssyncset.done $0x0  }
0x45: {  	[sflag:s17] =	ssyncadd.s32 $0xFFFFCE00  }
0x46: {  	[spmem:s7] =	stream.linear.scatter [tilespmem:s23], [sflag:$0x4], $0x2D50, $0x38;
	[tilespmem:$0x1F590] =	vst v63  }
0x47: {  	_ =	swait.ge [sflag:s17], $0x2D50  }
0x48: {  	[sflag:s17] =	ssyncset.done $0x0  }
0x49: {  	[sflag:s17] =	ssyncadd.s32 $0xFFFFD2B0  }
0x4a: {  	s25 =	simm.s32 $0x0;
	[bflag:$0x0] =	sbarrier.arrive $0xFFFF  }
0x4b: {  	[tilespmem:s25], [sflag:$0x4] =	stream.linear.gather [hbm4b:s8+s25], $0x4E20, $0x38;
	[tilespmem:$0x1F590] =	vst v63  }
0x4c: {  	_ =	swait.ge [sflag:s17], $0x4E20  }
0x4d: {  	[sflag:s17] =	ssyncset.done $0x0  }
.Ltmp3:
0x4e: {  	[sflag:s17] =	ssyncadd.s32 $0xFFFFB1E0;
	(pc) =	sbr.rel .LBB2_4-.Ltmp3, $4  }
0x4f: {  	[tilespmem:s18], [sflag:$0x4] =	stream.linear.gather [hbm4b:s9+s25], $0x4E20, $0x38;
	[tilespmem:$0x1F590] =	vst v63  }
0x50: {  	_ =	swait.ge [sflag:s17], $0x4E20  }
0x51: {  	[sflag:s17] =	ssyncset.done $0x0  }
0x52: {  	s24 =	simm.s32 $0x1;
	[sflag:s17] =	ssyncadd.s32 $0xFFFFB1E0  }
.LBB2_12:
0x53: {  	p0 =	sne.s32 s26, $0x7F  }
.Ltmp4:
0x54: {  	_ = 	snop;
	(pc) =	sbr.rel @!p0 .LBB2_13-.Ltmp4, $2  }
0x55: {  	_ =	sdelay $0x2  }
0x56: {  	s23 =	sadd.s32 $0x3200, s23;
	s24 =	sadd.s32 $0x1, s24;
	s25 =	smov.u32 s26  }
.LBB2_4:
0x57: {  	s28 =	smul.u32 $0xAB, s25;
	_ =	sdelay $0x1  }
0x58: {  	s26 =	sshrl.u32 s28, $0x9  }
0x59: {  	s30 =	sadd.s32 $0xFFFFFFFD, s25;
	s26 =	sand.u32 $0x7F, s26  }
0x5a: {  	p0 =	sgt.u32 s30, $0x79;
	s26 =	smul.u32 $0x3, s26  }
.Ltmp5:
0x5b: {  	_ = 	snop;
	(pc) =	sbr.rel @p0 .LBB2_6-.Ltmp5, $4  }
0x5c: {  	_ = 	snop  }
0x5d: {  	s26 =	ssub.s32 s25, s26  }
0x5e: {  	s29 =	sand.u32 $0xFF, s26  }
0x5f: {  	s26 =	sadd.s32 $0x1, s29  }
.Ltmp6:
0x60: {  	(pc) =	sbr.rel .LBB2_7-.Ltmp6, $4  }
0x61: {  	_ = 	snop  }
0x62: {  	_ =	swait.ge [sflag:s26], $0x3200  }
0x63: {  	[sflag:s26] =	ssyncset.done $0x0  }
0x64: {  	[sflag:s26] =	ssyncadd.s32 $0xFFFFCE00  }
.LBB2_6:
0x65: {  	p0 =	sgt.u32 s25, $0x7C  }
.Ltmp7:
0x66: {  	_ = 	snop;
	(pc) =	sbr.rel @p0 .LBB2_8-.Ltmp7, $1  }
0x67: {  	_ =	sdelay $0x3  }
.LBB2_7:
0x68: {  	s30 =	smul.u32 $0x280, s25  }
0x69: {  	s29 =	smul.u32 $0xC800, s29;
	_ =	sdelay $0x1  }
0x6a: {  	s30 =	sshra.s32 s30, $0x2;
	s29 =	sshrl.u32 s29, $0x2  }
0x6b: {  	s30 =	sadd.s32 $0x4E20, s30;
	s29 =	sadd.s32 $0x9C40, s29  }
0x6c: {  	[tilespmem:s29], [sflag:s26] =	stream.indirect.gather [hbm4b:s10+s19], $0x50, s30, s19, $0xb8;
	[tilespmem:$0x1F590] =	vst v63  }
.LBB2_8:
0x6d: {  	s26 =	sadd.s32 $0x2, s25  }
0x6e: {  	s29 =	sand.u32 $0xFF, s26  }
0x6f: {  	s29 =	smul.u32 $0xAB, s29;
	_ =	sdelay $0x1  }
0x70: {  	s29 =	sshrl.u32 s29, $0x9  }
0x71: {  	p0 =	seq.s32 s25, $0x0;
	s29 =	smul.u32 $0x3, s29  }
0x72: {  	p1 =	seq.s32 @!p0 s25, $0x7E  }
0x73: {  	p0 =	por p1, p0;
	s26 =	ssub.s32 s26, s29  }
0x74: {  	s30 =	smul.u32 @!p0 $0x280, s25;
	s26 =	sand.u32 $0xFF, s26  }
0x75: {  	s29 =	sadd.s32 @!p0 $0x1, s26;
	s26 =	smul.u32 @!p0 $0xC800, s26  }
0x76: {  	s31 =	simm.s32 @!p0 $0xA0;
	_ =	swait.ge @!p0 [sflag:s29], $0x3200  }
0x77: {  	s30 =	sshra.s32 @!p0 s30, $0x2;
	[sflag:s29] =	ssyncset.done @!p0 $0x0;
	s26 =	sshrl.u32 @!p0 s26, $0x2  }
0x78: {  	s30 =	sadd.s32 @!p0 $0xFFFFFF60, s30;
	[sflag:s29] =	ssyncadd.s32 @!p0 $0xFFFFCE00;
	s26 =	sadd.s32 @!p0 $0x9C40, s26  }
0x79: {  	[tilespmem:s26], [sflag:s29] =	stream.indirect.gather.add.f32 @!p0 [hbm:s11], $0x50, s30, s31, $0xb8;
	[tilespmem:$0x1F590] =	vst v63  }
0x7a: {  	p0 =	slt.u32 s25, $0x2  }
.Ltmp8:
0x7b: {  	_ = 	snop;
	(pc) =	sbr.rel @p0 .LBB2_12-.Ltmp8, $2  }
0x7c: {  	_ =	sdelay $0x2  }
0x7d: {  	s26 =	sadd.s32 $0x1, s25  }
0x7e: {  	s29 =	smulhi.u32 $0xAAAAAAAB, s24  }
0x7f: {  	s28 =	sadd.s32 $0xAB, s28  }
0x80: {  	s28 =	sshrl.u32 s28, $0x9;
	s29 =	sshrl.u32 s29, $0x1  }
0x81: {  	s28 =	sand.u32 $0x7F, s28;
	s29 =	smul.u32 $0xFFFDA800, s29  }
0x82: {  	s28 =	smul.u32 $0x3, s28  }
0x83: {  	s29 =	sshra.s32 s29, $0x2  }
0x84: {  	s28 =	ssub.s32 s26, s28;
	s29 =	sadd.s32 s29, s23  }
0x85: {  	s30 =	sand.u32 $0xFF, s28;
	v1 =	vmov s29  }
0x86: {  	s28 =	sadd.s32 $0x1, s30  }
0x87: {  	_ =	swait.ge [sflag:s28], $0x3200  }
0x88: {  	[sflag:s28] =	ssyncset.done $0x0  }
0x89: {  	s29 =	simm.s32 $0x0;
	[sflag:s28] =	ssyncadd.s32 $0xFFFFCE00  }
0x8a: {  	v11 =	vld.idx.msk [tilespmem:v1+s29+$0x3290 ss:$0x1], $0xffff  }
0x8b: {  	v15 =	vld.idx.msk [tilespmem:v1+s29+$0x32C0 ss:$0x1], $0xffff  }
0x8c: {  	v2 =	vld.idx.msk [tilespmem:v1+s29+$0x3320 ss:$0x1], $0xffff  }
0x8d: {  	v3 =	vld.idx.msk [tilespmem:v1+s29+$0x32F0 ss:$0x1], $0xffff  }
0x8e: {  	v12 =	vld.idx.msk [tilespmem:v1+s29+$0x32A0 ss:$0x1], $0xffff  }
0x8f: {  	v10 =	vld.idx.msk [tilespmem:v1+s29+$0x3280 ss:$0x1], $0xffff  }
0x90: {  	v8 =	vld.idx.msk [tilespmem:v1+s29+$0x3260 ss:$0x1], $0xffff  }
0x91: {  	v14 =	vld.idx.msk [tilespmem:v1+s29+$0x3250 ss:$0x1], $0xffff  }
0x92: {  	v9 =	vld.idx.msk [tilespmem:v1+s29+$0x3270 ss:$0x1], $0xffff  }
0x93: {  	v13 =	vld.idx.msk [tilespmem:v1+s29+$0x3240 ss:$0x1], $0xffff  }
0x94: {  	v16 =	vld.idx.msk [tilespmem:v1+s29+$0x3230 ss:$0x1], $0xffff  }
0x95: {  	v17 =	vld.idx.msk [tilespmem:v1+s29+$0x3220 ss:$0x1], $0xffff  }
0x96: {  	v18 =	vld.idx.msk [tilespmem:v1+s29+$0x3210 ss:$0x1], $0xffff  }
0x97: {  	v4 =	vld.idx.msk [tilespmem:v1+s29+$0x3200 ss:$0x1], $0xffff  }
0x98: {  	v19 =	vld.idx.msk [tilespmem:v1+s29+$0x32D0 ss:$0x1], $0xffff  }
0x99: {  	v7 =	vld.idx.msk [tilespmem:v1+s29+$0x32E0 ss:$0x1], $0xffff  }
0x9a: {  	v20 =	vld.idx.msk [tilespmem:v1+s29+$0x32B0 ss:$0x1], $0xffff  }
0x9b: {  	v5 =	vld.idx.msk [tilespmem:v1+s29+$0x3310 ss:$0x1], $0xffff  }
0x9c: {  	v6 =	vld.idx.msk [tilespmem:v1+s29+$0x3300 ss:$0x1], $0xffff;
	v21 =	vmax.f32 v4, $0.0e+00  }
0x9d: {  	v4 =	vld.idx.msk [tilespmem:v1+s29+$0x3330 ss:$0x1], $0xffff;
	v18 =	vmax.f32 v18, $0.0e+00;
	[tilespmem:v1+s29+$0x3200 ss:$0x1] =	vst.idx.msk $0xffff, v21  }
0x9e: {  	v17 =	vmax.f32 v17, $0.0e+00;
	[tilespmem:v1+s29+$0x3210 ss:$0x1] =	vst.idx.msk $0xffff, v18  }
0x9f: {  	s30 =	smul.u32 $0xC800, s30;
	v8 =	vmax.f32 v8, $0.0e+00;
	v16 =	vmax.f32 v16, $0.0e+00;
	[tilespmem:v1+s29+$0x3220 ss:$0x1] =	vst.idx.msk $0xffff, v17  }
0xa0: {  	v9 =	vmax.f32 v9, $0.0e+00;
	v10 =	vmax.f32 v10, $0.0e+00;
	v17 =	vmax.f32 v13, $0.0e+00;
	[tilespmem:v1+s29+$0x3230 ss:$0x1] =	vst.idx.msk $0xffff, v16  }
0xa1: {  	s30 =	sshrl.u32 s30, $0x2;
	v11 =	vmax.f32 v11, $0.0e+00;
	v15 =	vmax.f32 v15, $0.0e+00;
	v16 =	vmax.f32 v14, $0.0e+00;
	[tilespmem:v1+s29+$0x3240 ss:$0x1] =	vst.idx.msk $0xffff, v17  }
0xa2: {  	s31 =	simm.s32 $0x500;
	s30 =	sadd.s32 $0x9C40, s30;
	v13 =	vmax.f32 v12, $0.0e+00;
	v12 =	vmax.f32 v19, $0.0e+00;
	v14 =	vmax.f32 v20, $0.0e+00;
	[tilespmem:v1+s29+$0x3250 ss:$0x1] =	vst.idx.msk $0xffff, v16  }
.LBB2_10:
0xa3: {  	p0 =	sne.s32 s31, $0xC300;
	[tilespmem:v1+s29+$0x3260 ss:$0x1] =	vst.idx.msk $0xffff, v8;
	s0 =	smov.u32 s31;
	s31 =	sadd.s32 $0x500, s31  }
0xa4: {  	[tilespmem:v1+s29+$0x3270 ss:$0x1] =	vst.idx.msk $0xffff, v9  }
0xa5: {  	[tilespmem:v1+s29+$0x3280 ss:$0x1] =	vst.idx.msk $0xffff, v10  }
0xa6: {  	v7 =	vmax.f32 v7, $0.0e+00;
	[tilespmem:v1+s29+$0x3290 ss:$0x1] =	vst.idx.msk $0xffff, v11  }
0xa7: {  	[tilespmem:v1+s29+$0x32A0 ss:$0x1] =	vst.idx.msk $0xffff, v13  }
0xa8: {  	[tilespmem:v1+s29+$0x32B0 ss:$0x1] =	vst.idx.msk $0xffff, v14  }
0xa9: {  	[tilespmem:v1+s29+$0x32C0 ss:$0x1] =	vst.idx.msk $0xffff, v15  }
0xaa: {  	v3 =	vmax.f32 v3, $0.0e+00;
	v6 =	vmax.f32 v6, $0.0e+00;
	[tilespmem:v1+s29+$0x32D0 ss:$0x1] =	vst.idx.msk $0xffff, v12  }
0xab: {  	v5 =	vmax.f32 v5, $0.0e+00;
	[tilespmem:v1+s29+$0x32E0 ss:$0x1] =	vst.idx.msk $0xffff, v7  }
0xac: {  	[tilespmem:v1+s29+$0x32F0 ss:$0x1] =	vst.idx.msk $0xffff, v3  }
0xad: {  	v2 =	vmax.f32 v2, $0.0e+00;
	[tilespmem:v1+s29+$0x3300 ss:$0x1] =	vst.idx.msk $0xffff, v6  }
0xae: {  	v3 =	vmax.f32 v4, $0.0e+00;
	[tilespmem:v1+s29+$0x3310 ss:$0x1] =	vst.idx.msk $0xffff, v5  }
0xaf: {  	[tilespmem:v1+s29+$0x3320 ss:$0x1] =	vst.idx.msk $0xffff, v2  }
0xb0: {  	[tilespmem:v1+s29+$0x3330 ss:$0x1] =	vst.idx.msk $0xffff, v3;
	s29 =	sshra.s32 s0, $0x2  }
0xb1: {  	v4 =	vld.idx.msk [tilespmem:v1+s29+$0x3290 ss:$0x1], $0xffff  }
0xb2: {  	v15 =	vld.idx.msk [tilespmem:v1+s29+$0x32C0 ss:$0x1], $0xffff  }
0xb3: {  	v2 =	vld.idx.msk [tilespmem:v1+s29+$0x3320 ss:$0x1], $0xffff  }
0xb4: {  	v3 =	vld.idx.msk [tilespmem:v1+s29+$0x32F0 ss:$0x1], $0xffff  }
0xb5: {  	v12 =	vld.idx.msk [tilespmem:v1+s29+$0x32A0 ss:$0x1], $0xffff  }
0xb6: {  	v5 =	vld.idx.msk [tilespmem:v1+s29+$0x3280 ss:$0x1], $0xffff  }
0xb7: {  	v6 =	vld.idx.msk [tilespmem:v1+s29+$0x3260 ss:$0x1], $0xffff  }
0xb8: {  	v14 =	vld.idx.msk [tilespmem:v1+s29+$0x3250 ss:$0x1], $0xffff  }
0xb9: {  	v7 =	vld.idx.msk [tilespmem:v1+s29+$0x3270 ss:$0x1], $0xffff  }
0xba: {  	v11 =	vld.idx.msk [tilespmem:v1+s29+$0x3240 ss:$0x1], $0xffff  }
0xbb: {  	v16 =	vld.idx.msk [tilespmem:v1+s29+$0x3230 ss:$0x1], $0xffff  }
0xbc: {  	v13 =	vld.idx.msk [tilespmem:v1+s29+$0x3220 ss:$0x1], $0xffff  }
0xbd: {  	v8 =	vmax.f32 v6, $0.0e+00;
	v17 =	vld.idx.msk [tilespmem:v1+s29+$0x3210 ss:$0x1], $0xffff  }
0xbe: {  	v18 =	vld.idx.msk [tilespmem:v1+s29+$0x3200 ss:$0x1], $0xffff  }
0xbf: {  	v9 =	vmax.f32 v7, $0.0e+00;
	v19 =	vld.idx.msk [tilespmem:v1+s29+$0x32D0 ss:$0x1], $0xffff  }
0xc0: {  	v7 =	vld.idx.msk [tilespmem:v1+s29+$0x32E0 ss:$0x1], $0xffff  }
0xc1: {  	v20 =	vld.idx.msk [tilespmem:v1+s29+$0x32B0 ss:$0x1], $0xffff  }
0xc2: {  	v10 =	vmax.f32 v5, $0.0e+00;
	v5 =	vld.idx.msk [tilespmem:v1+s29+$0x3310 ss:$0x1], $0xffff  }
0xc3: {  	v21 =	vmax.f32 v11, $0.0e+00;
	v11 =	vmax.f32 v4, $0.0e+00;
	v6 =	vld.idx.msk [tilespmem:v1+s29+$0x3300 ss:$0x1], $0xffff  }
0xc4: {  	v17 =	vmax.f32 v17, $0.0e+00;
	v18 =	vmax.f32 v18, $0.0e+00;
	v4 =	vld.idx.msk [tilespmem:v1+s29+$0x3330 ss:$0x1], $0xffff  }
0xc5: {  	v22 =	vmax.f32 v13, $0.0e+00;
	v13 =	vmax.f32 v12, $0.0e+00;
	v12 =	vmax.f32 v19, $0.0e+00;
	[tilespmem:v1+s29+$0x3200 ss:$0x1] =	vst.idx.msk $0xffff, v18  }
.Ltmp9:
0xc6: {  	v16 =	vmax.f32 v16, $0.0e+00;
	[tilespmem:v1+s29+$0x3210 ss:$0x1] =	vst.idx.msk $0xffff, v17;
	(pc) =	sbr.rel @p0 .LBB2_10-.Ltmp9, $4  }
0xc7: {  	v17 =	vmax.f32 v14, $0.0e+00;
	v14 =	vmax.f32 v20, $0.0e+00;
	[tilespmem:v1+s29+$0x3220 ss:$0x1] =	vst.idx.msk $0xffff, v22  }
0xc8: {  	[tilespmem:v1+s29+$0x3230 ss:$0x1] =	vst.idx.msk $0xffff, v16  }
0xc9: {  	[tilespmem:v1+s29+$0x3240 ss:$0x1] =	vst.idx.msk $0xffff, v21  }
0xca: {  	v15 =	vmax.f32 v15, $0.0e+00;
	[tilespmem:v1+s29+$0x3250 ss:$0x1] =	vst.idx.msk $0xffff, v17  }
0xcb: {  	_ =	sdelay $0x3  }
0xcc: {  	[tilespmem:v1+s29+$0x3260 ss:$0x1] =	vst.idx.msk $0xffff, v8  }
0xcd: {  	[tilespmem:v1+s29+$0x3270 ss:$0x1] =	vst.idx.msk $0xffff, v9  }
0xce: {  	[tilespmem:v1+s29+$0x3280 ss:$0x1] =	vst.idx.msk $0xffff, v10  }
0xcf: {  	[tilespmem:v1+s29+$0x3290 ss:$0x1] =	vst.idx.msk $0xffff, v11  }
0xd0: {  	[tilespmem:v1+s29+$0x32A0 ss:$0x1] =	vst.idx.msk $0xffff, v13  }
0xd1: {  	[tilespmem:v1+s29+$0x32B0 ss:$0x1] =	vst.idx.msk $0xffff, v14  }
0xd2: {  	[tilespmem:v1+s29+$0x32C0 ss:$0x1] =	vst.idx.msk $0xffff, v15  }
0xd3: {  	v7 =	vmax.f32 v7, $0.0e+00;
	[tilespmem:v1+s29+$0x32D0 ss:$0x1] =	vst.idx.msk $0xffff, v12  }
0xd4: {  	v3 =	vmax.f32 v3, $0.0e+00;
	[tilespmem:v1+s29+$0x32E0 ss:$0x1] =	vst.idx.msk $0xffff, v7  }
0xd5: {  	v6 =	vmax.f32 v6, $0.0e+00;
	s0 =	smul.u32 $0x280, s25;
	[tilespmem:v1+s29+$0x32F0 ss:$0x1] =	vst.idx.msk $0xffff, v3  }
.Ltmp10:
0xd6: {  	v3 =	vmax.f32 v5, $0.0e+00;
	[tilespmem:v1+s29+$0x3300 ss:$0x1] =	vst.idx.msk $0xffff, v6;
	(pc) =	sbr.rel .LBB2_12-.Ltmp10, $4  }
0xd7: {  	v2 =	vmax.f32 v2, $0.0e+00;
	[tilespmem:v1+s29+$0x3310 ss:$0x1] =	vst.idx.msk $0xffff, v3  }
0xd8: {  	s0 =	sshra.s32 s0, $0x2;
	v3 =	vmax.f32 v4, $0.0e+00;
	[tilespmem:v1+s29+$0x3320 ss:$0x1] =	vst.idx.msk $0xffff, v2  }
0xd9: {  	s0 =	sadd.s32 $0x4CE0, s0;
	[tilespmem:v1+s29+$0x3330 ss:$0x1] =	vst.idx.msk $0xffff, v3  }
0xda: {  	[spmem:s2] =	stream.indirect.scatter.add.f32 [tilespmem:s30], [sflag:s28], $0x50, s0, s19, $0xb8;
	[tilespmem:$0x1F590] =	vst v63  }
.LBB2_14:
0xdb: {  	_ =	sfence.sel $0x180000  }
0xdc: {  	[bflag:$0x0] =	sbarrier.arrive $0xFFFF  }
0xdd: {  	_ =	strace $0x90000047  }
0xde: {  	[bflag:$0x2] =	sbarrier.arrive $0xFFFF  }
0xdf: {  	p0 =	sne.s32 s1, $0x0;
	s0 =	rddreg [dreg:$0x3]  }
0xe0: {  	s0 =	sadd.s32 @!p0 $0x100000, s0  }
0xe1: {  	[sflag:s0] =	ssyncadd.tile.s32 @!p0 $0x1;
	_ =	shalt  }
.Lfunc_end2:
_tile_overlayer_lowered:
.L_overlay_start_2:
0xe2: {  	(tag) =	ssettag $0x2  }
0xe3: {  	s0 =	rddreg [dreg:$0x0];
	s2 =	stileid.u32  }
0xe4: {  	s1 =	rddreg [dreg:$0x1];
	p0 =	sne.s32 s2, $0x0  }
0xe5: {  	s3 =	rddreg [dreg:$0x2];
	[bflag:$0x3] =	sbarrier.arrive $0xFFFF;
	s2 =	simm.s32 @!p0 $0x1C04  }
0xe6: {  	[timem:s3], [sflag:s2] =	dma.local @!p0 [hbm:s0], s1  }
0xe7: {  	s0 =	simm.s32 @!p0 $0x4  }
0xe8: {  	_ =	swait.ge @!p0 [sflag:s0], s1  }
0xe9: {  	s1 =	ssub.s32 @!p0 $0x0, s1;
	[sflag:s0] =	ssyncset.done @!p0 $0x0  }
0xea: {  	[sflag:s0] =	ssyncadd.s32 @!p0 s1  }
0xeb: {  	[bflag:$0x3] =	sbarrier.arrive $0xFFFF  }
0xec: {  	_ =	shalt  }

</sc_bundles>
